<compile_context>
chip_gen: v7x
topology: tpu7x:2x2x1
jax: 0.10.2.dev20260603
libtpu: 0.0.44.dev20260713+nightly
codegen_flags: <defaults>
</compile_context>

<pallas_src>
import functools

import jax
import jax.numpy as jnp
from jax import lax
from jax.experimental import pallas as pl
from jax.experimental.pallas import tpu as pltpu
from jax.experimental.pallas import tpu_sc as plsc

N = 10000
E = 320000
IN_SIZE = 128
HID = 16
HEADS = 8
OUT_SIZE = 16

NP = 10112
K = 128
NCHUNK = E // K
NW = 32
CPW = -(-NCHUNK // NW)
CPW1 = -(-NCHUNK // 16)
D1 = 80
D2 = 32
TAB1 = 40016
TAB2 = 10016


def _edge_pass_l1(idx2, packed, adst_tab, zinit):
  mesh = plsc.VectorSubcoreMesh(core_axis_name="c", subcore_axis_name="s")

  @functools.partial(
      pl.kernel,
      out_type=jax.ShapeDtypeStruct((2, NP, D1), jnp.float32),
      mesh=mesh,
      scratch_types=[
          pltpu.VMEM((2 * K,), jnp.int32),
          pltpu.VMEM((K,), jnp.int32),
          pltpu.VMEM((K,), jnp.int32),
          pltpu.VMEM((K, D1), jnp.float32),
          pltpu.VMEM((K, D1), jnp.float32),
          pltpu.VMEM((TAB1,), jnp.float32),
          pltpu.VMEM_SHARED((NP, D1), jnp.float32),
          pltpu.SemaphoreType.DMA,
      ],
      compiler_params=pltpu.CompilerParams(
          needs_layout_passes=False, use_tc_tiling_on_sc=False),
  )
  def kern(idx2_hbm, packed_hbm, adst_hbm, zero_hbm, out_hbm,
           comb_v, src2_v, dst_v, rows_v, stage_v, tab_v, acc_sh, sem):
    cid = lax.axis_index("c")
    sid = lax.axis_index("s")
    rpw = NP // 16
    pltpu.sync_copy(zero_hbm.at[pl.ds(sid * rpw, rpw)],
                    acc_sh.at[pl.ds(sid * rpw, rpw)])
    pltpu.sync_copy(adst_hbm.at[pl.ds(cid * TAB1, TAB1)], tab_v)
    plsc.subcore_barrier()
    iota = lax.iota(jnp.int32, 16)
    lane_lt4 = iota < 4
    row_off = cid * N

    def chunk_body(i, carry):
      chunk = sid + 16 * i

      @pl.when(chunk < NCHUNK)
      def _():
        pltpu.sync_copy(idx2_hbm.at[chunk], comb_v)
        for t in range(K // 16):
          src2_v[pl.ds(t * 16, 16)] = comb_v[pl.ds(t * 16, 16)] + row_off
          dst_v[pl.ds(t * 16, 16)] = comb_v[pl.ds(K + t * 16, 16)]
        pltpu.async_copy(packed_hbm.at[src2_v], rows_v, sem).wait()

        def group(g, c2):
          dstg = dst_v[pl.ds(g * 16, 16)]
          d4 = dstg * 4
          for k in range(16):
            e = g * 16 + k
            db = jnp.take_along_axis(
                d4, jnp.full((16,), k, jnp.int32), axis=0,
                mode="promise_in_bounds")
            adstv = plsc.load_gather(tab_v, [db + iota])
            asrcv = rows_v[e, pl.ds(0, 16)]
            z = asrcv + adstv
            z = jnp.maximum(z, z * 0.2)
            w = jnp.where(lane_lt4, jnp.exp(z), 0.0)
            stage_v[e, pl.ds(0, 16)] = w
            for j in range(4):
              bj = jnp.take_along_axis(
                  w, jnp.full((16,), j, jnp.int32), axis=0,
                  mode="promise_in_bounds")
              stage_v[e, pl.ds(16 + j * 16, 16)] = (
                  rows_v[e, pl.ds(16 + j * 16, 16)] * bj)
          return c2

        lax.fori_loop(0, K // 16, group, 0)
        pltpu.sync_copy(stage_v, acc_sh.at[dst_v], add=True)

      return carry

    lax.fori_loop(0, CPW1, chunk_body, 0)
    plsc.subcore_barrier()
    pltpu.sync_copy(acc_sh.at[pl.ds(sid * rpw, rpw)],
                    out_hbm.at[cid, pl.ds(sid * rpw, rpw)])

  return kern(idx2, packed, adst_tab, zinit)


def _edge_pass_l2(idx2, packed, adst_tab, zinit):
  mesh = plsc.VectorSubcoreMesh(core_axis_name="c", subcore_axis_name="s")

  @functools.partial(
      pl.kernel,
      out_type=jax.ShapeDtypeStruct((2, NP, D2), jnp.float32),
      mesh=mesh,
      scratch_types=[
          pltpu.VMEM((2 * K,), jnp.int32),
          pltpu.VMEM((K,), jnp.int32),
          pltpu.VMEM((K,), jnp.int32),
          pltpu.VMEM((K, D2), jnp.float32),
          pltpu.VMEM((K, D2), jnp.float32),
          pltpu.VMEM((TAB2,), jnp.float32),
          pltpu.VMEM_SHARED((NP, D2), jnp.float32),
          pltpu.SemaphoreType.DMA,
      ],
      compiler_params=pltpu.CompilerParams(
          needs_layout_passes=False, use_tc_tiling_on_sc=False),
  )
  def kern(idx2_hbm, packed_hbm, adst_hbm, zero_hbm, out_hbm,
           comb_v, src_v, dst_v, rows_v, stage_v, tab_v, acc_sh, sem):
    cid = lax.axis_index("c")
    sid = lax.axis_index("s")
    wid = sid * 2 + cid
    rpw = NP // 16
    pltpu.sync_copy(zero_hbm.at[pl.ds(sid * rpw, rpw)],
                    acc_sh.at[pl.ds(sid * rpw, rpw)])
    pltpu.sync_copy(adst_hbm, tab_v)
    plsc.subcore_barrier()
    iota = lax.iota(jnp.int32, 16)

    def chunk_body(i, carry):
      chunk = wid + NW * i

      @pl.when(chunk < NCHUNK)
      def _():
        pltpu.sync_copy(idx2_hbm.at[chunk], comb_v)
        for t in range(K // 16):
          src_v[pl.ds(t * 16, 16)] = comb_v[pl.ds(t * 16, 16)]
          dst_v[pl.ds(t * 16, 16)] = comb_v[pl.ds(K + t * 16, 16)]
        pltpu.async_copy(packed_hbm.at[src_v], rows_v, sem).wait()

        def group(g, c2):
          e16 = g * 16 + iota
          dstg = dst_v[pl.ds(g * 16, 16)]
          adstv = plsc.load_gather(tab_v, [dstg])
          asrcv = plsc.load_gather(
              rows_v, [e16, jnp.full((16,), 16, jnp.int32)])
          z = asrcv + adstv
          z = jnp.maximum(z, z * 0.2)
          w = jnp.exp(z)
          plsc.store_scatter(
              stage_v, [e16, jnp.full((16,), 16, jnp.int32)], w)
          for k in range(16):
            e = g * 16 + k
            bk = jnp.take_along_axis(
                w, jnp.full((16,), k, jnp.int32), axis=0,
                mode="promise_in_bounds")
            stage_v[e, pl.ds(0, 16)] = rows_v[e, pl.ds(0, 16)] * bk
          return c2

        lax.fori_loop(0, K // 16, group, 0)
        pltpu.sync_copy(stage_v, acc_sh.at[dst_v], add=True)

      return carry

    lax.fori_loop(0, CPW, chunk_body, 0)
    plsc.subcore_barrier()
    pltpu.sync_copy(acc_sh.at[pl.ds(sid * rpw, rpw)],
                    out_hbm.at[cid, pl.ds(sid * rpw, rpw)])

  return kern(idx2, packed, adst_tab, zinit)


def _prep1(x, W1, Asrc, Adst, R8):
  def body(x_ref, w1_ref, as_ref, ad_ref, r8_ref,
           packed_ref, adst_ref, self_ref):
    h = jnp.dot(x_ref[...], w1_ref[...], preferred_element_type=jnp.float32)
    asrc = jnp.dot(h, as_ref[...], preferred_element_type=jnp.float32)
    adst = jnp.dot(h, ad_ref[...], preferred_element_type=jnp.float32)
    z = asrc + adst
    w = jnp.exp(jnp.maximum(z, 0.2 * z))
    wrep = jnp.dot(w, r8_ref[...], preferred_element_type=jnp.float32)
    zpad = jnp.zeros((h.shape[0], 12), jnp.float32)
    for q in range(2):
      packed_ref[q, :, 0:4] = asrc[:, 4 * q:4 * q + 4]
      packed_ref[q, :, 4:16] = zpad
      packed_ref[q, :, 16:80] = h[:, 64 * q:64 * q + 64]
    self_ref[:, 0:128] = h * wrep
    self_ref[:, 128:136] = asrc * 0.0 + w
    self_ref[:, 136:144] = jnp.zeros_like(w)
    adst_ref[...] = adst

  return pl.pallas_call(
      body,
      out_shape=[
          jax.ShapeDtypeStruct((2, N, D1), jnp.float32),
          jax.ShapeDtypeStruct((N, HEADS), jnp.float32),
          jax.ShapeDtypeStruct((N, 144), jnp.float32),
      ],
  )(x, W1, Asrc, Adst, R8)


def _prep2(p0, p1, si1, b1, W2, att_s2, att_d2, R8):
  def body(p0_ref, p1_ref, si_ref, b1_ref, w2_ref, as_ref, ad_ref, r8_ref,
           packed_ref, adst_ref, self_ref):
    p0 = p0_ref[...]
    p1 = p1_ref[...]
    si = si_ref[...]
    m = jnp.concatenate([p0[:, 16:80], p1[:, 16:80]], axis=1) + si[:, 0:128]
    s = jnp.concatenate([p0[:, 0:4], p1[:, 0:4]], axis=1) + si[:, 128:136]
    srep = jnp.dot(s, r8_ref[...], preferred_element_type=jnp.float32)
    o1 = m / (srep + 1e-16) + b1_ref[...]
    e1 = jnp.where(o1 > 0, o1, jnp.exp(o1) - 1.0)
    h2 = jnp.dot(e1, w2_ref[...], preferred_element_type=jnp.float32)
    as2 = jnp.sum(h2 * as_ref[...], axis=1, keepdims=True)
    ad2 = jnp.sum(h2 * ad_ref[...], axis=1, keepdims=True)
    z = as2 + ad2
    w = jnp.exp(jnp.maximum(z, 0.2 * z))
    zpad = jnp.zeros((h2.shape[0], 15), jnp.float32)
    packed_ref[:, 0:16] = h2
    packed_ref[:, 16:17] = as2
    packed_ref[:, 17:32] = zpad
    self_ref[:, 0:16] = h2 * w
    self_ref[:, 16:17] = w
    self_ref[:, 17:32] = zpad
    adst_ref[...] = ad2

  return pl.pallas_call(
      body,
      out_shape=[
          jax.ShapeDtypeStruct((N, D2), jnp.float32),
          jax.ShapeDtypeStruct((N, 1), jnp.float32),
          jax.ShapeDtypeStruct((N, D2), jnp.float32),
      ],
  )(p0, p1, si1, b1, W2, att_s2, att_d2, R8)


def _final(q0, q1, si2, b2):
  def body(q0_ref, q1_ref, si_ref, b2_ref, out_ref):
    acc = q0_ref[...] + q1_ref[...] + si_ref[...]
    o = acc[:, 0:16] / (acc[:, 16:17] + 1e-16) + b2_ref[...]
    mx = jnp.max(o, axis=1, keepdims=True)
    lse = jnp.log(jnp.sum(jnp.exp(o - mx), axis=1, keepdims=True))
    out_ref[...] = o - mx - lse

  return pl.pallas_call(
      body,
      out_shape=jax.ShapeDtypeStruct((N, OUT_SIZE), jnp.float32),
  )(q0, q1, si2, b2)


def kernel(x, edge_index, W1, att_src1, att_dst1, b1, W2, att_src2, att_dst2,
           b2):
  idx2 = jnp.concatenate([
      edge_index[0].astype(jnp.int32).reshape(NCHUNK, 1, K),
      edge_index[1].astype(jnp.int32).reshape(NCHUNK, 1, K),
  ], axis=1).reshape(NCHUNK, 2 * K)

  eye8 = jnp.eye(HEADS, dtype=jnp.float32)
  Asrc = (att_src1[:, :, None] * eye8[:, None, :]).reshape(IN_SIZE, HEADS)
  Adst = (att_dst1[:, :, None] * eye8[:, None, :]).reshape(IN_SIZE, HEADS)
  R8 = jnp.kron(eye8, jnp.ones((1, HID), jnp.float32))

  packed1, adst1, si1 = _prep1(x, W1, Asrc, Adst, R8)
  tab1 = jnp.concatenate([
      jnp.pad(adst1[:, 0:4].reshape(-1), (0, TAB1 - N * 4)),
      jnp.pad(adst1[:, 4:8].reshape(-1), (0, TAB1 - N * 4)),
  ])
  z1 = jnp.zeros((NP, D1), jnp.float32)
  acc1 = _edge_pass_l1(idx2, packed1.reshape(2 * N, D1), tab1, z1)

  packed2, adst2, si2 = _prep2(
      acc1[0, :N], acc1[1, :N], si1, b1.reshape(1, IN_SIZE), W2,
      att_src2, att_dst2, R8)
  tab2 = jnp.pad(adst2.reshape(-1), (0, TAB2 - N))
  z2 = jnp.zeros((NP, D2), jnp.float32)
  acc2 = _edge_pass_l2(idx2, packed2, tab2, z2)

  return _final(acc2[0, :N], acc2[1, :N], si2, b2.reshape(1, OUT_SIZE))

# --- scband reference (transcript-rebuilt; emitter-appended) ---
"""Pipeline reference for scband-gat-20916490731923 (READ-ONLY COPY).

The authoritative reference and input builder live on the scoring server;
editing this copy changes nothing except your own understanding.
"""

import jax, jax.numpy as jnp
import numpy as np

N_NODES = 10000
N_EDGES = 320000
IN_SIZE = 128
HIDDEN = 16
HEADS = 8
OUT_SIZE = 16


def setup_inputs(seed: int = 0) -> dict:
    key = jax.random.key(seed)
    ks = jax.random.split(key, 12)
    x = jax.random.normal(ks[0], (N_NODES, IN_SIZE), dtype=jnp.float32)
    edge_index = jax.random.randint(ks[1], (2, N_EDGES), 0, N_NODES, dtype=jnp.int64)
    s1 = 1.0 / np.sqrt(IN_SIZE)
    W1 = jax.random.uniform(ks[2], (IN_SIZE, HEADS * HIDDEN), dtype=jnp.float32, minval=-s1, maxval=s1)
    att_src1 = jax.random.normal(ks[3], (HEADS, HIDDEN), dtype=jnp.float32) * 0.1
    att_dst1 = jax.random.normal(ks[4], (HEADS, HIDDEN), dtype=jnp.float32) * 0.1
    b1 = jnp.zeros((HEADS * HIDDEN,), dtype=jnp.float32)
    s2 = 1.0 / np.sqrt(HEADS * HIDDEN)
    W2 = jax.random.uniform(ks[5], (HEADS * HIDDEN, 1 * OUT_SIZE), dtype=jnp.float32, minval=-s2, maxval=s2)
    att_src2 = jax.random.normal(ks[6], (1, OUT_SIZE), dtype=jnp.float32) * 0.1
    att_dst2 = jax.random.normal(ks[7], (1, OUT_SIZE), dtype=jnp.float32) * 0.1
    b2 = jnp.zeros((OUT_SIZE,), dtype=jnp.float32)
    return {"x": x, "edge_index": edge_index, "W1": W1, "att_src1": att_src1, "att_dst1": att_dst1, "b1": b1, "W2": W2, "att_src2": att_src2, "att_dst2": att_dst2, "b2": b2}


def _gat_conv(x, src, dst, W, att_src, att_dst, bias, heads, out_ch, concat):
    N = x.shape[0]
    h = (x @ W).reshape(N, heads, out_ch)
    a_src = (h * att_src[None, :, :]).sum(-1)  # [N, H]
    a_dst = (h * att_dst[None, :, :]).sum(-1)  # [N, H]
    e = jax.nn.leaky_relu(a_src[src] + a_dst[dst], negative_slope=0.2)  # [E, H]
    m = jax.ops.segment_max(e, dst, num_segments=N)
    m = jnp.where(jnp.isfinite(m), m, 0.0)
    e = jnp.exp(e - m[dst])
    s = jax.ops.segment_sum(e, dst, num_segments=N)
    alpha = e / (s[dst] + 1e-16)
    msg = h[src] * alpha[:, :, None]
    out = jax.ops.segment_sum(msg, dst, num_segments=N)
    if concat:
        out = out.reshape(N, heads * out_ch)
    else:
        out = out.mean(axis=1)
    return out + bias


def reference(x, edge_index, W1, att_src1, att_dst1, b1, W2, att_src2, att_dst2, b2):
    N = x.shape[0]
    # PyG GATConv adds self-loops by default
    loop = jnp.arange(N, dtype=edge_index.dtype)
    src = jnp.concatenate([edge_index[0], loop])
    dst = jnp.concatenate([edge_index[1], loop])
    h = _gat_conv(x, src, dst, W1, att_src1, att_dst1, b1, HEADS, HIDDEN, True)
    h = jax.nn.elu(h)
    # dropout p=0.6 is identity in eval mode
    out = _gat_conv(h, src, dst, W2, att_src2, att_dst2, b2, 1, OUT_SIZE, False)
    return jax.nn.log_softmax(out, axis=1)

if __name__ == "__main__":
    import jax
    _d = setup_inputs()
    print(jax.jit(kernel)(*tuple(_d.values())))

</pallas_src>

<mosaic_0001>
#map = affine_map<(d0, d1) -> (0, 0)>
#map1 = affine_map<(d0, d1) -> (0)>
#map2 = affine_map<(d0, d1) -> (0, 0, 0)>
module attributes {stable_mosaic.version = 14 : i64} {
  func.func @kern(%arg0: i32, %arg1: i32, %arg2: memref<2500x256xi32, #tpu.memory_space<hbm>>, %arg3: memref<10000x32xf32, #tpu.memory_space<hbm>>, %arg4: memref<10016xf32, #tpu.memory_space<hbm>>, %arg5: memref<10112x32xf32, #tpu.memory_space<hbm>>, %arg6: memref<2x10112x32xf32, #tpu.memory_space<hbm>>, %arg7: memref<256xi32, #tpu.memory_space<vmem>>, %arg8: memref<128xi32, #tpu.memory_space<vmem>>, %arg9: memref<128xi32, #tpu.memory_space<vmem>>, %arg10: memref<128x32xf32, #tpu.memory_space<vmem>>, %arg11: memref<128x32xf32, #tpu.memory_space<vmem>>, %arg12: memref<10016xf32, #tpu.memory_space<vmem>>, %arg13: memref<10112x32xf32, #tpu.memory_space<vmem_shared>>, %arg14: memref<!tpu.dma_semaphore, #tpu.memory_space<semaphore_mem>>) attributes {dimension_semantics = [#tpu.dimension_semantics<core_parallel>, #tpu.dimension_semantics<subcore_parallel>], iteration_bounds = array<i64: 2, 16>, scalar_prefetch = 0 : i64, scratch_operands = 8 : i64, tpu.core_type = #tpu.core_type<sc_vector_subcore>, window_params = [{transform_indices = #map}, {transform_indices = #map}, {transform_indices = #map1}, {transform_indices = #map}, {transform_indices = #map2}]} {
    %mul3A = arith.constant 2 : i32
    %mul3A_0 = arith.muli %arg1, %mul3A : i32
    %add3A = arith.addi %mul3A_0, %arg0 : i32
    %mul3A_1 = arith.constant 632 : i32
    %mul3A_2 = arith.muli %arg1, %mul3A_1 : i32
    %mul3A_3 = arith.constant 632 : i32
    %mul3A_4 = arith.muli %arg1, %mul3A_3 : i32
    "tpu.region"() ({
      %run_scoped3A = tpu.sem_alloc : memref<!tpu.dma_semaphore, #tpu.memory_space<semaphore_mem>>
      %dma_start3A = arith.constant 0 : i32
      %dma_start3A_15 = tpu.memref_slice %arg13[%mul3A_4, %dma_start3A] : memref<10112x32xf32, #tpu.memory_space<vmem_shared>> -> memref<632x32xf32, #tpu.memory_space<vmem_shared>>
      %dma_start3A_16 = arith.constant 0 : i32
      %dma_start3A_17 = tpu.memref_slice %arg5[%mul3A_2, %dma_start3A_16] : memref<10112x32xf32, #tpu.memory_space<hbm>> -> memref<632x32xf32, #tpu.memory_space<hbm>>
      tpu.enqueue_dma source(%dma_start3A_17 : memref<632x32xf32, #tpu.memory_space<hbm>>) target(%dma_start3A_15 : memref<632x32xf32, #tpu.memory_space<vmem_shared>>) target_semaphore(%run_scoped3A : memref<!tpu.dma_semaphore, #tpu.memory_space<semaphore_mem>>)
      %dma_wait3A = arith.constant 0 : i32
      %dma_wait3A_18 = tpu.memref_slice %arg13[%mul3A_4, %dma_wait3A] : memref<10112x32xf32, #tpu.memory_space<vmem_shared>> -> memref<632x32xf32, #tpu.memory_space<vmem_shared>>
      %dma_wait3A_19 = arith.constant 0 : i32
      %dma_wait3A_20 = tpu.memref_slice %arg5[%mul3A_2, %dma_wait3A_19] : memref<10112x32xf32, #tpu.memory_space<hbm>> -> memref<632x32xf32, #tpu.memory_space<hbm>>
      tpu.wait_dma2 semaphore(%run_scoped3A : memref<!tpu.dma_semaphore, #tpu.memory_space<semaphore_mem>>) src(%dma_wait3A_20 : memref<632x32xf32, #tpu.memory_space<hbm>>) dst(%dma_wait3A_18 : memref<632x32xf32, #tpu.memory_space<vmem_shared>>)
      tpu.yield
    }) : () -> ()
    "tpu.region"() ({
      %run_scoped3A = tpu.sem_alloc : memref<!tpu.dma_semaphore, #tpu.memory_space<semaphore_mem>>
      tpu.enqueue_dma source(%arg4 : memref<10016xf32, #tpu.memory_space<hbm>>) target(%arg12 : memref<10016xf32, #tpu.memory_space<vmem>>) target_semaphore(%run_scoped3A : memref<!tpu.dma_semaphore, #tpu.memory_space<semaphore_mem>>)
      tpu.wait_dma2 semaphore(%run_scoped3A : memref<!tpu.dma_semaphore, #tpu.memory_space<semaphore_mem>>) src(%arg4 : memref<10016xf32, #tpu.memory_space<hbm>>) dst(%arg12 : memref<10016xf32, #tpu.memory_space<vmem>>)
      tpu.yield
    }) : () -> ()
    %barrier3A = arith.constant 0 : index
    tpu.barrier barrier_id(%barrier3A)
    %iota3A = tpu.iota {dimensions = array<i32: 0>} : vector<16xi32>
    %scan3A = arith.constant 0 : i32
    %scan3A_5 = arith.constant 0 : i32
    %scan3A_6 = arith.constant 79 : i32
    %scan3A_7 = arith.addi %scan3A_5, %scan3A_6 : i32
    %scan3A_8 = arith.constant 1 : i32
    scf.for %scan3A_15 = %scan3A_5 to %scan3A_7 step %scan3A_8  : i32 {
      %mul3A_16 = arith.constant 32 : i32
      %mul3A_17 = arith.muli %mul3A_16, %scan3A_15 : i32
      %add3A_18 = arith.addi %add3A, %mul3A_17 : i32
      %lt3A = arith.constant 2500 : i32
      %lt3A_19 = arith.cmpi slt, %add3A_18, %lt3A : i32
      %convert_element_type3A = arith.extui %lt3A_19 : i1 to i32
      %cond3A = arith.constant 0 : i32
      %cond3A_20 = arith.cmpi ne, %convert_element_type3A, %cond3A : i32
      scf.if %cond3A_20 {
        "tpu.region"() ({
          %run_scoped3A = tpu.sem_alloc : memref<!tpu.dma_semaphore, #tpu.memory_space<semaphore_mem>>
          %dma_start3A_93 = arith.constant 0 : i32
          %dma_start3A_94 = tpu.memref_slice %arg2[%add3A_18, %dma_start3A_93] : memref<2500x256xi32, #tpu.memory_space<hbm>> -> memref<1x256xi32, #tpu.memory_space<hbm>>
          %dma_start3A_95 = tpu.memref_squeeze %dma_start3A_94 : memref<1x256xi32, #tpu.memory_space<hbm>> -> memref<256xi32, #tpu.memory_space<hbm>>
          %dma_start3A_96 = arith.constant 0 : i32
          %dma_start3A_97 = tpu.memref_slice %arg2[%add3A_18, %dma_start3A_96] : memref<2500x256xi32, #tpu.memory_space<hbm>> -> memref<1x256xi32, #tpu.memory_space<hbm>>
          %dma_start3A_98 = tpu.memref_squeeze %dma_start3A_97 : memref<1x256xi32, #tpu.memory_space<hbm>> -> memref<256xi32, #tpu.memory_space<hbm>>
          tpu.enqueue_dma source(%dma_start3A_98 : memref<256xi32, #tpu.memory_space<hbm>>) target(%arg7 : memref<256xi32, #tpu.memory_space<vmem>>) target_semaphore(%run_scoped3A : memref<!tpu.dma_semaphore, #tpu.memory_space<semaphore_mem>>)
          %dma_wait3A_99 = arith.constant 0 : i32
          %dma_wait3A_100 = tpu.memref_slice %arg2[%add3A_18, %dma_wait3A_99] : memref<2500x256xi32, #tpu.memory_space<hbm>> -> memref<1x256xi32, #tpu.memory_space<hbm>>
          %dma_wait3A_101 = tpu.memref_squeeze %dma_wait3A_100 : memref<1x256xi32, #tpu.memory_space<hbm>> -> memref<256xi32, #tpu.memory_space<hbm>>
          %dma_wait3A_102 = arith.constant 0 : i32
          %dma_wait3A_103 = tpu.memref_slice %arg2[%add3A_18, %dma_wait3A_102] : memref<2500x256xi32, #tpu.memory_space<hbm>> -> memref<1x256xi32, #tpu.memory_space<hbm>>
          %dma_wait3A_104 = tpu.memref_squeeze %dma_wait3A_103 : memref<1x256xi32, #tpu.memory_space<hbm>> -> memref<256xi32, #tpu.memory_space<hbm>>
          tpu.wait_dma2 semaphore(%run_scoped3A : memref<!tpu.dma_semaphore, #tpu.memory_space<semaphore_mem>>) src(%dma_wait3A_104 : memref<256xi32, #tpu.memory_space<hbm>>) dst(%arg7 : memref<256xi32, #tpu.memory_space<vmem>>)
          tpu.yield
        }) : () -> ()
        %get3A = arith.constant 0 : index
        %get3A_21 = tpu.vector_load %arg7[%get3A] {strides = array<i32>} : memref<256xi32, #tpu.memory_space<vmem>>, vector<16xi32>,
        %swap3A = arith.constant 0 : index
        %swap3A_22 = tpu.vector_load %arg8[%swap3A] {strides = array<i32>} : memref<128xi32, #tpu.memory_space<vmem>>, vector<16xi32>,
        tpu.vector_store %arg8[%swap3A], %get3A_21 {strides = array<i32>} : memref<128xi32, #tpu.memory_space<vmem>>, vector<16xi32>,
        %get3A_23 = arith.constant 128 : index
        %get3A_24 = tpu.vector_load %arg7[%get3A_23] {strides = array<i32>} : memref<256xi32, #tpu.memory_space<vmem>>, vector<16xi32>,
        %swap3A_25 = arith.constant 0 : index
        %swap3A_26 = tpu.vector_load %arg9[%swap3A_25] {strides = array<i32>} : memref<128xi32, #tpu.memory_space<vmem>>, vector<16xi32>,
        tpu.vector_store %arg9[%swap3A_25], %get3A_24 {strides = array<i32>} : memref<128xi32, #tpu.memory_space<vmem>>, vector<16xi32>,
        %get3A_27 = arith.constant 16 : index
        %get3A_28 = tpu.vector_load %arg7[%get3A_27] {strides = array<i32>} : memref<256xi32, #tpu.memory_space<vmem>>, vector<16xi32>,
        %swap3A_29 = arith.constant 16 : index
        %swap3A_30 = tpu.vector_load %arg8[%swap3A_29] {strides = array<i32>} : memref<128xi32, #tpu.memory_space<vmem>>, vector<16xi32>,
        tpu.vector_store %arg8[%swap3A_29], %get3A_28 {strides = array<i32>} : memref<128xi32, #tpu.memory_space<vmem>>, vector<16xi32>,
        %get3A_31 = arith.constant 144 : index
        %get3A_32 = tpu.vector_load %arg7[%get3A_31] {strides = array<i32>} : memref<256xi32, #tpu.memory_space<vmem>>, vector<16xi32>,
        %swap3A_33 = arith.constant 16 : index
        %swap3A_34 = tpu.vector_load %arg9[%swap3A_33] {strides = array<i32>} : memref<128xi32, #tpu.memory_space<vmem>>, vector<16xi32>,
        tpu.vector_store %arg9[%swap3A_33], %get3A_32 {strides = array<i32>} : memref<128xi32, #tpu.memory_space<vmem>>, vector<16xi32>,
        %get3A_35 = arith.constant 32 : index
        %get3A_36 = tpu.vector_load %arg7[%get3A_35] {strides = array<i32>} : memref<256xi32, #tpu.memory_space<vmem>>, vector<16xi32>,
        %swap3A_37 = arith.constant 32 : index
        %swap3A_38 = tpu.vector_load %arg8[%swap3A_37] {strides = array<i32>} : memref<128xi32, #tpu.memory_space<vmem>>, vector<16xi32>,
        tpu.vector_store %arg8[%swap3A_37], %get3A_36 {strides = array<i32>} : memref<128xi32, #tpu.memory_space<vmem>>, vector<16xi32>,
        %get3A_39 = arith.constant 160 : index
        %get3A_40 = tpu.vector_load %arg7[%get3A_39] {strides = array<i32>} : memref<256xi32, #tpu.memory_space<vmem>>, vector<16xi32>,
        %swap3A_41 = arith.constant 32 : index
        %swap3A_42 = tpu.vector_load %arg9[%swap3A_41] {strides = array<i32>} : memref<128xi32, #tpu.memory_space<vmem>>, vector<16xi32>,
        tpu.vector_store %arg9[%swap3A_41], %get3A_40 {strides = array<i32>} : memref<128xi32, #tpu.memory_space<vmem>>, vector<16xi32>,
        %get3A_43 = arith.constant 48 : index
        %get3A_44 = tpu.vector_load %arg7[%get3A_43] {strides = array<i32>} : memref<256xi32, #tpu.memory_space<vmem>>, vector<16xi32>,
        %swap3A_45 = arith.constant 48 : index
        %swap3A_46 = tpu.vector_load %arg8[%swap3A_45] {strides = array<i32>} : memref<128xi32, #tpu.memory_space<vmem>>, vector<16xi32>,
        tpu.vector_store %arg8[%swap3A_45], %get3A_44 {strides = array<i32>} : memref<128xi32, #tpu.memory_space<vmem>>, vector<16xi32>,
        %get3A_47 = arith.constant 176 : index
        %get3A_48 = tpu.vector_load %arg7[%get3A_47] {strides = array<i32>} : memref<256xi32, #tpu.memory_space<vmem>>, vector<16xi32>,
        %swap3A_49 = arith.constant 48 : index
        %swap3A_50 = tpu.vector_load %arg9[%swap3A_49] {strides = array<i32>} : memref<128xi32, #tpu.memory_space<vmem>>, vector<16xi32>,
        tpu.vector_store %arg9[%swap3A_49], %get3A_48 {strides = array<i32>} : memref<128xi32, #tpu.memory_space<vmem>>, vector<16xi32>,
        %get3A_51 = arith.constant 64 : index
        %get3A_52 = tpu.vector_load %arg7[%get3A_51] {strides = array<i32>} : memref<256xi32, #tpu.memory_space<vmem>>, vector<16xi32>,
        %swap3A_53 = arith.constant 64 : index
        %swap3A_54 = tpu.vector_load %arg8[%swap3A_53] {strides = array<i32>} : memref<128xi32, #tpu.memory_space<vmem>>, vector<16xi32>,
        tpu.vector_store %arg8[%swap3A_53], %get3A_52 {strides = array<i32>} : memref<128xi32, #tpu.memory_space<vmem>>, vector<16xi32>,
        %get3A_55 = arith.constant 192 : index
        %get3A_56 = tpu.vector_load %arg7[%get3A_55] {strides = array<i32>} : memref<256xi32, #tpu.memory_space<vmem>>, vector<16xi32>,
        %swap3A_57 = arith.constant 64 : index
        %swap3A_58 = tpu.vector_load %arg9[%swap3A_57] {strides = array<i32>} : memref<128xi32, #tpu.memory_space<vmem>>, vector<16xi32>,
        tpu.vector_store %arg9[%swap3A_57], %get3A_56 {strides = array<i32>} : memref<128xi32, #tpu.memory_space<vmem>>, vector<16xi32>,
        %get3A_59 = arith.constant 80 : index
        %get3A_60 = tpu.vector_load %arg7[%get3A_59] {strides = array<i32>} : memref<256xi32, #tpu.memory_space<vmem>>, vector<16xi32>,
        %swap3A_61 = arith.constant 80 : index
        %swap3A_62 = tpu.vector_load %arg8[%swap3A_61] {strides = array<i32>} : memref<128xi32, #tpu.memory_space<vmem>>, vector<16xi32>,
        tpu.vector_store %arg8[%swap3A_61], %get3A_60 {strides = array<i32>} : memref<128xi32, #tpu.memory_space<vmem>>, vector<16xi32>,
        %get3A_63 = arith.constant 208 : index
        %get3A_64 = tpu.vector_load %arg7[%get3A_63] {strides = array<i32>} : memref<256xi32, #tpu.memory_space<vmem>>, vector<16xi32>,
        %swap3A_65 = arith.constant 80 : index
        %swap3A_66 = tpu.vector_load %arg9[%swap3A_65] {strides = array<i32>} : memref<128xi32, #tpu.memory_space<vmem>>, vector<16xi32>,
        tpu.vector_store %arg9[%swap3A_65], %get3A_64 {strides = array<i32>} : memref<128xi32, #tpu.memory_space<vmem>>, vector<16xi32>,
        %get3A_67 = arith.constant 96 : index
        %get3A_68 = tpu.vector_load %arg7[%get3A_67] {strides = array<i32>} : memref<256xi32, #tpu.memory_space<vmem>>, vector<16xi32>,
        %swap3A_69 = arith.constant 96 : index
        %swap3A_70 = tpu.vector_load %arg8[%swap3A_69] {strides = array<i32>} : memref<128xi32, #tpu.memory_space<vmem>>, vector<16xi32>,
        tpu.vector_store %arg8[%swap3A_69], %get3A_68 {strides = array<i32>} : memref<128xi32, #tpu.memory_space<vmem>>, vector<16xi32>,
        %get3A_71 = arith.constant 224 : index
        %get3A_72 = tpu.vector_load %arg7[%get3A_71] {strides = array<i32>} : memref<256xi32, #tpu.memory_space<vmem>>, vector<16xi32>,
        %swap3A_73 = arith.constant 96 : index
        %swap3A_74 = tpu.vector_load %arg9[%swap3A_73] {strides = array<i32>} : memref<128xi32, #tpu.memory_space<vmem>>, vector<16xi32>,
        tpu.vector_store %arg9[%swap3A_73], %get3A_72 {strides = array<i32>} : memref<128xi32, #tpu.memory_space<vmem>>, vector<16xi32>,
        %get3A_75 = arith.constant 112 : index
        %get3A_76 = tpu.vector_load %arg7[%get3A_75] {strides = array<i32>} : memref<256xi32, #tpu.memory_space<vmem>>, vector<16xi32>,
        %swap3A_77 = arith.constant 112 : index
        %swap3A_78 = tpu.vector_load %arg8[%swap3A_77] {strides = array<i32>} : memref<128xi32, #tpu.memory_space<vmem>>, vector<16xi32>,
        tpu.vector_store %arg8[%swap3A_77], %get3A_76 {strides = array<i32>} : memref<128xi32, #tpu.memory_space<vmem>>, vector<16xi32>,
        %get3A_79 = arith.constant 240 : index
        %get3A_80 = tpu.vector_load %arg7[%get3A_79] {strides = array<i32>} : memref<256xi32, #tpu.memory_space<vmem>>, vector<16xi32>,
        %swap3A_81 = arith.constant 112 : index
        %swap3A_82 = tpu.vector_load %arg9[%swap3A_81] {strides = array<i32>} : memref<128xi32, #tpu.memory_space<vmem>>, vector<16xi32>,
        tpu.vector_store %arg9[%swap3A_81], %get3A_80 {strides = array<i32>} : memref<128xi32, #tpu.memory_space<vmem>>, vector<16xi32>,
        %dma_start3A = arith.constant 0 : i32
        %dma_start3A_83 = arith.constant 0 : i32
        %dma_start3A_84 = tpu.memref_slice %arg3[%dma_start3A, %dma_start3A_83] : memref<10000x32xf32, #tpu.memory_space<hbm>> -> memref<10000x32xf32, #tpu.memory_space<hbm>>
        tpu.enqueue_indirect_dma source(%dma_start3A_84 : memref<10000x32xf32, #tpu.memory_space<hbm>>) target(%arg10 : memref<128x32xf32, #tpu.memory_space<vmem>>) offsets(%arg8 : memref<128xi32, #tpu.memory_space<vmem>>) semaphore(%arg14 : memref<!tpu.dma_semaphore, #tpu.memory_space<semaphore_mem>>)
        %dma_wait3A = arith.constant 0 : i32
        %dma_wait3A_85 = arith.constant 0 : i32
        %dma_wait3A_86 = tpu.memref_slice %arg3[%dma_wait3A, %dma_wait3A_85] : memref<10000x32xf32, #tpu.memory_space<hbm>> -> memref<10000x32xf32, #tpu.memory_space<hbm>>
        tpu.wait_indirect_dma semaphore(%arg14 : memref<!tpu.dma_semaphore, #tpu.memory_space<semaphore_mem>>) src(%dma_wait3A_86 : memref<10000x32xf32, #tpu.memory_space<hbm>>) dst(%arg10 : memref<128x32xf32, #tpu.memory_space<vmem>>)
        %scan3A_87 = arith.constant 0 : i32
        %scan3A_88 = arith.constant 0 : i32
        %scan3A_89 = arith.constant 8 : i32
        %scan3A_90 = arith.addi %scan3A_88, %scan3A_89 : i32
        %scan3A_91 = arith.constant 1 : i32
        scf.for %scan3A_93 = %scan3A_88 to %scan3A_90 step %scan3A_91  : i32 {
          %mul3A_94 = arith.constant 16 : i32
          %mul3A_95 = arith.muli %scan3A_93, %mul3A_94 : i32
          %add3A_96 = vector.broadcast %mul3A_95 : i32 to vector<16xi32>
          %add3A_97 = arith.addi %add3A_96, %iota3A : vector<16xi32>
          %mul3A_98 = arith.constant 16 : i32
          %mul3A_99 = arith.muli %scan3A_93, %mul3A_98 : i32
          %get3A_100 = arith.index_cast %mul3A_99 : i32 to index
          %get3A_101 = tpu.vector_load %arg9[%get3A_100] {strides = array<i32>} : memref<128xi32, #tpu.memory_space<vmem>>, vector<16xi32>,
          %gather3A = tpu.vector_load_idx %arg12[%get3A_101] : memref<10016xf32, #tpu.memory_space<vmem>>[vector<16xi32>], vector<16xf32>,
          %broadcast_in_dim3A = arith.constant 16 : i32
          %broadcast_in_dim3A_102 = vector.broadcast %broadcast_in_dim3A : i32 to vector<16xi32>
          %gather3A_103 = tpu.vector_load_idx %arg10[%add3A_97, %broadcast_in_dim3A_102] : memref<128x32xf32, #tpu.memory_space<vmem>>[vector<16xi32>, vector<16xi32>], vector<16xf32>,
          %add3A_104 = arith.addf %gather3A_103, %gather3A : vector<16xf32>
          %mul3A_105 = arith.constant 2.000000e-01 : f32
          %mul3A_106 = vector.broadcast %mul3A_105 : f32 to vector<16xf32>
          %mul3A_107 = arith.mulf %add3A_104, %mul3A_106 : vector<16xf32>
          %max3A = arith.maximumf %add3A_104, %mul3A_107 : vector<16xf32>
          %exp3A = math.exp %max3A : vector<16xf32>
          %broadcast_in_dim3A_108 = arith.constant 16 : i32
          %broadcast_in_dim3A_109 = vector.broadcast %broadcast_in_dim3A_108 : i32 to vector<16xi32>
          tpu.vector_store_idx %arg11[%add3A_97, %broadcast_in_dim3A_109], %exp3A : memref<128x32xf32, #tpu.memory_space<vmem>>[vector<16xi32>, vector<16xi32>], vector<16xf32>,
          %mul3A_110 = arith.constant 16 : i32
          %mul3A_111 = arith.muli %scan3A_93, %mul3A_110 : i32
          %add3A_112 = arith.constant 0 : i32
          %add3A_113 = arith.addi %mul3A_111, %add3A_112 : i32
          %broadcast_in_dim3A_114 = arith.constant 0 : i32
          %broadcast_in_dim3A_115 = vector.broadcast %broadcast_in_dim3A_114 : i32 to vector<16xi32>
          %reshape3A = vector.shape_cast %broadcast_in_dim3A_115 : vector<16xi32> to vector<16x1xi32>
          %gather3A_116 = vector.shape_cast %reshape3A : vector<16x1xi32> to vector<16xi32>
          %gather3A_117 = tpu.dynamic_gather %exp3A[%gather3A_116] in [0] : vector<16xf32>, vector<16xi32> -> vector<16xf32>
          %get3A_118 = arith.index_cast %add3A_113 : i32 to index
          %get3A_119 = arith.constant 0 : index
          %get3A_120 = tpu.vector_load %arg10[%get3A_118, %get3A_119] {strides = array<i32>} : memref<128x32xf32, #tpu.memory_space<vmem>>, vector<16xf32>,
          %mul3A_121 = arith.mulf %get3A_120, %gather3A_117 : vector<16xf32>
          %swap3A_122 = arith.index_cast %add3A_113 : i32 to index
          %swap3A_123 = arith.constant 0 : index
          %swap3A_124 = tpu.vector_load %arg11[%swap3A_122, %swap3A_123] {strides = array<i32>} : memref<128x32xf32, #tpu.memory_space<vmem>>, vector<16xf32>,
          tpu.vector_store %arg11[%swap3A_122, %swap3A_123], %mul3A_121 {strides = array<i32>} : memref<128x32xf32, #tpu.memory_space<vmem>>, vector<16xf32>,
          %mul3A_125 = arith.constant 16 : i32
          %mul3A_126 = arith.muli %scan3A_93, %mul3A_125 : i32
          %add3A_127 = arith.constant 1 : i32
          %add3A_128 = arith.addi %mul3A_126, %add3A_127 : i32
          %broadcast_in_dim3A_129 = arith.constant 1 : i32
          %broadcast_in_dim3A_130 = vector.broadcast %broadcast_in_dim3A_129 : i32 to vector<16xi32>
          %reshape3A_131 = vector.shape_cast %broadcast_in_dim3A_130 : vector<16xi32> to vector<16x1xi32>
          %gather3A_132 = vector.shape_cast %reshape3A_131 : vector<16x1xi32> to vector<16xi32>
          %gather3A_133 = tpu.dynamic_gather %exp3A[%gather3A_132] in [0] : vector<16xf32>, vector<16xi32> -> vector<16xf32>
          %get3A_134 = arith.index_cast %add3A_128 : i32 to index
          %get3A_135 = arith.constant 0 : index
          %get3A_136 = tpu.vector_load %arg10[%get3A_134, %get3A_135] {strides = array<i32>} : memref<128x32xf32, #tpu.memory_space<vmem>>, vector<16xf32>,
          %mul3A_137 = arith.mulf %get3A_136, %gather3A_133 : vector<16xf32>
          %swap3A_138 = arith.index_cast %add3A_128 : i32 to index
          %swap3A_139 = arith.constant 0 : index
          %swap3A_140 = tpu.vector_load %arg11[%swap3A_138, %swap3A_139] {strides = array<i32>} : memref<128x32xf32, #tpu.memory_space<vmem>>, vector<16xf32>,
          tpu.vector_store %arg11[%swap3A_138, %swap3A_139], %mul3A_137 {strides = array<i32>} : memref<128x32xf32, #tpu.memory_space<vmem>>, vector<16xf32>,
          %mul3A_141 = arith.constant 16 : i32
          %mul3A_142 = arith.muli %scan3A_93, %mul3A_141 : i32
          %add3A_143 = arith.constant 2 : i32
          %add3A_144 = arith.addi %mul3A_142, %add3A_143 : i32
          %broadcast_in_dim3A_145 = arith.constant 2 : i32
          %broadcast_in_dim3A_146 = vector.broadcast %broadcast_in_dim3A_145 : i32 to vector<16xi32>
          %reshape3A_147 = vector.shape_cast %broadcast_in_dim3A_146 : vector<16xi32> to vector<16x1xi32>
          %gather3A_148 = vector.shape_cast %reshape3A_147 : vector<16x1xi32> to vector<16xi32>
          %gather3A_149 = tpu.dynamic_gather %exp3A[%gather3A_148] in [0] : vector<16xf32>, vector<16xi32> -> vector<16xf32>
          %get3A_150 = arith.index_cast %add3A_144 : i32 to index
          %get3A_151 = arith.constant 0 : index
          %get3A_152 = tpu.vector_load %arg10[%get3A_150, %get3A_151] {strides = array<i32>} : memref<128x32xf32, #tpu.memory_space<vmem>>, vector<16xf32>,
          %mul3A_153 = arith.mulf %get3A_152, %gather3A_149 : vector<16xf32>
          %swap3A_154 = arith.index_cast %add3A_144 : i32 to index
          %swap3A_155 = arith.constant 0 : index
          %swap3A_156 = tpu.vector_load %arg11[%swap3A_154, %swap3A_155] {strides = array<i32>} : memref<128x32xf32, #tpu.memory_space<vmem>>, vector<16xf32>,
          tpu.vector_store %arg11[%swap3A_154, %swap3A_155], %mul3A_153 {strides = array<i32>} : memref<128x32xf32, #tpu.memory_space<vmem>>, vector<16xf32>,
          %mul3A_157 = arith.constant 16 : i32
          %mul3A_158 = arith.muli %scan3A_93, %mul3A_157 : i32
          %add3A_159 = arith.constant 3 : i32
          %add3A_160 = arith.addi %mul3A_158, %add3A_159 : i32
          %broadcast_in_dim3A_161 = arith.constant 3 : i32
          %broadcast_in_dim3A_162 = vector.broadcast %broadcast_in_dim3A_161 : i32 to vector<16xi32>
          %reshape3A_163 = vector.shape_cast %broadcast_in_dim3A_162 : vector<16xi32> to vector<16x1xi32>
          %gather3A_164 = vector.shape_cast %reshape3A_163 : vector<16x1xi32> to vector<16xi32>
          %gather3A_165 = tpu.dynamic_gather %exp3A[%gather3A_164] in [0] : vector<16xf32>, vector<16xi32> -> vector<16xf32>
          %get3A_166 = arith.index_cast %add3A_160 : i32 to index
          %get3A_167 = arith.constant 0 : index
          %get3A_168 = tpu.vector_load %arg10[%get3A_166, %get3A_167] {strides = array<i32>} : memref<128x32xf32, #tpu.memory_space<vmem>>, vector<16xf32>,
          %mul3A_169 = arith.mulf %get3A_168, %gather3A_165 : vector<16xf32>
          %swap3A_170 = arith.index_cast %add3A_160 : i32 to index
          %swap3A_171 = arith.constant 0 : index
          %swap3A_172 = tpu.vector_load %arg11[%swap3A_170, %swap3A_171] {strides = array<i32>} : memref<128x32xf32, #tpu.memory_space<vmem>>, vector<16xf32>,
          tpu.vector_store %arg11[%swap3A_170, %swap3A_171], %mul3A_169 {strides = array<i32>} : memref<128x32xf32, #tpu.memory_space<vmem>>, vector<16xf32>,
          %mul3A_173 = arith.constant 16 : i32
          %mul3A_174 = arith.muli %scan3A_93, %mul3A_173 : i32
          %add3A_175 = arith.constant 4 : i32
          %add3A_176 = arith.addi %mul3A_174, %add3A_175 : i32
          %broadcast_in_dim3A_177 = arith.constant 4 : i32
          %broadcast_in_dim3A_178 = vector.broadcast %broadcast_in_dim3A_177 : i32 to vector<16xi32>
          %reshape3A_179 = vector.shape_cast %broadcast_in_dim3A_178 : vector<16xi32> to vector<16x1xi32>
          %gather3A_180 = vector.shape_cast %reshape3A_179 : vector<16x1xi32> to vector<16xi32>
          %gather3A_181 = tpu.dynamic_gather %exp3A[%gather3A_180] in [0] : vector<16xf32>, vector<16xi32> -> vector<16xf32>
          %get3A_182 = arith.index_cast %add3A_176 : i32 to index
          %get3A_183 = arith.constant 0 : index
          %get3A_184 = tpu.vector_load %arg10[%get3A_182, %get3A_183] {strides = array<i32>} : memref<128x32xf32, #tpu.memory_space<vmem>>, vector<16xf32>,
          %mul3A_185 = arith.mulf %get3A_184, %gather3A_181 : vector<16xf32>
          %swap3A_186 = arith.index_cast %add3A_176 : i32 to index
          %swap3A_187 = arith.constant 0 : index
          %swap3A_188 = tpu.vector_load %arg11[%swap3A_186, %swap3A_187] {strides = array<i32>} : memref<128x32xf32, #tpu.memory_space<vmem>>, vector<16xf32>,
          tpu.vector_store %arg11[%swap3A_186, %swap3A_187], %mul3A_185 {strides = array<i32>} : memref<128x32xf32, #tpu.memory_space<vmem>>, vector<16xf32>,
          %mul3A_189 = arith.constant 16 : i32
          %mul3A_190 = arith.muli %scan3A_93, %mul3A_189 : i32
          %add3A_191 = arith.constant 5 : i32
          %add3A_192 = arith.addi %mul3A_190, %add3A_191 : i32
          %broadcast_in_dim3A_193 = arith.constant 5 : i32
          %broadcast_in_dim3A_194 = vector.broadcast %broadcast_in_dim3A_193 : i32 to vector<16xi32>
          %reshape3A_195 = vector.shape_cast %broadcast_in_dim3A_194 : vector<16xi32> to vector<16x1xi32>
          %gather3A_196 = vector.shape_cast %reshape3A_195 : vector<16x1xi32> to vector<16xi32>
          %gather3A_197 = tpu.dynamic_gather %exp3A[%gather3A_196] in [0] : vector<16xf32>, vector<16xi32> -> vector<16xf32>
          %get3A_198 = arith.index_cast %add3A_192 : i32 to index
          %get3A_199 = arith.constant 0 : index
          %get3A_200 = tpu.vector_load %arg10[%get3A_198, %get3A_199] {strides = array<i32>} : memref<128x32xf32, #tpu.memory_space<vmem>>, vector<16xf32>,
          %mul3A_201 = arith.mulf %get3A_200, %gather3A_197 : vector<16xf32>
          %swap3A_202 = arith.index_cast %add3A_192 : i32 to index
          %swap3A_203 = arith.constant 0 : index
          %swap3A_204 = tpu.vector_load %arg11[%swap3A_202, %swap3A_203] {strides = array<i32>} : memref<128x32xf32, #tpu.memory_space<vmem>>, vector<16xf32>,
          tpu.vector_store %arg11[%swap3A_202, %swap3A_203], %mul3A_201 {strides = array<i32>} : memref<128x32xf32, #tpu.memory_space<vmem>>, vector<16xf32>,
          %mul3A_205 = arith.constant 16 : i32
          %mul3A_206 = arith.muli %scan3A_93, %mul3A_205 : i32
          %add3A_207 = arith.constant 6 : i32
          %add3A_208 = arith.addi %mul3A_206, %add3A_207 : i32
          %broadcast_in_dim3A_209 = arith.constant 6 : i32
          %broadcast_in_dim3A_210 = vector.broadcast %broadcast_in_dim3A_209 : i32 to vector<16xi32>
          %reshape3A_211 = vector.shape_cast %broadcast_in_dim3A_210 : vector<16xi32> to vector<16x1xi32>
          %gather3A_212 = vector.shape_cast %reshape3A_211 : vector<16x1xi32> to vector<16xi32>
          %gather3A_213 = tpu.dynamic_gather %exp3A[%gather3A_212] in [0] : vector<16xf32>, vector<16xi32> -> vector<16xf32>
          %get3A_214 = arith.index_cast %add3A_208 : i32 to index
          %get3A_215 = arith.constant 0 : index
          %get3A_216 = tpu.vector_load %arg10[%get3A_214, %get3A_215] {strides = array<i32>} : memref<128x32xf32, #tpu.memory_space<vmem>>, vector<16xf32>,
          %mul3A_217 = arith.mulf %get3A_216, %gather3A_213 : vector<16xf32>
          %swap3A_218 = arith.index_cast %add3A_208 : i32 to index
          %swap3A_219 = arith.constant 0 : index
          %swap3A_220 = tpu.vector_load %arg11[%swap3A_218, %swap3A_219] {strides = array<i32>} : memref<128x32xf32, #tpu.memory_space<vmem>>, vector<16xf32>,
          tpu.vector_store %arg11[%swap3A_218, %swap3A_219], %mul3A_217 {strides = array<i32>} : memref<128x32xf32, #tpu.memory_space<vmem>>, vector<16xf32>,
          %mul3A_221 = arith.constant 16 : i32
          %mul3A_222 = arith.muli %scan3A_93, %mul3A_221 : i32
          %add3A_223 = arith.constant 7 : i32
          %add3A_224 = arith.addi %mul3A_222, %add3A_223 : i32
          %broadcast_in_dim3A_225 = arith.constant 7 : i32
          %broadcast_in_dim3A_226 = vector.broadcast %broadcast_in_dim3A_225 : i32 to vector<16xi32>
          %reshape3A_227 = vector.shape_cast %broadcast_in_dim3A_226 : vector<16xi32> to vector<16x1xi32>
          %gather3A_228 = vector.shape_cast %reshape3A_227 : vector<16x1xi32> to vector<16xi32>
          %gather3A_229 = tpu.dynamic_gather %exp3A[%gather3A_228] in [0] : vector<16xf32>, vector<16xi32> -> vector<16xf32>
          %get3A_230 = arith.index_cast %add3A_224 : i32 to index
          %get3A_231 = arith.constant 0 : index
          %get3A_232 = tpu.vector_load %arg10[%get3A_230, %get3A_231] {strides = array<i32>} : memref<128x32xf32, #tpu.memory_space<vmem>>, vector<16xf32>,
          %mul3A_233 = arith.mulf %get3A_232, %gather3A_229 : vector<16xf32>
          %swap3A_234 = arith.index_cast %add3A_224 : i32 to index
          %swap3A_235 = arith.constant 0 : index
          %swap3A_236 = tpu.vector_load %arg11[%swap3A_234, %swap3A_235] {strides = array<i32>} : memref<128x32xf32, #tpu.memory_space<vmem>>, vector<16xf32>,
          tpu.vector_store %arg11[%swap3A_234, %swap3A_235], %mul3A_233 {strides = array<i32>} : memref<128x32xf32, #tpu.memory_space<vmem>>, vector<16xf32>,
          %mul3A_237 = arith.constant 16 : i32
          %mul3A_238 = arith.muli %scan3A_93, %mul3A_237 : i32
          %add3A_239 = arith.constant 8 : i32
          %add3A_240 = arith.addi %mul3A_238, %add3A_239 : i32
          %broadcast_in_dim3A_241 = arith.constant 8 : i32
          %broadcast_in_dim3A_242 = vector.broadcast %broadcast_in_dim3A_241 : i32 to vector<16xi32>
          %reshape3A_243 = vector.shape_cast %broadcast_in_dim3A_242 : vector<16xi32> to vector<16x1xi32>
          %gather3A_244 = vector.shape_cast %reshape3A_243 : vector<16x1xi32> to vector<16xi32>
          %gather3A_245 = tpu.dynamic_gather %exp3A[%gather3A_244] in [0] : vector<16xf32>, vector<16xi32> -> vector<16xf32>
          %get3A_246 = arith.index_cast %add3A_240 : i32 to index
          %get3A_247 = arith.constant 0 : index
          %get3A_248 = tpu.vector_load %arg10[%get3A_246, %get3A_247] {strides = array<i32>} : memref<128x32xf32, #tpu.memory_space<vmem>>, vector<16xf32>,
          %mul3A_249 = arith.mulf %get3A_248, %gather3A_245 : vector<16xf32>
          %swap3A_250 = arith.index_cast %add3A_240 : i32 to index
          %swap3A_251 = arith.constant 0 : index
          %swap3A_252 = tpu.vector_load %arg11[%swap3A_250, %swap3A_251] {strides = array<i32>} : memref<128x32xf32, #tpu.memory_space<vmem>>, vector<16xf32>,
          tpu.vector_store %arg11[%swap3A_250, %swap3A_251], %mul3A_249 {strides = array<i32>} : memref<128x32xf32, #tpu.memory_space<vmem>>, vector<16xf32>,
          %mul3A_253 = arith.constant 16 : i32
          %mul3A_254 = arith.muli %scan3A_93, %mul3A_253 : i32
          %add3A_255 = arith.constant 9 : i32
          %add3A_256 = arith.addi %mul3A_254, %add3A_255 : i32
          %broadcast_in_dim3A_257 = arith.constant 9 : i32
          %broadcast_in_dim3A_258 = vector.broadcast %broadcast_in_dim3A_257 : i32 to vector<16xi32>
          %reshape3A_259 = vector.shape_cast %broadcast_in_dim3A_258 : vector<16xi32> to vector<16x1xi32>
          %gather3A_260 = vector.shape_cast %reshape3A_259 : vector<16x1xi32> to vector<16xi32>
          %gather3A_261 = tpu.dynamic_gather %exp3A[%gather3A_260] in [0] : vector<16xf32>, vector<16xi32> -> vector<16xf32>
          %get3A_262 = arith.index_cast %add3A_256 : i32 to index
          %get3A_263 = arith.constant 0 : index
          %get3A_264 = tpu.vector_load %arg10[%get3A_262, %get3A_263] {strides = array<i32>} : memref<128x32xf32, #tpu.memory_space<vmem>>, vector<16xf32>,
          %mul3A_265 = arith.mulf %get3A_264, %gather3A_261 : vector<16xf32>
          %swap3A_266 = arith.index_cast %add3A_256 : i32 to index
          %swap3A_267 = arith.constant 0 : index
          %swap3A_268 = tpu.vector_load %arg11[%swap3A_266, %swap3A_267] {strides = array<i32>} : memref<128x32xf32, #tpu.memory_space<vmem>>, vector<16xf32>,
          tpu.vector_store %arg11[%swap3A_266, %swap3A_267], %mul3A_265 {strides = array<i32>} : memref<128x32xf32, #tpu.memory_space<vmem>>, vector<16xf32>,
          %mul3A_269 = arith.constant 16 : i32
          %mul3A_270 = arith.muli %scan3A_93, %mul3A_269 : i32
          %add3A_271 = arith.constant 10 : i32
          %add3A_272 = arith.addi %mul3A_270, %add3A_271 : i32
          %broadcast_in_dim3A_273 = arith.constant 10 : i32
          %broadcast_in_dim3A_274 = vector.broadcast %broadcast_in_dim3A_273 : i32 to vector<16xi32>
          %reshape3A_275 = vector.shape_cast %broadcast_in_dim3A_274 : vector<16xi32> to vector<16x1xi32>
          %gather3A_276 = vector.shape_cast %reshape3A_275 : vector<16x1xi32> to vector<16xi32>
          %gather3A_277 = tpu.dynamic_gather %exp3A[%gather3A_276] in [0] : vector<16xf32>, vector<16xi32> -> vector<16xf32>
          %get3A_278 = arith.index_cast %add3A_272 : i32 to index
          %get3A_279 = arith.constant 0 : index
          %get3A_280 = tpu.vector_load %arg10[%get3A_278, %get3A_279] {strides = array<i32>} : memref<128x32xf32, #tpu.memory_space<vmem>>, vector<16xf32>,
          %mul3A_281 = arith.mulf %get3A_280, %gather3A_277 : vector<16xf32>
          %swap3A_282 = arith.index_cast %add3A_272 : i32 to index
          %swap3A_283 = arith.constant 0 : index
          %swap3A_284 = tpu.vector_load %arg11[%swap3A_282, %swap3A_283] {strides = array<i32>} : memref<128x32xf32, #tpu.memory_space<vmem>>, vector<16xf32>,
          tpu.vector_store %arg11[%swap3A_282, %swap3A_283], %mul3A_281 {strides = array<i32>} : memref<128x32xf32, #tpu.memory_space<vmem>>, vector<16xf32>,
          %mul3A_285 = arith.constant 16 : i32
          %mul3A_286 = arith.muli %scan3A_93, %mul3A_285 : i32
          %add3A_287 = arith.constant 11 : i32
          %add3A_288 = arith.addi %mul3A_286, %add3A_287 : i32
          %broadcast_in_dim3A_289 = arith.constant 11 : i32
          %broadcast_in_dim3A_290 = vector.broadcast %broadcast_in_dim3A_289 : i32 to vector<16xi32>
          %reshape3A_291 = vector.shape_cast %broadcast_in_dim3A_290 : vector<16xi32> to vector<16x1xi32>
          %gather3A_292 = vector.shape_cast %reshape3A_291 : vector<16x1xi32> to vector<16xi32>
          %gather3A_293 = tpu.dynamic_gather %exp3A[%gather3A_292] in [0] : vector<16xf32>, vector<16xi32> -> vector<16xf32>
          %get3A_294 = arith.index_cast %add3A_288 : i32 to index
          %get3A_295 = arith.constant 0 : index
          %get3A_296 = tpu.vector_load %arg10[%get3A_294, %get3A_295] {strides = array<i32>} : memref<128x32xf32, #tpu.memory_space<vmem>>, vector<16xf32>,
          %mul3A_297 = arith.mulf %get3A_296, %gather3A_293 : vector<16xf32>
          %swap3A_298 = arith.index_cast %add3A_288 : i32 to index
          %swap3A_299 = arith.constant 0 : index
          %swap3A_300 = tpu.vector_load %arg11[%swap3A_298, %swap3A_299] {strides = array<i32>} : memref<128x32xf32, #tpu.memory_space<vmem>>, vector<16xf32>,
          tpu.vector_store %arg11[%swap3A_298, %swap3A_299], %mul3A_297 {strides = array<i32>} : memref<128x32xf32, #tpu.memory_space<vmem>>, vector<16xf32>,
          %mul3A_301 = arith.constant 16 : i32
          %mul3A_302 = arith.muli %scan3A_93, %mul3A_301 : i32
          %add3A_303 = arith.constant 12 : i32
          %add3A_304 = arith.addi %mul3A_302, %add3A_303 : i32
          %broadcast_in_dim3A_305 = arith.constant 12 : i32
          %broadcast_in_dim3A_306 = vector.broadcast %broadcast_in_dim3A_305 : i32 to vector<16xi32>
          %reshape3A_307 = vector.shape_cast %broadcast_in_dim3A_306 : vector<16xi32> to vector<16x1xi32>
          %gather3A_308 = vector.shape_cast %reshape3A_307 : vector<16x1xi32> to vector<16xi32>
          %gather3A_309 = tpu.dynamic_gather %exp3A[%gather3A_308] in [0] : vector<16xf32>, vector<16xi32> -> vector<16xf32>
          %get3A_310 = arith.index_cast %add3A_304 : i32 to index
          %get3A_311 = arith.constant 0 : index
          %get3A_312 = tpu.vector_load %arg10[%get3A_310, %get3A_311] {strides = array<i32>} : memref<128x32xf32, #tpu.memory_space<vmem>>, vector<16xf32>,
          %mul3A_313 = arith.mulf %get3A_312, %gather3A_309 : vector<16xf32>
          %swap3A_314 = arith.index_cast %add3A_304 : i32 to index
          %swap3A_315 = arith.constant 0 : index
          %swap3A_316 = tpu.vector_load %arg11[%swap3A_314, %swap3A_315] {strides = array<i32>} : memref<128x32xf32, #tpu.memory_space<vmem>>, vector<16xf32>,
          tpu.vector_store %arg11[%swap3A_314, %swap3A_315], %mul3A_313 {strides = array<i32>} : memref<128x32xf32, #tpu.memory_space<vmem>>, vector<16xf32>,
          %mul3A_317 = arith.constant 16 : i32
          %mul3A_318 = arith.muli %scan3A_93, %mul3A_317 : i32
          %add3A_319 = arith.constant 13 : i32
          %add3A_320 = arith.addi %mul3A_318, %add3A_319 : i32
          %broadcast_in_dim3A_321 = arith.constant 13 : i32
          %broadcast_in_dim3A_322 = vector.broadcast %broadcast_in_dim3A_321 : i32 to vector<16xi32>
          %reshape3A_323 = vector.shape_cast %broadcast_in_dim3A_322 : vector<16xi32> to vector<16x1xi32>
          %gather3A_324 = vector.shape_cast %reshape3A_323 : vector<16x1xi32> to vector<16xi32>
          %gather3A_325 = tpu.dynamic_gather %exp3A[%gather3A_324] in [0] : vector<16xf32>, vector<16xi32> -> vector<16xf32>
          %get3A_326 = arith.index_cast %add3A_320 : i32 to index
          %get3A_327 = arith.constant 0 : index
          %get3A_328 = tpu.vector_load %arg10[%get3A_326, %get3A_327] {strides = array<i32>} : memref<128x32xf32, #tpu.memory_space<vmem>>, vector<16xf32>,
          %mul3A_329 = arith.mulf %get3A_328, %gather3A_325 : vector<16xf32>
          %swap3A_330 = arith.index_cast %add3A_320 : i32 to index
          %swap3A_331 = arith.constant 0 : index
          %swap3A_332 = tpu.vector_load %arg11[%swap3A_330, %swap3A_331] {strides = array<i32>} : memref<128x32xf32, #tpu.memory_space<vmem>>, vector<16xf32>,
          tpu.vector_store %arg11[%swap3A_330, %swap3A_331], %mul3A_329 {strides = array<i32>} : memref<128x32xf32, #tpu.memory_space<vmem>>, vector<16xf32>,
          %mul3A_333 = arith.constant 16 : i32
          %mul3A_334 = arith.muli %scan3A_93, %mul3A_333 : i32
          %add3A_335 = arith.constant 14 : i32
          %add3A_336 = arith.addi %mul3A_334, %add3A_335 : i32
          %broadcast_in_dim3A_337 = arith.constant 14 : i32
          %broadcast_in_dim3A_338 = vector.broadcast %broadcast_in_dim3A_337 : i32 to vector<16xi32>
          %reshape3A_339 = vector.shape_cast %broadcast_in_dim3A_338 : vector<16xi32> to vector<16x1xi32>
          %gather3A_340 = vector.shape_cast %reshape3A_339 : vector<16x1xi32> to vector<16xi32>
          %gather3A_341 = tpu.dynamic_gather %exp3A[%gather3A_340] in [0] : vector<16xf32>, vector<16xi32> -> vector<16xf32>
          %get3A_342 = arith.index_cast %add3A_336 : i32 to index
          %get3A_343 = arith.constant 0 : index
          %get3A_344 = tpu.vector_load %arg10[%get3A_342, %get3A_343] {strides = array<i32>} : memref<128x32xf32, #tpu.memory_space<vmem>>, vector<16xf32>,
          %mul3A_345 = arith.mulf %get3A_344, %gather3A_341 : vector<16xf32>
          %swap3A_346 = arith.index_cast %add3A_336 : i32 to index
          %swap3A_347 = arith.constant 0 : index
          %swap3A_348 = tpu.vector_load %arg11[%swap3A_346, %swap3A_347] {strides = array<i32>} : memref<128x32xf32, #tpu.memory_space<vmem>>, vector<16xf32>,
          tpu.vector_store %arg11[%swap3A_346, %swap3A_347], %mul3A_345 {strides = array<i32>} : memref<128x32xf32, #tpu.memory_space<vmem>>, vector<16xf32>,
          %mul3A_349 = arith.constant 16 : i32
          %mul3A_350 = arith.muli %scan3A_93, %mul3A_349 : i32
          %add3A_351 = arith.constant 15 : i32
          %add3A_352 = arith.addi %mul3A_350, %add3A_351 : i32
          %broadcast_in_dim3A_353 = arith.constant 15 : i32
          %broadcast_in_dim3A_354 = vector.broadcast %broadcast_in_dim3A_353 : i32 to vector<16xi32>
          %reshape3A_355 = vector.shape_cast %broadcast_in_dim3A_354 : vector<16xi32> to vector<16x1xi32>
          %gather3A_356 = vector.shape_cast %reshape3A_355 : vector<16x1xi32> to vector<16xi32>
          %gather3A_357 = tpu.dynamic_gather %exp3A[%gather3A_356] in [0] : vector<16xf32>, vector<16xi32> -> vector<16xf32>
          %get3A_358 = arith.index_cast %add3A_352 : i32 to index
          %get3A_359 = arith.constant 0 : index
          %get3A_360 = tpu.vector_load %arg10[%get3A_358, %get3A_359] {strides = array<i32>} : memref<128x32xf32, #tpu.memory_space<vmem>>, vector<16xf32>,
          %mul3A_361 = arith.mulf %get3A_360, %gather3A_357 : vector<16xf32>
          %swap3A_362 = arith.index_cast %add3A_352 : i32 to index
          %swap3A_363 = arith.constant 0 : index
          %swap3A_364 = tpu.vector_load %arg11[%swap3A_362, %swap3A_363] {strides = array<i32>} : memref<128x32xf32, #tpu.memory_space<vmem>>, vector<16xf32>,
          tpu.vector_store %arg11[%swap3A_362, %swap3A_363], %mul3A_361 {strides = array<i32>} : memref<128x32xf32, #tpu.memory_space<vmem>>, vector<16xf32>,
        }
        %scan3A_92 = arith.constant 8 : i32
        "tpu.region"() ({
          %run_scoped3A = tpu.sem_alloc : memref<!tpu.dma_semaphore, #tpu.memory_space<semaphore_mem>>
          %dma_start3A_93 = arith.constant 0 : i32
          %dma_start3A_94 = arith.constant 0 : i32
          %dma_start3A_95 = tpu.memref_slice %arg13[%dma_start3A_93, %dma_start3A_94] : memref<10112x32xf32, #tpu.memory_space<vmem_shared>> -> memref<10112x32xf32, #tpu.memory_space<vmem_shared>>
          tpu.enqueue_indirect_dma source(%arg11 : memref<128x32xf32, #tpu.memory_space<vmem>>) target(%dma_start3A_95 : memref<10112x32xf32, #tpu.memory_space<vmem_shared>>) offsets(%arg9 : memref<128xi32, #tpu.memory_space<vmem>>) semaphore(%run_scoped3A : memref<!tpu.dma_semaphore, #tpu.memory_space<semaphore_mem>>) {add = true}
          %dma_wait3A_96 = arith.constant 0 : i32
          %dma_wait3A_97 = arith.constant 0 : i32
          %dma_wait3A_98 = tpu.memref_slice %arg13[%dma_wait3A_96, %dma_wait3A_97] : memref<10112x32xf32, #tpu.memory_space<vmem_shared>> -> memref<10112x32xf32, #tpu.memory_space<vmem_shared>>
          tpu.wait_indirect_dma semaphore(%run_scoped3A : memref<!tpu.dma_semaphore, #tpu.memory_space<semaphore_mem>>) src(%arg11 : memref<128x32xf32, #tpu.memory_space<vmem>>) dst(%dma_wait3A_98 : memref<10112x32xf32, #tpu.memory_space<vmem_shared>>)
          tpu.yield
        }) : () -> ()
      } else {
      }
    }
    %scan3A_9 = arith.constant 79 : i32
    %barrier3A_10 = arith.constant 0 : index
    tpu.barrier barrier_id(%barrier3A_10)
    %mul3A_11 = arith.constant 632 : i32
    %mul3A_12 = arith.muli %arg1, %mul3A_11 : i32
    %mul3A_13 = arith.constant 632 : i32
    %mul3A_14 = arith.muli %arg1, %mul3A_13 : i32
    "tpu.region"() ({
      %run_scoped3A = tpu.sem_alloc : memref<!tpu.dma_semaphore, #tpu.memory_space<semaphore_mem>>
      %dma_start3A = arith.constant 0 : i32
      %dma_start3A_15 = tpu.memref_slice %arg6[%arg0, %mul3A_14, %dma_start3A] : memref<2x10112x32xf32, #tpu.memory_space<hbm>> -> memref<1x632x32xf32, #tpu.memory_space<hbm>>
      %dma_start3A_16 = tpu.memref_squeeze %dma_start3A_15 : memref<1x632x32xf32, #tpu.memory_space<hbm>> -> memref<632x32xf32, #tpu.memory_space<hbm>>
      %dma_start3A_17 = arith.constant 0 : i32
      %dma_start3A_18 = tpu.memref_slice %arg13[%mul3A_12, %dma_start3A_17] : memref<10112x32xf32, #tpu.memory_space<vmem_shared>> -> memref<632x32xf32, #tpu.memory_space<vmem_shared>>
      tpu.enqueue_dma source(%dma_start3A_18 : memref<632x32xf32, #tpu.memory_space<vmem_shared>>) target(%dma_start3A_16 : memref<632x32xf32, #tpu.memory_space<hbm>>) target_semaphore(%run_scoped3A : memref<!tpu.dma_semaphore, #tpu.memory_space<semaphore_mem>>)
      %dma_wait3A = arith.constant 0 : i32
      %dma_wait3A_19 = tpu.memref_slice %arg6[%arg0, %mul3A_14, %dma_wait3A] : memref<2x10112x32xf32, #tpu.memory_space<hbm>> -> memref<1x632x32xf32, #tpu.memory_space<hbm>>
      %dma_wait3A_20 = tpu.memref_squeeze %dma_wait3A_19 : memref<1x632x32xf32, #tpu.memory_space<hbm>> -> memref<632x32xf32, #tpu.memory_space<hbm>>
      %dma_wait3A_21 = arith.constant 0 : i32
      %dma_wait3A_22 = tpu.memref_slice %arg13[%mul3A_12, %dma_wait3A_21] : memref<10112x32xf32, #tpu.memory_space<vmem_shared>> -> memref<632x32xf32, #tpu.memory_space<vmem_shared>>
      tpu.wait_dma2 semaphore(%run_scoped3A : memref<!tpu.dma_semaphore, #tpu.memory_space<semaphore_mem>>) src(%dma_wait3A_22 : memref<632x32xf32, #tpu.memory_space<vmem_shared>>) dst(%dma_wait3A_20 : memref<632x32xf32, #tpu.memory_space<hbm>>)
      tpu.yield
    }) : () -> ()
    return
  }
}

#map = affine_map<(d0, d1) -> (0, 0)>
#map1 = affine_map<(d0, d1) -> (0)>
#map2 = affine_map<(d0, d1) -> (0, 0, 0)>
module attributes {stable_mosaic.version = 14 : i64} {
  func.func @kern(%arg0: i32, %arg1: i32, %arg2: memref<2500x256xi32, #tpu.memory_space<hbm>>, %arg3: memref<20000x80xf32, #tpu.memory_space<hbm>>, %arg4: memref<80032xf32, #tpu.memory_space<hbm>>, %arg5: memref<10112x80xf32, #tpu.memory_space<hbm>>, %arg6: memref<2x10112x80xf32, #tpu.memory_space<hbm>>, %arg7: memref<256xi32, #tpu.memory_space<vmem>>, %arg8: memref<128xi32, #tpu.memory_space<vmem>>, %arg9: memref<128xi32, #tpu.memory_space<vmem>>, %arg10: memref<128x80xf32, #tpu.memory_space<vmem>>, %arg11: memref<128x80xf32, #tpu.memory_space<vmem>>, %arg12: memref<40016xf32, #tpu.memory_space<vmem>>, %arg13: memref<10112x80xf32, #tpu.memory_space<vmem_shared>>, %arg14: memref<!tpu.dma_semaphore, #tpu.memory_space<semaphore_mem>>) attributes {dimension_semantics = [#tpu.dimension_semantics<core_parallel>, #tpu.dimension_semantics<subcore_parallel>], iteration_bounds = array<i64: 2, 16>, scalar_prefetch = 0 : i64, scratch_operands = 8 : i64, tpu.core_type = #tpu.core_type<sc_vector_subcore>, window_params = [{transform_indices = #map}, {transform_indices = #map}, {transform_indices = #map1}, {transform_indices = #map}, {transform_indices = #map2}]} {
    %mul3A = arith.constant 632 : i32
    %mul3A_0 = arith.muli %arg1, %mul3A : i32
    %mul3A_1 = arith.constant 632 : i32
    %mul3A_2 = arith.muli %arg1, %mul3A_1 : i32
    "tpu.region"() ({
      %run_scoped3A = tpu.sem_alloc : memref<!tpu.dma_semaphore, #tpu.memory_space<semaphore_mem>>
      %dma_start3A = arith.constant 0 : i32
      %dma_start3A_19 = tpu.memref_slice %arg13[%mul3A_2, %dma_start3A] : memref<10112x80xf32, #tpu.memory_space<vmem_shared>> -> memref<632x80xf32, #tpu.memory_space<vmem_shared>>
      %dma_start3A_20 = arith.constant 0 : i32
      %dma_start3A_21 = tpu.memref_slice %arg5[%mul3A_0, %dma_start3A_20] : memref<10112x80xf32, #tpu.memory_space<hbm>> -> memref<632x80xf32, #tpu.memory_space<hbm>>
      tpu.enqueue_dma source(%dma_start3A_21 : memref<632x80xf32, #tpu.memory_space<hbm>>) target(%dma_start3A_19 : memref<632x80xf32, #tpu.memory_space<vmem_shared>>) target_semaphore(%run_scoped3A : memref<!tpu.dma_semaphore, #tpu.memory_space<semaphore_mem>>)
      %dma_wait3A = arith.constant 0 : i32
      %dma_wait3A_22 = tpu.memref_slice %arg13[%mul3A_2, %dma_wait3A] : memref<10112x80xf32, #tpu.memory_space<vmem_shared>> -> memref<632x80xf32, #tpu.memory_space<vmem_shared>>
      %dma_wait3A_23 = arith.constant 0 : i32
      %dma_wait3A_24 = tpu.memref_slice %arg5[%mul3A_0, %dma_wait3A_23] : memref<10112x80xf32, #tpu.memory_space<hbm>> -> memref<632x80xf32, #tpu.memory_space<hbm>>
      tpu.wait_dma2 semaphore(%run_scoped3A : memref<!tpu.dma_semaphore, #tpu.memory_space<semaphore_mem>>) src(%dma_wait3A_24 : memref<632x80xf32, #tpu.memory_space<hbm>>) dst(%dma_wait3A_22 : memref<632x80xf32, #tpu.memory_space<vmem_shared>>)
      tpu.yield
    }) : () -> ()
    %mul3A_3 = arith.constant 40016 : i32
    %mul3A_4 = arith.muli %arg0, %mul3A_3 : i32
    "tpu.region"() ({
      %run_scoped3A = tpu.sem_alloc : memref<!tpu.dma_semaphore, #tpu.memory_space<semaphore_mem>>
      %dma_start3A = tpu.memref_slice %arg4[%mul3A_4] : memref<80032xf32, #tpu.memory_space<hbm>> -> memref<40016xf32, #tpu.memory_space<hbm>>
      %dma_start3A_19 = tpu.memref_slice %arg4[%mul3A_4] : memref<80032xf32, #tpu.memory_space<hbm>> -> memref<40016xf32, #tpu.memory_space<hbm>>
      tpu.enqueue_dma source(%dma_start3A_19 : memref<40016xf32, #tpu.memory_space<hbm>>) target(%arg12 : memref<40016xf32, #tpu.memory_space<vmem>>) target_semaphore(%run_scoped3A : memref<!tpu.dma_semaphore, #tpu.memory_space<semaphore_mem>>)
      %dma_wait3A = tpu.memref_slice %arg4[%mul3A_4] : memref<80032xf32, #tpu.memory_space<hbm>> -> memref<40016xf32, #tpu.memory_space<hbm>>
      %dma_wait3A_20 = tpu.memref_slice %arg4[%mul3A_4] : memref<80032xf32, #tpu.memory_space<hbm>> -> memref<40016xf32, #tpu.memory_space<hbm>>
      tpu.wait_dma2 semaphore(%run_scoped3A : memref<!tpu.dma_semaphore, #tpu.memory_space<semaphore_mem>>) src(%dma_wait3A_20 : memref<40016xf32, #tpu.memory_space<hbm>>) dst(%arg12 : memref<40016xf32, #tpu.memory_space<vmem>>)
      tpu.yield
    }) : () -> ()
    %barrier3A = arith.constant 0 : index
    tpu.barrier barrier_id(%barrier3A)
    %iota3A = tpu.iota {dimensions = array<i32: 0>} : vector<16xi32>
    %lt3A = arith.constant 4 : i32
    %lt3A_5 = vector.broadcast %lt3A : i32 to vector<16xi32>
    %lt3A_6 = arith.cmpi slt, %iota3A, %lt3A_5 : vector<16xi32>
    %mul3A_7 = arith.constant 10000 : i32
    %mul3A_8 = arith.muli %arg0, %mul3A_7 : i32
    %scan3A = arith.constant 0 : i32
    %scan3A_9 = arith.constant 0 : i32
    %scan3A_10 = arith.constant 157 : i32
    %scan3A_11 = arith.addi %scan3A_9, %scan3A_10 : i32
    %scan3A_12 = arith.constant 1 : i32
    scf.for %scan3A_19 = %scan3A_9 to %scan3A_11 step %scan3A_12  : i32 {
      %mul3A_20 = arith.constant 16 : i32
      %mul3A_21 = arith.muli %mul3A_20, %scan3A_19 : i32
      %add3A = arith.addi %arg1, %mul3A_21 : i32
      %lt3A_22 = arith.constant 2500 : i32
      %lt3A_23 = arith.cmpi slt, %add3A, %lt3A_22 : i32
      %convert_element_type3A = arith.extui %lt3A_23 : i1 to i32
      %cond3A = arith.constant 0 : i32
      %cond3A_24 = arith.cmpi ne, %convert_element_type3A, %cond3A : i32
      scf.if %cond3A_24 {
        "tpu.region"() ({
          %run_scoped3A = tpu.sem_alloc : memref<!tpu.dma_semaphore, #tpu.memory_space<semaphore_mem>>
          %dma_start3A_113 = arith.constant 0 : i32
          %dma_start3A_114 = tpu.memref_slice %arg2[%add3A, %dma_start3A_113] : memref<2500x256xi32, #tpu.memory_space<hbm>> -> memref<1x256xi32, #tpu.memory_space<hbm>>
          %dma_start3A_115 = tpu.memref_squeeze %dma_start3A_114 : memref<1x256xi32, #tpu.memory_space<hbm>> -> memref<256xi32, #tpu.memory_space<hbm>>
          %dma_start3A_116 = arith.constant 0 : i32
          %dma_start3A_117 = tpu.memref_slice %arg2[%add3A, %dma_start3A_116] : memref<2500x256xi32, #tpu.memory_space<hbm>> -> memref<1x256xi32, #tpu.memory_space<hbm>>
          %dma_start3A_118 = tpu.memref_squeeze %dma_start3A_117 : memref<1x256xi32, #tpu.memory_space<hbm>> -> memref<256xi32, #tpu.memory_space<hbm>>
          tpu.enqueue_dma source(%dma_start3A_118 : memref<256xi32, #tpu.memory_space<hbm>>) target(%arg7 : memref<256xi32, #tpu.memory_space<vmem>>) target_semaphore(%run_scoped3A : memref<!tpu.dma_semaphore, #tpu.memory_space<semaphore_mem>>)
          %dma_wait3A_119 = arith.constant 0 : i32
          %dma_wait3A_120 = tpu.memref_slice %arg2[%add3A, %dma_wait3A_119] : memref<2500x256xi32, #tpu.memory_space<hbm>> -> memref<1x256xi32, #tpu.memory_space<hbm>>
          %dma_wait3A_121 = tpu.memref_squeeze %dma_wait3A_120 : memref<1x256xi32, #tpu.memory_space<hbm>> -> memref<256xi32, #tpu.memory_space<hbm>>
          %dma_wait3A_122 = arith.constant 0 : i32
          %dma_wait3A_123 = tpu.memref_slice %arg2[%add3A, %dma_wait3A_122] : memref<2500x256xi32, #tpu.memory_space<hbm>> -> memref<1x256xi32, #tpu.memory_space<hbm>>
          %dma_wait3A_124 = tpu.memref_squeeze %dma_wait3A_123 : memref<1x256xi32, #tpu.memory_space<hbm>> -> memref<256xi32, #tpu.memory_space<hbm>>
          tpu.wait_dma2 semaphore(%run_scoped3A : memref<!tpu.dma_semaphore, #tpu.memory_space<semaphore_mem>>) src(%dma_wait3A_124 : memref<256xi32, #tpu.memory_space<hbm>>) dst(%arg7 : memref<256xi32, #tpu.memory_space<vmem>>)
          tpu.yield
        }) : () -> ()
        %get3A = arith.constant 0 : index
        %get3A_25 = tpu.vector_load %arg7[%get3A] {strides = array<i32>} : memref<256xi32, #tpu.memory_space<vmem>>, vector<16xi32>,
        %add3A_26 = vector.broadcast %mul3A_8 : i32 to vector<16xi32>
        %add3A_27 = arith.addi %get3A_25, %add3A_26 : vector<16xi32>
        %swap3A = arith.constant 0 : index
        %swap3A_28 = tpu.vector_load %arg8[%swap3A] {strides = array<i32>} : memref<128xi32, #tpu.memory_space<vmem>>, vector<16xi32>,
        tpu.vector_store %arg8[%swap3A], %add3A_27 {strides = array<i32>} : memref<128xi32, #tpu.memory_space<vmem>>, vector<16xi32>,
        %get3A_29 = arith.constant 128 : index
        %get3A_30 = tpu.vector_load %arg7[%get3A_29] {strides = array<i32>} : memref<256xi32, #tpu.memory_space<vmem>>, vector<16xi32>,
        %swap3A_31 = arith.constant 0 : index
        %swap3A_32 = tpu.vector_load %arg9[%swap3A_31] {strides = array<i32>} : memref<128xi32, #tpu.memory_space<vmem>>, vector<16xi32>,
        tpu.vector_store %arg9[%swap3A_31], %get3A_30 {strides = array<i32>} : memref<128xi32, #tpu.memory_space<vmem>>, vector<16xi32>,
        %get3A_33 = arith.constant 16 : index
        %get3A_34 = tpu.vector_load %arg7[%get3A_33] {strides = array<i32>} : memref<256xi32, #tpu.memory_space<vmem>>, vector<16xi32>,
        %add3A_35 = vector.broadcast %mul3A_8 : i32 to vector<16xi32>
        %add3A_36 = arith.addi %get3A_34, %add3A_35 : vector<16xi32>
        %swap3A_37 = arith.constant 16 : index
        %swap3A_38 = tpu.vector_load %arg8[%swap3A_37] {strides = array<i32>} : memref<128xi32, #tpu.memory_space<vmem>>, vector<16xi32>,
        tpu.vector_store %arg8[%swap3A_37], %add3A_36 {strides = array<i32>} : memref<128xi32, #tpu.memory_space<vmem>>, vector<16xi32>,
        %get3A_39 = arith.constant 144 : index
        %get3A_40 = tpu.vector_load %arg7[%get3A_39] {strides = array<i32>} : memref<256xi32, #tpu.memory_space<vmem>>, vector<16xi32>,
        %swap3A_41 = arith.constant 16 : index
        %swap3A_42 = tpu.vector_load %arg9[%swap3A_41] {strides = array<i32>} : memref<128xi32, #tpu.memory_space<vmem>>, vector<16xi32>,
        tpu.vector_store %arg9[%swap3A_41], %get3A_40 {strides = array<i32>} : memref<128xi32, #tpu.memory_space<vmem>>, vector<16xi32>,
        %get3A_43 = arith.constant 32 : index
        %get3A_44 = tpu.vector_load %arg7[%get3A_43] {strides = array<i32>} : memref<256xi32, #tpu.memory_space<vmem>>, vector<16xi32>,
        %add3A_45 = vector.broadcast %mul3A_8 : i32 to vector<16xi32>
        %add3A_46 = arith.addi %get3A_44, %add3A_45 : vector<16xi32>
        %swap3A_47 = arith.constant 32 : index
        %swap3A_48 = tpu.vector_load %arg8[%swap3A_47] {strides = array<i32>} : memref<128xi32, #tpu.memory_space<vmem>>, vector<16xi32>,
        tpu.vector_store %arg8[%swap3A_47], %add3A_46 {strides = array<i32>} : memref<128xi32, #tpu.memory_space<vmem>>, vector<16xi32>,
        %get3A_49 = arith.constant 160 : index
        %get3A_50 = tpu.vector_load %arg7[%get3A_49] {strides = array<i32>} : memref<256xi32, #tpu.memory_space<vmem>>, vector<16xi32>,
        %swap3A_51 = arith.constant 32 : index
        %swap3A_52 = tpu.vector_load %arg9[%swap3A_51] {strides = array<i32>} : memref<128xi32, #tpu.memory_space<vmem>>, vector<16xi32>,
        tpu.vector_store %arg9[%swap3A_51], %get3A_50 {strides = array<i32>} : memref<128xi32, #tpu.memory_space<vmem>>, vector<16xi32>,
        %get3A_53 = arith.constant 48 : index
        %get3A_54 = tpu.vector_load %arg7[%get3A_53] {strides = array<i32>} : memref<256xi32, #tpu.memory_space<vmem>>, vector<16xi32>,
        %add3A_55 = vector.broadcast %mul3A_8 : i32 to vector<16xi32>
        %add3A_56 = arith.addi %get3A_54, %add3A_55 : vector<16xi32>
        %swap3A_57 = arith.constant 48 : index
        %swap3A_58 = tpu.vector_load %arg8[%swap3A_57] {strides = array<i32>} : memref<128xi32, #tpu.memory_space<vmem>>, vector<16xi32>,
        tpu.vector_store %arg8[%swap3A_57], %add3A_56 {strides = array<i32>} : memref<128xi32, #tpu.memory_space<vmem>>, vector<16xi32>,
        %get3A_59 = arith.constant 176 : index
        %get3A_60 = tpu.vector_load %arg7[%get3A_59] {strides = array<i32>} : memref<256xi32, #tpu.memory_space<vmem>>, vector<16xi32>,
        %swap3A_61 = arith.constant 48 : index
        %swap3A_62 = tpu.vector_load %arg9[%swap3A_61] {strides = array<i32>} : memref<128xi32, #tpu.memory_space<vmem>>, vector<16xi32>,
        tpu.vector_store %arg9[%swap3A_61], %get3A_60 {strides = array<i32>} : memref<128xi32, #tpu.memory_space<vmem>>, vector<16xi32>,
        %get3A_63 = arith.constant 64 : index
        %get3A_64 = tpu.vector_load %arg7[%get3A_63] {strides = array<i32>} : memref<256xi32, #tpu.memory_space<vmem>>, vector<16xi32>,
        %add3A_65 = vector.broadcast %mul3A_8 : i32 to vector<16xi32>
        %add3A_66 = arith.addi %get3A_64, %add3A_65 : vector<16xi32>
        %swap3A_67 = arith.constant 64 : index
        %swap3A_68 = tpu.vector_load %arg8[%swap3A_67] {strides = array<i32>} : memref<128xi32, #tpu.memory_space<vmem>>, vector<16xi32>,
        tpu.vector_store %arg8[%swap3A_67], %add3A_66 {strides = array<i32>} : memref<128xi32, #tpu.memory_space<vmem>>, vector<16xi32>,
        %get3A_69 = arith.constant 192 : index
        %get3A_70 = tpu.vector_load %arg7[%get3A_69] {strides = array<i32>} : memref<256xi32, #tpu.memory_space<vmem>>, vector<16xi32>,
        %swap3A_71 = arith.constant 64 : index
        %swap3A_72 = tpu.vector_load %arg9[%swap3A_71] {strides = array<i32>} : memref<128xi32, #tpu.memory_space<vmem>>, vector<16xi32>,
        tpu.vector_store %arg9[%swap3A_71], %get3A_70 {strides = array<i32>} : memref<128xi32, #tpu.memory_space<vmem>>, vector<16xi32>,
        %get3A_73 = arith.constant 80 : index
        %get3A_74 = tpu.vector_load %arg7[%get3A_73] {strides = array<i32>} : memref<256xi32, #tpu.memory_space<vmem>>, vector<16xi32>,
        %add3A_75 = vector.broadcast %mul3A_8 : i32 to vector<16xi32>
        %add3A_76 = arith.addi %get3A_74, %add3A_75 : vector<16xi32>
        %swap3A_77 = arith.constant 80 : index
        %swap3A_78 = tpu.vector_load %arg8[%swap3A_77] {strides = array<i32>} : memref<128xi32, #tpu.memory_space<vmem>>, vector<16xi32>,
        tpu.vector_store %arg8[%swap3A_77], %add3A_76 {strides = array<i32>} : memref<128xi32, #tpu.memory_space<vmem>>, vector<16xi32>,
        %get3A_79 = arith.constant 208 : index
        %get3A_80 = tpu.vector_load %arg7[%get3A_79] {strides = array<i32>} : memref<256xi32, #tpu.memory_space<vmem>>, vector<16xi32>,
        %swap3A_81 = arith.constant 80 : index
        %swap3A_82 = tpu.vector_load %arg9[%swap3A_81] {strides = array<i32>} : memref<128xi32, #tpu.memory_space<vmem>>, vector<16xi32>,
        tpu.vector_store %arg9[%swap3A_81], %get3A_80 {strides = array<i32>} : memref<128xi32, #tpu.memory_space<vmem>>, vector<16xi32>,
        %get3A_83 = arith.constant 96 : index
        %get3A_84 = tpu.vector_load %arg7[%get3A_83] {strides = array<i32>} : memref<256xi32, #tpu.memory_space<vmem>>, vector<16xi32>,
        %add3A_85 = vector.broadcast %mul3A_8 : i32 to vector<16xi32>
        %add3A_86 = arith.addi %get3A_84, %add3A_85 : vector<16xi32>
        %swap3A_87 = arith.constant 96 : index
        %swap3A_88 = tpu.vector_load %arg8[%swap3A_87] {strides = array<i32>} : memref<128xi32, #tpu.memory_space<vmem>>, vector<16xi32>,
        tpu.vector_store %arg8[%swap3A_87], %add3A_86 {strides = array<i32>} : memref<128xi32, #tpu.memory_space<vmem>>, vector<16xi32>,
        %get3A_89 = arith.constant 224 : index
        %get3A_90 = tpu.vector_load %arg7[%get3A_89] {strides = array<i32>} : memref<256xi32, #tpu.memory_space<vmem>>, vector<16xi32>,
        %swap3A_91 = arith.constant 96 : index
        %swap3A_92 = tpu.vector_load %arg9[%swap3A_91] {strides = array<i32>} : memref<128xi32, #tpu.memory_space<vmem>>, vector<16xi32>,
        tpu.vector_store %arg9[%swap3A_91], %get3A_90 {strides = array<i32>} : memref<128xi32, #tpu.memory_space<vmem>>, vector<16xi32>,
        %get3A_93 = arith.constant 112 : index
        %get3A_94 = tpu.vector_load %arg7[%get3A_93] {strides = array<i32>} : memref<256xi32, #tpu.memory_space<vmem>>, vector<16xi32>,
        %add3A_95 = vector.broadcast %mul3A_8 : i32 to vector<16xi32>
        %add3A_96 = arith.addi %get3A_94, %add3A_95 : vector<16xi32>
        %swap3A_97 = arith.constant 112 : index
        %swap3A_98 = tpu.vector_load %arg8[%swap3A_97] {strides = array<i32>} : memref<128xi32, #tpu.memory_space<vmem>>, vector<16xi32>,
        tpu.vector_store %arg8[%swap3A_97], %add3A_96 {strides = array<i32>} : memref<128xi32, #tpu.memory_space<vmem>>, vector<16xi32>,
        %get3A_99 = arith.constant 240 : index
        %get3A_100 = tpu.vector_load %arg7[%get3A_99] {strides = array<i32>} : memref<256xi32, #tpu.memory_space<vmem>>, vector<16xi32>,
        %swap3A_101 = arith.constant 112 : index
        %swap3A_102 = tpu.vector_load %arg9[%swap3A_101] {strides = array<i32>} : memref<128xi32, #tpu.memory_space<vmem>>, vector<16xi32>,
        tpu.vector_store %arg9[%swap3A_101], %get3A_100 {strides = array<i32>} : memref<128xi32, #tpu.memory_space<vmem>>, vector<16xi32>,
        %dma_start3A = arith.constant 0 : i32
        %dma_start3A_103 = arith.constant 0 : i32
        %dma_start3A_104 = tpu.memref_slice %arg3[%dma_start3A, %dma_start3A_103] : memref<20000x80xf32, #tpu.memory_space<hbm>> -> memref<20000x80xf32, #tpu.memory_space<hbm>>
        tpu.enqueue_indirect_dma source(%dma_start3A_104 : memref<20000x80xf32, #tpu.memory_space<hbm>>) target(%arg10 : memref<128x80xf32, #tpu.memory_space<vmem>>) offsets(%arg8 : memref<128xi32, #tpu.memory_space<vmem>>) semaphore(%arg14 : memref<!tpu.dma_semaphore, #tpu.memory_space<semaphore_mem>>)
        %dma_wait3A = arith.constant 0 : i32
        %dma_wait3A_105 = arith.constant 0 : i32
        %dma_wait3A_106 = tpu.memref_slice %arg3[%dma_wait3A, %dma_wait3A_105] : memref<20000x80xf32, #tpu.memory_space<hbm>> -> memref<20000x80xf32, #tpu.memory_space<hbm>>
        tpu.wait_indirect_dma semaphore(%arg14 : memref<!tpu.dma_semaphore, #tpu.memory_space<semaphore_mem>>) src(%dma_wait3A_106 : memref<20000x80xf32, #tpu.memory_space<hbm>>) dst(%arg10 : memref<128x80xf32, #tpu.memory_space<vmem>>)
        %scan3A_107 = arith.constant 0 : i32
        %scan3A_108 = arith.constant 0 : i32
        %scan3A_109 = arith.constant 8 : i32
        %scan3A_110 = arith.addi %scan3A_108, %scan3A_109 : i32
        %scan3A_111 = arith.constant 1 : i32
        scf.for %scan3A_113 = %scan3A_108 to %scan3A_110 step %scan3A_111  : i32 {
          %mul3A_114 = arith.constant 16 : i32
          %mul3A_115 = arith.muli %scan3A_113, %mul3A_114 : i32
          %get3A_116 = arith.index_cast %mul3A_115 : i32 to index
          %get3A_117 = tpu.vector_load %arg9[%get3A_116] {strides = array<i32>} : memref<128xi32, #tpu.memory_space<vmem>>, vector<16xi32>,
          %mul3A_118 = arith.constant 4 : i32
          %mul3A_119 = vector.broadcast %mul3A_118 : i32 to vector<16xi32>
          %mul3A_120 = arith.muli %get3A_117, %mul3A_119 : vector<16xi32>
          %mul3A_121 = arith.constant 16 : i32
          %mul3A_122 = arith.muli %scan3A_113, %mul3A_121 : i32
          %add3A_123 = arith.constant 0 : i32
          %add3A_124 = arith.addi %mul3A_122, %add3A_123 : i32
          %broadcast_in_dim3A = arith.constant 0 : i32
          %broadcast_in_dim3A_125 = vector.broadcast %broadcast_in_dim3A : i32 to vector<16xi32>
          %reshape3A = vector.shape_cast %broadcast_in_dim3A_125 : vector<16xi32> to vector<16x1xi32>
          %gather3A = vector.shape_cast %reshape3A : vector<16x1xi32> to vector<16xi32>
          %gather3A_126 = tpu.dynamic_gather %mul3A_120[%gather3A] in [0] : vector<16xi32>, vector<16xi32> -> vector<16xi32>
          %add3A_127 = arith.addi %gather3A_126, %iota3A : vector<16xi32>
          %gather3A_128 = tpu.vector_load_idx %arg12[%add3A_127] : memref<40016xf32, #tpu.memory_space<vmem>>[vector<16xi32>], vector<16xf32>,
          %get3A_129 = arith.index_cast %add3A_124 : i32 to index
          %get3A_130 = arith.constant 0 : index
          %get3A_131 = tpu.vector_load %arg10[%get3A_129, %get3A_130] {strides = array<i32>} : memref<128x80xf32, #tpu.memory_space<vmem>>, vector<16xf32>,
          %add3A_132 = arith.addf %get3A_131, %gather3A_128 : vector<16xf32>
          %mul3A_133 = arith.constant 2.000000e-01 : f32
          %mul3A_134 = vector.broadcast %mul3A_133 : f32 to vector<16xf32>
          %mul3A_135 = arith.mulf %add3A_132, %mul3A_134 : vector<16xf32>
          %max3A = arith.maximumf %add3A_132, %mul3A_135 : vector<16xf32>
          %exp3A = math.exp %max3A : vector<16xf32>
          %jit3A = arith.constant 0.000000e+00 : f32
          %broadcast_in_dim3A_136 = vector.broadcast %jit3A : f32 to vector<16xf32>
          %select_n3A = arith.select %lt3A_6, %exp3A, %broadcast_in_dim3A_136 : vector<16xi1>, vector<16xf32>
          %swap3A_137 = arith.index_cast %add3A_124 : i32 to index
          %swap3A_138 = arith.constant 0 : index
          %swap3A_139 = tpu.vector_load %arg11[%swap3A_137, %swap3A_138] {strides = array<i32>} : memref<128x80xf32, #tpu.memory_space<vmem>>, vector<16xf32>,
          tpu.vector_store %arg11[%swap3A_137, %swap3A_138], %select_n3A {strides = array<i32>} : memref<128x80xf32, #tpu.memory_space<vmem>>, vector<16xf32>,
          %broadcast_in_dim3A_140 = arith.constant 0 : i32
          %broadcast_in_dim3A_141 = vector.broadcast %broadcast_in_dim3A_140 : i32 to vector<16xi32>
          %reshape3A_142 = vector.shape_cast %broadcast_in_dim3A_141 : vector<16xi32> to vector<16x1xi32>
          %gather3A_143 = vector.shape_cast %reshape3A_142 : vector<16x1xi32> to vector<16xi32>
          %gather3A_144 = tpu.dynamic_gather %select_n3A[%gather3A_143] in [0] : vector<16xf32>, vector<16xi32> -> vector<16xf32>
          %get3A_145 = arith.index_cast %add3A_124 : i32 to index
          %get3A_146 = arith.constant 16 : index
          %get3A_147 = tpu.vector_load %arg10[%get3A_145, %get3A_146] {strides = array<i32>} : memref<128x80xf32, #tpu.memory_space<vmem>>, vector<16xf32>,
          %mul3A_148 = arith.mulf %get3A_147, %gather3A_144 : vector<16xf32>
          %swap3A_149 = arith.index_cast %add3A_124 : i32 to index
          %swap3A_150 = arith.constant 16 : index
          %swap3A_151 = tpu.vector_load %arg11[%swap3A_149, %swap3A_150] {strides = array<i32>} : memref<128x80xf32, #tpu.memory_space<vmem>>, vector<16xf32>,
          tpu.vector_store %arg11[%swap3A_149, %swap3A_150], %mul3A_148 {strides = array<i32>} : memref<128x80xf32, #tpu.memory_space<vmem>>, vector<16xf32>,
          %broadcast_in_dim3A_152 = arith.constant 1 : i32
          %broadcast_in_dim3A_153 = vector.broadcast %broadcast_in_dim3A_152 : i32 to vector<16xi32>
          %reshape3A_154 = vector.shape_cast %broadcast_in_dim3A_153 : vector<16xi32> to vector<16x1xi32>
          %gather3A_155 = vector.shape_cast %reshape3A_154 : vector<16x1xi32> to vector<16xi32>
          %gather3A_156 = tpu.dynamic_gather %select_n3A[%gather3A_155] in [0] : vector<16xf32>, vector<16xi32> -> vector<16xf32>
          %get3A_157 = arith.index_cast %add3A_124 : i32 to index
          %get3A_158 = arith.constant 32 : index
          %get3A_159 = tpu.vector_load %arg10[%get3A_157, %get3A_158] {strides = array<i32>} : memref<128x80xf32, #tpu.memory_space<vmem>>, vector<16xf32>,
          %mul3A_160 = arith.mulf %get3A_159, %gather3A_156 : vector<16xf32>
          %swap3A_161 = arith.index_cast %add3A_124 : i32 to index
          %swap3A_162 = arith.constant 32 : index
          %swap3A_163 = tpu.vector_load %arg11[%swap3A_161, %swap3A_162] {strides = array<i32>} : memref<128x80xf32, #tpu.memory_space<vmem>>, vector<16xf32>,
          tpu.vector_store %arg11[%swap3A_161, %swap3A_162], %mul3A_160 {strides = array<i32>} : memref<128x80xf32, #tpu.memory_space<vmem>>, vector<16xf32>,
          %broadcast_in_dim3A_164 = arith.constant 2 : i32
          %broadcast_in_dim3A_165 = vector.broadcast %broadcast_in_dim3A_164 : i32 to vector<16xi32>
          %reshape3A_166 = vector.shape_cast %broadcast_in_dim3A_165 : vector<16xi32> to vector<16x1xi32>
          %gather3A_167 = vector.shape_cast %reshape3A_166 : vector<16x1xi32> to vector<16xi32>
          %gather3A_168 = tpu.dynamic_gather %select_n3A[%gather3A_167] in [0] : vector<16xf32>, vector<16xi32> -> vector<16xf32>
          %get3A_169 = arith.index_cast %add3A_124 : i32 to index
          %get3A_170 = arith.constant 48 : index
          %get3A_171 = tpu.vector_load %arg10[%get3A_169, %get3A_170] {strides = array<i32>} : memref<128x80xf32, #tpu.memory_space<vmem>>, vector<16xf32>,
          %mul3A_172 = arith.mulf %get3A_171, %gather3A_168 : vector<16xf32>
          %swap3A_173 = arith.index_cast %add3A_124 : i32 to index
          %swap3A_174 = arith.constant 48 : index
          %swap3A_175 = tpu.vector_load %arg11[%swap3A_173, %swap3A_174] {strides = array<i32>} : memref<128x80xf32, #tpu.memory_space<vmem>>, vector<16xf32>,
          tpu.vector_store %arg11[%swap3A_173, %swap3A_174], %mul3A_172 {strides = array<i32>} : memref<128x80xf32, #tpu.memory_space<vmem>>, vector<16xf32>,
          %broadcast_in_dim3A_176 = arith.constant 3 : i32
          %broadcast_in_dim3A_177 = vector.broadcast %broadcast_in_dim3A_176 : i32 to vector<16xi32>
          %reshape3A_178 = vector.shape_cast %broadcast_in_dim3A_177 : vector<16xi32> to vector<16x1xi32>
          %gather3A_179 = vector.shape_cast %reshape3A_178 : vector<16x1xi32> to vector<16xi32>
          %gather3A_180 = tpu.dynamic_gather %select_n3A[%gather3A_179] in [0] : vector<16xf32>, vector<16xi32> -> vector<16xf32>
          %get3A_181 = arith.index_cast %add3A_124 : i32 to index
          %get3A_182 = arith.constant 64 : index
          %get3A_183 = tpu.vector_load %arg10[%get3A_181, %get3A_182] {strides = array<i32>} : memref<128x80xf32, #tpu.memory_space<vmem>>, vector<16xf32>,
          %mul3A_184 = arith.mulf %get3A_183, %gather3A_180 : vector<16xf32>
          %swap3A_185 = arith.index_cast %add3A_124 : i32 to index
          %swap3A_186 = arith.constant 64 : index
          %swap3A_187 = tpu.vector_load %arg11[%swap3A_185, %swap3A_186] {strides = array<i32>} : memref<128x80xf32, #tpu.memory_space<vmem>>, vector<16xf32>,
          tpu.vector_store %arg11[%swap3A_185, %swap3A_186], %mul3A_184 {strides = array<i32>} : memref<128x80xf32, #tpu.memory_space<vmem>>, vector<16xf32>,
          %mul3A_188 = arith.constant 16 : i32
          %mul3A_189 = arith.muli %scan3A_113, %mul3A_188 : i32
          %add3A_190 = arith.constant 1 : i32
          %add3A_191 = arith.addi %mul3A_189, %add3A_190 : i32
          %broadcast_in_dim3A_192 = arith.constant 1 : i32
          %broadcast_in_dim3A_193 = vector.broadcast %broadcast_in_dim3A_192 : i32 to vector<16xi32>
          %reshape3A_194 = vector.shape_cast %broadcast_in_dim3A_193 : vector<16xi32> to vector<16x1xi32>
          %gather3A_195 = vector.shape_cast %reshape3A_194 : vector<16x1xi32> to vector<16xi32>
          %gather3A_196 = tpu.dynamic_gather %mul3A_120[%gather3A_195] in [0] : vector<16xi32>, vector<16xi32> -> vector<16xi32>
          %add3A_197 = arith.addi %gather3A_196, %iota3A : vector<16xi32>
          %gather3A_198 = tpu.vector_load_idx %arg12[%add3A_197] : memref<40016xf32, #tpu.memory_space<vmem>>[vector<16xi32>], vector<16xf32>,
          %get3A_199 = arith.index_cast %add3A_191 : i32 to index
          %get3A_200 = arith.constant 0 : index
          %get3A_201 = tpu.vector_load %arg10[%get3A_199, %get3A_200] {strides = array<i32>} : memref<128x80xf32, #tpu.memory_space<vmem>>, vector<16xf32>,
          %add3A_202 = arith.addf %get3A_201, %gather3A_198 : vector<16xf32>
          %mul3A_203 = arith.constant 2.000000e-01 : f32
          %mul3A_204 = vector.broadcast %mul3A_203 : f32 to vector<16xf32>
          %mul3A_205 = arith.mulf %add3A_202, %mul3A_204 : vector<16xf32>
          %max3A_206 = arith.maximumf %add3A_202, %mul3A_205 : vector<16xf32>
          %exp3A_207 = math.exp %max3A_206 : vector<16xf32>
          %jit3A_208 = arith.constant 0.000000e+00 : f32
          %broadcast_in_dim3A_209 = vector.broadcast %jit3A_208 : f32 to vector<16xf32>
          %select_n3A_210 = arith.select %lt3A_6, %exp3A_207, %broadcast_in_dim3A_209 : vector<16xi1>, vector<16xf32>
          %swap3A_211 = arith.index_cast %add3A_191 : i32 to index
          %swap3A_212 = arith.constant 0 : index
          %swap3A_213 = tpu.vector_load %arg11[%swap3A_211, %swap3A_212] {strides = array<i32>} : memref<128x80xf32, #tpu.memory_space<vmem>>, vector<16xf32>,
          tpu.vector_store %arg11[%swap3A_211, %swap3A_212], %select_n3A_210 {strides = array<i32>} : memref<128x80xf32, #tpu.memory_space<vmem>>, vector<16xf32>,
          %broadcast_in_dim3A_214 = arith.constant 0 : i32
          %broadcast_in_dim3A_215 = vector.broadcast %broadcast_in_dim3A_214 : i32 to vector<16xi32>
          %reshape3A_216 = vector.shape_cast %broadcast_in_dim3A_215 : vector<16xi32> to vector<16x1xi32>
          %gather3A_217 = vector.shape_cast %reshape3A_216 : vector<16x1xi32> to vector<16xi32>
          %gather3A_218 = tpu.dynamic_gather %select_n3A_210[%gather3A_217] in [0] : vector<16xf32>, vector<16xi32> -> vector<16xf32>
          %get3A_219 = arith.index_cast %add3A_191 : i32 to index
          %get3A_220 = arith.constant 16 : index
          %get3A_221 = tpu.vector_load %arg10[%get3A_219, %get3A_220] {strides = array<i32>} : memref<128x80xf32, #tpu.memory_space<vmem>>, vector<16xf32>,
          %mul3A_222 = arith.mulf %get3A_221, %gather3A_218 : vector<16xf32>
          %swap3A_223 = arith.index_cast %add3A_191 : i32 to index
          %swap3A_224 = arith.constant 16 : index
          %swap3A_225 = tpu.vector_load %arg11[%swap3A_223, %swap3A_224] {strides = array<i32>} : memref<128x80xf32, #tpu.memory_space<vmem>>, vector<16xf32>,
          tpu.vector_store %arg11[%swap3A_223, %swap3A_224], %mul3A_222 {strides = array<i32>} : memref<128x80xf32, #tpu.memory_space<vmem>>, vector<16xf32>,
          %broadcast_in_dim3A_226 = arith.constant 1 : i32
          %broadcast_in_dim3A_227 = vector.broadcast %broadcast_in_dim3A_226 : i32 to vector<16xi32>
          %reshape3A_228 = vector.shape_cast %broadcast_in_dim3A_227 : vector<16xi32> to vector<16x1xi32>
          %gather3A_229 = vector.shape_cast %reshape3A_228 : vector<16x1xi32> to vector<16xi32>
          %gather3A_230 = tpu.dynamic_gather %select_n3A_210[%gather3A_229] in [0] : vector<16xf32>, vector<16xi32> -> vector<16xf32>
          %get3A_231 = arith.index_cast %add3A_191 : i32 to index
          %get3A_232 = arith.constant 32 : index
          %get3A_233 = tpu.vector_load %arg10[%get3A_231, %get3A_232] {strides = array<i32>} : memref<128x80xf32, #tpu.memory_space<vmem>>, vector<16xf32>,
          %mul3A_234 = arith.mulf %get3A_233, %gather3A_230 : vector<16xf32>
          %swap3A_235 = arith.index_cast %add3A_191 : i32 to index
          %swap3A_236 = arith.constant 32 : index
          %swap3A_237 = tpu.vector_load %arg11[%swap3A_235, %swap3A_236] {strides = array<i32>} : memref<128x80xf32, #tpu.memory_space<vmem>>, vector<16xf32>,
          tpu.vector_store %arg11[%swap3A_235, %swap3A_236], %mul3A_234 {strides = array<i32>} : memref<128x80xf32, #tpu.memory_space<vmem>>, vector<16xf32>,
          %broadcast_in_dim3A_238 = arith.constant 2 : i32
          %broadcast_in_dim3A_239 = vector.broadcast %broadcast_in_dim3A_238 : i32 to vector<16xi32>
          %reshape3A_240 = vector.shape_cast %broadcast_in_dim3A_239 : vector<16xi32> to vector<16x1xi32>
          %gather3A_241 = vector.shape_cast %reshape3A_240 : vector<16x1xi32> to vector<16xi32>
          %gather3A_242 = tpu.dynamic_gather %select_n3A_210[%gather3A_241] in [0] : vector<16xf32>, vector<16xi32> -> vector<16xf32>
          %get3A_243 = arith.index_cast %add3A_191 : i32 to index
          %get3A_244 = arith.constant 48 : index
          %get3A_245 = tpu.vector_load %arg10[%get3A_243, %get3A_244] {strides = array<i32>} : memref<128x80xf32, #tpu.memory_space<vmem>>, vector<16xf32>,
          %mul3A_246 = arith.mulf %get3A_245, %gather3A_242 : vector<16xf32>
          %swap3A_247 = arith.index_cast %add3A_191 : i32 to index
          %swap3A_248 = arith.constant 48 : index
          %swap3A_249 = tpu.vector_load %arg11[%swap3A_247, %swap3A_248] {strides = array<i32>} : memref<128x80xf32, #tpu.memory_space<vmem>>, vector<16xf32>,
          tpu.vector_store %arg11[%swap3A_247, %swap3A_248], %mul3A_246 {strides = array<i32>} : memref<128x80xf32, #tpu.memory_space<vmem>>, vector<16xf32>,
          %broadcast_in_dim3A_250 = arith.constant 3 : i32
          %broadcast_in_dim3A_251 = vector.broadcast %broadcast_in_dim3A_250 : i32 to vector<16xi32>
          %reshape3A_252 = vector.shape_cast %broadcast_in_dim3A_251 : vector<16xi32> to vector<16x1xi32>
          %gather3A_253 = vector.shape_cast %reshape3A_252 : vector<16x1xi32> to vector<16xi32>
          %gather3A_254 = tpu.dynamic_gather %select_n3A_210[%gather3A_253] in [0] : vector<16xf32>, vector<16xi32> -> vector<16xf32>
          %get3A_255 = arith.index_cast %add3A_191 : i32 to index
          %get3A_256 = arith.constant 64 : index
          %get3A_257 = tpu.vector_load %arg10[%get3A_255, %get3A_256] {strides = array<i32>} : memref<128x80xf32, #tpu.memory_space<vmem>>, vector<16xf32>,
          %mul3A_258 = arith.mulf %get3A_257, %gather3A_254 : vector<16xf32>
          %swap3A_259 = arith.index_cast %add3A_191 : i32 to index
          %swap3A_260 = arith.constant 64 : index
          %swap3A_261 = tpu.vector_load %arg11[%swap3A_259, %swap3A_260] {strides = array<i32>} : memref<128x80xf32, #tpu.memory_space<vmem>>, vector<16xf32>,
          tpu.vector_store %arg11[%swap3A_259, %swap3A_260], %mul3A_258 {strides = array<i32>} : memref<128x80xf32, #tpu.memory_space<vmem>>, vector<16xf32>,
          %mul3A_262 = arith.constant 16 : i32
          %mul3A_263 = arith.muli %scan3A_113, %mul3A_262 : i32
          %add3A_264 = arith.constant 2 : i32
          %add3A_265 = arith.addi %mul3A_263, %add3A_264 : i32
          %broadcast_in_dim3A_266 = arith.constant 2 : i32
          %broadcast_in_dim3A_267 = vector.broadcast %broadcast_in_dim3A_266 : i32 to vector<16xi32>
          %reshape3A_268 = vector.shape_cast %broadcast_in_dim3A_267 : vector<16xi32> to vector<16x1xi32>
          %gather3A_269 = vector.shape_cast %reshape3A_268 : vector<16x1xi32> to vector<16xi32>
          %gather3A_270 = tpu.dynamic_gather %mul3A_120[%gather3A_269] in [0] : vector<16xi32>, vector<16xi32> -> vector<16xi32>
          %add3A_271 = arith.addi %gather3A_270, %iota3A : vector<16xi32>
          %gather3A_272 = tpu.vector_load_idx %arg12[%add3A_271] : memref<40016xf32, #tpu.memory_space<vmem>>[vector<16xi32>], vector<16xf32>,
          %get3A_273 = arith.index_cast %add3A_265 : i32 to index
          %get3A_274 = arith.constant 0 : index
          %get3A_275 = tpu.vector_load %arg10[%get3A_273, %get3A_274] {strides = array<i32>} : memref<128x80xf32, #tpu.memory_space<vmem>>, vector<16xf32>,
          %add3A_276 = arith.addf %get3A_275, %gather3A_272 : vector<16xf32>
          %mul3A_277 = arith.constant 2.000000e-01 : f32
          %mul3A_278 = vector.broadcast %mul3A_277 : f32 to vector<16xf32>
          %mul3A_279 = arith.mulf %add3A_276, %mul3A_278 : vector<16xf32>
          %max3A_280 = arith.maximumf %add3A_276, %mul3A_279 : vector<16xf32>
          %exp3A_281 = math.exp %max3A_280 : vector<16xf32>
          %jit3A_282 = arith.constant 0.000000e+00 : f32
          %broadcast_in_dim3A_283 = vector.broadcast %jit3A_282 : f32 to vector<16xf32>
          %select_n3A_284 = arith.select %lt3A_6, %exp3A_281, %broadcast_in_dim3A_283 : vector<16xi1>, vector<16xf32>
          %swap3A_285 = arith.index_cast %add3A_265 : i32 to index
          %swap3A_286 = arith.constant 0 : index
          %swap3A_287 = tpu.vector_load %arg11[%swap3A_285, %swap3A_286] {strides = array<i32>} : memref<128x80xf32, #tpu.memory_space<vmem>>, vector<16xf32>,
          tpu.vector_store %arg11[%swap3A_285, %swap3A_286], %select_n3A_284 {strides = array<i32>} : memref<128x80xf32, #tpu.memory_space<vmem>>, vector<16xf32>,
          %broadcast_in_dim3A_288 = arith.constant 0 : i32
          %broadcast_in_dim3A_289 = vector.broadcast %broadcast_in_dim3A_288 : i32 to vector<16xi32>
          %reshape3A_290 = vector.shape_cast %broadcast_in_dim3A_289 : vector<16xi32> to vector<16x1xi32>
          %gather3A_291 = vector.shape_cast %reshape3A_290 : vector<16x1xi32> to vector<16xi32>
          %gather3A_292 = tpu.dynamic_gather %select_n3A_284[%gather3A_291] in [0] : vector<16xf32>, vector<16xi32> -> vector<16xf32>
          %get3A_293 = arith.index_cast %add3A_265 : i32 to index
          %get3A_294 = arith.constant 16 : index
          %get3A_295 = tpu.vector_load %arg10[%get3A_293, %get3A_294] {strides = array<i32>} : memref<128x80xf32, #tpu.memory_space<vmem>>, vector<16xf32>,
          %mul3A_296 = arith.mulf %get3A_295, %gather3A_292 : vector<16xf32>
          %swap3A_297 = arith.index_cast %add3A_265 : i32 to index
          %swap3A_298 = arith.constant 16 : index
          %swap3A_299 = tpu.vector_load %arg11[%swap3A_297, %swap3A_298] {strides = array<i32>} : memref<128x80xf32, #tpu.memory_space<vmem>>, vector<16xf32>,
          tpu.vector_store %arg11[%swap3A_297, %swap3A_298], %mul3A_296 {strides = array<i32>} : memref<128x80xf32, #tpu.memory_space<vmem>>, vector<16xf32>,
          %broadcast_in_dim3A_300 = arith.constant 1 : i32
          %broadcast_in_dim3A_301 = vector.broadcast %broadcast_in_dim3A_300 : i32 to vector<16xi32>
          %reshape3A_302 = vector.shape_cast %broadcast_in_dim3A_301 : vector<16xi32> to vector<16x1xi32>
          %gather3A_303 = vector.shape_cast %reshape3A_302 : vector<16x1xi32> to vector<16xi32>
          %gather3A_304 = tpu.dynamic_gather %select_n3A_284[%gather3A_303] in [0] : vector<16xf32>, vector<16xi32> -> vector<16xf32>
          %get3A_305 = arith.index_cast %add3A_265 : i32 to index
          %get3A_306 = arith.constant 32 : index
          %get3A_307 = tpu.vector_load %arg10[%get3A_305, %get3A_306] {strides = array<i32>} : memref<128x80xf32, #tpu.memory_space<vmem>>, vector<16xf32>,
          %mul3A_308 = arith.mulf %get3A_307, %gather3A_304 : vector<16xf32>
          %swap3A_309 = arith.index_cast %add3A_265 : i32 to index
          %swap3A_310 = arith.constant 32 : index
          %swap3A_311 = tpu.vector_load %arg11[%swap3A_309, %swap3A_310] {strides = array<i32>} : memref<128x80xf32, #tpu.memory_space<vmem>>, vector<16xf32>,
          tpu.vector_store %arg11[%swap3A_309, %swap3A_310], %mul3A_308 {strides = array<i32>} : memref<128x80xf32, #tpu.memory_space<vmem>>, vector<16xf32>,
          %broadcast_in_dim3A_312 = arith.constant 2 : i32
          %broadcast_in_dim3A_313 = vector.broadcast %broadcast_in_dim3A_312 : i32 to vector<16xi32>
          %reshape3A_314 = vector.shape_cast %broadcast_in_dim3A_313 : vector<16xi32> to vector<16x1xi32>
          %gather3A_315 = vector.shape_cast %reshape3A_314 : vector<16x1xi32> to vector<16xi32>
          %gather3A_316 = tpu.dynamic_gather %select_n3A_284[%gather3A_315] in [0] : vector<16xf32>, vector<16xi32> -> vector<16xf32>
          %get3A_317 = arith.index_cast %add3A_265 : i32 to index
          %get3A_318 = arith.constant 48 : index
          %get3A_319 = tpu.vector_load %arg10[%get3A_317, %get3A_318] {strides = array<i32>} : memref<128x80xf32, #tpu.memory_space<vmem>>, vector<16xf32>,
          %mul3A_320 = arith.mulf %get3A_319, %gather3A_316 : vector<16xf32>
          %swap3A_321 = arith.index_cast %add3A_265 : i32 to index
          %swap3A_322 = arith.constant 48 : index
          %swap3A_323 = tpu.vector_load %arg11[%swap3A_321, %swap3A_322] {strides = array<i32>} : memref<128x80xf32, #tpu.memory_space<vmem>>, vector<16xf32>,
          tpu.vector_store %arg11[%swap3A_321, %swap3A_322], %mul3A_320 {strides = array<i32>} : memref<128x80xf32, #tpu.memory_space<vmem>>, vector<16xf32>,
          %broadcast_in_dim3A_324 = arith.constant 3 : i32
          %broadcast_in_dim3A_325 = vector.broadcast %broadcast_in_dim3A_324 : i32 to vector<16xi32>
          %reshape3A_326 = vector.shape_cast %broadcast_in_dim3A_325 : vector<16xi32> to vector<16x1xi32>
          %gather3A_327 = vector.shape_cast %reshape3A_326 : vector<16x1xi32> to vector<16xi32>
          %gather3A_328 = tpu.dynamic_gather %select_n3A_284[%gather3A_327] in [0] : vector<16xf32>, vector<16xi32> -> vector<16xf32>
          %get3A_329 = arith.index_cast %add3A_265 : i32 to index
          %get3A_330 = arith.constant 64 : index
          %get3A_331 = tpu.vector_load %arg10[%get3A_329, %get3A_330] {strides = array<i32>} : memref<128x80xf32, #tpu.memory_space<vmem>>, vector<16xf32>,
          %mul3A_332 = arith.mulf %get3A_331, %gather3A_328 : vector<16xf32>
          %swap3A_333 = arith.index_cast %add3A_265 : i32 to index
          %swap3A_334 = arith.constant 64 : index
          %swap3A_335 = tpu.vector_load %arg11[%swap3A_333, %swap3A_334] {strides = array<i32>} : memref<128x80xf32, #tpu.memory_space<vmem>>, vector<16xf32>,
          tpu.vector_store %arg11[%swap3A_333, %swap3A_334], %mul3A_332 {strides = array<i32>} : memref<128x80xf32, #tpu.memory_space<vmem>>, vector<16xf32>,
          %mul3A_336 = arith.constant 16 : i32
          %mul3A_337 = arith.muli %scan3A_113, %mul3A_336 : i32
          %add3A_338 = arith.constant 3 : i32
          %add3A_339 = arith.addi %mul3A_337, %add3A_338 : i32
          %broadcast_in_dim3A_340 = arith.constant 3 : i32
          %broadcast_in_dim3A_341 = vector.broadcast %broadcast_in_dim3A_340 : i32 to vector<16xi32>
          %reshape3A_342 = vector.shape_cast %broadcast_in_dim3A_341 : vector<16xi32> to vector<16x1xi32>
          %gather3A_343 = vector.shape_cast %reshape3A_342 : vector<16x1xi32> to vector<16xi32>
          %gather3A_344 = tpu.dynamic_gather %mul3A_120[%gather3A_343] in [0] : vector<16xi32>, vector<16xi32> -> vector<16xi32>
          %add3A_345 = arith.addi %gather3A_344, %iota3A : vector<16xi32>
          %gather3A_346 = tpu.vector_load_idx %arg12[%add3A_345] : memref<40016xf32, #tpu.memory_space<vmem>>[vector<16xi32>], vector<16xf32>,
          %get3A_347 = arith.index_cast %add3A_339 : i32 to index
          %get3A_348 = arith.constant 0 : index
          %get3A_349 = tpu.vector_load %arg10[%get3A_347, %get3A_348] {strides = array<i32>} : memref<128x80xf32, #tpu.memory_space<vmem>>, vector<16xf32>,
          %add3A_350 = arith.addf %get3A_349, %gather3A_346 : vector<16xf32>
          %mul3A_351 = arith.constant 2.000000e-01 : f32
          %mul3A_352 = vector.broadcast %mul3A_351 : f32 to vector<16xf32>
          %mul3A_353 = arith.mulf %add3A_350, %mul3A_352 : vector<16xf32>
          %max3A_354 = arith.maximumf %add3A_350, %mul3A_353 : vector<16xf32>
          %exp3A_355 = math.exp %max3A_354 : vector<16xf32>
          %jit3A_356 = arith.constant 0.000000e+00 : f32
          %broadcast_in_dim3A_357 = vector.broadcast %jit3A_356 : f32 to vector<16xf32>
          %select_n3A_358 = arith.select %lt3A_6, %exp3A_355, %broadcast_in_dim3A_357 : vector<16xi1>, vector<16xf32>
          %swap3A_359 = arith.index_cast %add3A_339 : i32 to index
          %swap3A_360 = arith.constant 0 : index
          %swap3A_361 = tpu.vector_load %arg11[%swap3A_359, %swap3A_360] {strides = array<i32>} : memref<128x80xf32, #tpu.memory_space<vmem>>, vector<16xf32>,
          tpu.vector_store %arg11[%swap3A_359, %swap3A_360], %select_n3A_358 {strides = array<i32>} : memref<128x80xf32, #tpu.memory_space<vmem>>, vector<16xf32>,
          %broadcast_in_dim3A_362 = arith.constant 0 : i32
          %broadcast_in_dim3A_363 = vector.broadcast %broadcast_in_dim3A_362 : i32 to vector<16xi32>
          %reshape3A_364 = vector.shape_cast %broadcast_in_dim3A_363 : vector<16xi32> to vector<16x1xi32>
          %gather3A_365 = vector.shape_cast %reshape3A_364 : vector<16x1xi32> to vector<16xi32>
          %gather3A_366 = tpu.dynamic_gather %select_n3A_358[%gather3A_365] in [0] : vector<16xf32>, vector<16xi32> -> vector<16xf32>
          %get3A_367 = arith.index_cast %add3A_339 : i32 to index
          %get3A_368 = arith.constant 16 : index
          %get3A_369 = tpu.vector_load %arg10[%get3A_367, %get3A_368] {strides = array<i32>} : memref<128x80xf32, #tpu.memory_space<vmem>>, vector<16xf32>,
          %mul3A_370 = arith.mulf %get3A_369, %gather3A_366 : vector<16xf32>
          %swap3A_371 = arith.index_cast %add3A_339 : i32 to index
          %swap3A_372 = arith.constant 16 : index
          %swap3A_373 = tpu.vector_load %arg11[%swap3A_371, %swap3A_372] {strides = array<i32>} : memref<128x80xf32, #tpu.memory_space<vmem>>, vector<16xf32>,
          tpu.vector_store %arg11[%swap3A_371, %swap3A_372], %mul3A_370 {strides = array<i32>} : memref<128x80xf32, #tpu.memory_space<vmem>>, vector<16xf32>,
          %broadcast_in_dim3A_374 = arith.constant 1 : i32
          %broadcast_in_dim3A_375 = vector.broadcast %broadcast_in_dim3A_374 : i32 to vector<16xi32>
          %reshape3A_376 = vector.shape_cast %broadcast_in_dim3A_375 : vector<16xi32> to vector<16x1xi32>
          %gather3A_377 = vector.shape_cast %reshape3A_376 : vector<16x1xi32> to vector<16xi32>
          %gather3A_378 = tpu.dynamic_gather %select_n3A_358[%gather3A_377] in [0] : vector<16xf32>, vector<16xi32> -> vector<16xf32>
          %get3A_379 = arith.index_cast %add3A_339 : i32 to index
          %get3A_380 = arith.constant 32 : index
          %get3A_381 = tpu.vector_load %arg10[%get3A_379, %get3A_380] {strides = array<i32>} : memref<128x80xf32, #tpu.memory_space<vmem>>, vector<16xf32>,
          %mul3A_382 = arith.mulf %get3A_381, %gather3A_378 : vector<16xf32>
          %swap3A_383 = arith.index_cast %add3A_339 : i32 to index
          %swap3A_384 = arith.constant 32 : index
          %swap3A_385 = tpu.vector_load %arg11[%swap3A_383, %swap3A_384] {strides = array<i32>} : memref<128x80xf32, #tpu.memory_space<vmem>>, vector<16xf32>,
          tpu.vector_store %arg11[%swap3A_383, %swap3A_384], %mul3A_382 {strides = array<i32>} : memref<128x80xf32, #tpu.memory_space<vmem>>, vector<16xf32>,
          %broadcast_in_dim3A_386 = arith.constant 2 : i32
          %broadcast_in_dim3A_387 = vector.broadcast %broadcast_in_dim3A_386 : i32 to vector<16xi32>
          %reshape3A_388 = vector.shape_cast %broadcast_in_dim3A_387 : vector<16xi32> to vector<16x1xi32>
          %gather3A_389 = vector.shape_cast %reshape3A_388 : vector<16x1xi32> to vector<16xi32>
          %gather3A_390 = tpu.dynamic_gather %select_n3A_358[%gather3A_389] in [0] : vector<16xf32>, vector<16xi32> -> vector<16xf32>
          %get3A_391 = arith.index_cast %add3A_339 : i32 to index
          %get3A_392 = arith.constant 48 : index
          %get3A_393 = tpu.vector_load %arg10[%get3A_391, %get3A_392] {strides = array<i32>} : memref<128x80xf32, #tpu.memory_space<vmem>>, vector<16xf32>,
          %mul3A_394 = arith.mulf %get3A_393, %gather3A_390 : vector<16xf32>
          %swap3A_395 = arith.index_cast %add3A_339 : i32 to index
          %swap3A_396 = arith.constant 48 : index
          %swap3A_397 = tpu.vector_load %arg11[%swap3A_395, %swap3A_396] {strides = array<i32>} : memref<128x80xf32, #tpu.memory_space<vmem>>, vector<16xf32>,
          tpu.vector_store %arg11[%swap3A_395, %swap3A_396], %mul3A_394 {strides = array<i32>} : memref<128x80xf32, #tpu.memory_space<vmem>>, vector<16xf32>,
          %broadcast_in_dim3A_398 = arith.constant 3 : i32
          %broadcast_in_dim3A_399 = vector.broadcast %broadcast_in_dim3A_398 : i32 to vector<16xi32>
          %reshape3A_400 = vector.shape_cast %broadcast_in_dim3A_399 : vector<16xi32> to vector<16x1xi32>
          %gather3A_401 = vector.shape_cast %reshape3A_400 : vector<16x1xi32> to vector<16xi32>
          %gather3A_402 = tpu.dynamic_gather %select_n3A_358[%gather3A_401] in [0] : vector<16xf32>, vector<16xi32> -> vector<16xf32>
          %get3A_403 = arith.index_cast %add3A_339 : i32 to index
          %get3A_404 = arith.constant 64 : index
          %get3A_405 = tpu.vector_load %arg10[%get3A_403, %get3A_404] {strides = array<i32>} : memref<128x80xf32, #tpu.memory_space<vmem>>, vector<16xf32>,
          %mul3A_406 = arith.mulf %get3A_405, %gather3A_402 : vector<16xf32>
          %swap3A_407 = arith.index_cast %add3A_339 : i32 to index
          %swap3A_408 = arith.constant 64 : index
          %swap3A_409 = tpu.vector_load %arg11[%swap3A_407, %swap3A_408] {strides = array<i32>} : memref<128x80xf32, #tpu.memory_space<vmem>>, vector<16xf32>,
          tpu.vector_store %arg11[%swap3A_407, %swap3A_408], %mul3A_406 {strides = array<i32>} : memref<128x80xf32, #tpu.memory_space<vmem>>, vector<16xf32>,
          %mul3A_410 = arith.constant 16 : i32
          %mul3A_411 = arith.muli %scan3A_113, %mul3A_410 : i32
          %add3A_412 = arith.constant 4 : i32
          %add3A_413 = arith.addi %mul3A_411, %add3A_412 : i32
          %broadcast_in_dim3A_414 = arith.constant 4 : i32
          %broadcast_in_dim3A_415 = vector.broadcast %broadcast_in_dim3A_414 : i32 to vector<16xi32>
          %reshape3A_416 = vector.shape_cast %broadcast_in_dim3A_415 : vector<16xi32> to vector<16x1xi32>
          %gather3A_417 = vector.shape_cast %reshape3A_416 : vector<16x1xi32> to vector<16xi32>
          %gather3A_418 = tpu.dynamic_gather %mul3A_120[%gather3A_417] in [0] : vector<16xi32>, vector<16xi32> -> vector<16xi32>
          %add3A_419 = arith.addi %gather3A_418, %iota3A : vector<16xi32>
          %gather3A_420 = tpu.vector_load_idx %arg12[%add3A_419] : memref<40016xf32, #tpu.memory_space<vmem>>[vector<16xi32>], vector<16xf32>,
          %get3A_421 = arith.index_cast %add3A_413 : i32 to index
          %get3A_422 = arith.constant 0 : index
          %get3A_423 = tpu.vector_load %arg10[%get3A_421, %get3A_422] {strides = array<i32>} : memref<128x80xf32, #tpu.memory_space<vmem>>, vector<16xf32>,
          %add3A_424 = arith.addf %get3A_423, %gather3A_420 : vector<16xf32>
          %mul3A_425 = arith.constant 2.000000e-01 : f32
          %mul3A_426 = vector.broadcast %mul3A_425 : f32 to vector<16xf32>
          %mul3A_427 = arith.mulf %add3A_424, %mul3A_426 : vector<16xf32>
          %max3A_428 = arith.maximumf %add3A_424, %mul3A_427 : vector<16xf32>
          %exp3A_429 = math.exp %max3A_428 : vector<16xf32>
          %jit3A_430 = arith.constant 0.000000e+00 : f32
          %broadcast_in_dim3A_431 = vector.broadcast %jit3A_430 : f32 to vector<16xf32>
          %select_n3A_432 = arith.select %lt3A_6, %exp3A_429, %broadcast_in_dim3A_431 : vector<16xi1>, vector<16xf32>
          %swap3A_433 = arith.index_cast %add3A_413 : i32 to index
          %swap3A_434 = arith.constant 0 : index
          %swap3A_435 = tpu.vector_load %arg11[%swap3A_433, %swap3A_434] {strides = array<i32>} : memref<128x80xf32, #tpu.memory_space<vmem>>, vector<16xf32>,
          tpu.vector_store %arg11[%swap3A_433, %swap3A_434], %select_n3A_432 {strides = array<i32>} : memref<128x80xf32, #tpu.memory_space<vmem>>, vector<16xf32>,
          %broadcast_in_dim3A_436 = arith.constant 0 : i32
          %broadcast_in_dim3A_437 = vector.broadcast %broadcast_in_dim3A_436 : i32 to vector<16xi32>
          %reshape3A_438 = vector.shape_cast %broadcast_in_dim3A_437 : vector<16xi32> to vector<16x1xi32>
          %gather3A_439 = vector.shape_cast %reshape3A_438 : vector<16x1xi32> to vector<16xi32>
          %gather3A_440 = tpu.dynamic_gather %select_n3A_432[%gather3A_439] in [0] : vector<16xf32>, vector<16xi32> -> vector<16xf32>
          %get3A_441 = arith.index_cast %add3A_413 : i32 to index
          %get3A_442 = arith.constant 16 : index
          %get3A_443 = tpu.vector_load %arg10[%get3A_441, %get3A_442] {strides = array<i32>} : memref<128x80xf32, #tpu.memory_space<vmem>>, vector<16xf32>,
          %mul3A_444 = arith.mulf %get3A_443, %gather3A_440 : vector<16xf32>
          %swap3A_445 = arith.index_cast %add3A_413 : i32 to index
          %swap3A_446 = arith.constant 16 : index
          %swap3A_447 = tpu.vector_load %arg11[%swap3A_445, %swap3A_446] {strides = array<i32>} : memref<128x80xf32, #tpu.memory_space<vmem>>, vector<16xf32>,
          tpu.vector_store %arg11[%swap3A_445, %swap3A_446], %mul3A_444 {strides = array<i32>} : memref<128x80xf32, #tpu.memory_space<vmem>>, vector<16xf32>,
          %broadcast_in_dim3A_448 = arith.constant 1 : i32
          %broadcast_in_dim3A_449 = vector.broadcast %broadcast_in_dim3A_448 : i32 to vector<16xi32>
          %reshape3A_450 = vector.shape_cast %broadcast_in_dim3A_449 : vector<16xi32> to vector<16x1xi32>
          %gather3A_451 = vector.shape_cast %reshape3A_450 : vector<16x1xi32> to vector<16xi32>
          %gather3A_452 = tpu.dynamic_gather %select_n3A_432[%gather3A_451] in [0] : vector<16xf32>, vector<16xi32> -> vector<16xf32>
          %get3A_453 = arith.index_cast %add3A_413 : i32 to index
          %get3A_454 = arith.constant 32 : index
          %get3A_455 = tpu.vector_load %arg10[%get3A_453, %get3A_454] {strides = array<i32>} : memref<128x80xf32, #tpu.memory_space<vmem>>, vector<16xf32>,
          %mul3A_456 = arith.mulf %get3A_455, %gather3A_452 : vector<16xf32>
          %swap3A_457 = arith.index_cast %add3A_413 : i32 to index
          %swap3A_458 = arith.constant 32 : index
          %swap3A_459 = tpu.vector_load %arg11[%swap3A_457, %swap3A_458] {strides = array<i32>} : memref<128x80xf32, #tpu.memory_space<vmem>>, vector<16xf32>,
          tpu.vector_store %arg11[%swap3A_457, %swap3A_458], %mul3A_456 {strides = array<i32>} : memref<128x80xf32, #tpu.memory_space<vmem>>, vector<16xf32>,
          %broadcast_in_dim3A_460 = arith.constant 2 : i32
          %broadcast_in_dim3A_461 = vector.broadcast %broadcast_in_dim3A_460 : i32 to vector<16xi32>
          %reshape3A_462 = vector.shape_cast %broadcast_in_dim3A_461 : vector<16xi32> to vector<16x1xi32>
          %gather3A_463 = vector.shape_cast %reshape3A_462 : vector<16x1xi32> to vector<16xi32>
          %gather3A_464 = tpu.dynamic_gather %select_n3A_432[%gather3A_463] in [0] : vector<16xf32>, vector<16xi32> -> vector<16xf32>
          %get3A_465 = arith.index_cast %add3A_413 : i32 to index
          %get3A_466 = arith.constant 48 : index
          %get3A_467 = tpu.vector_load %arg10[%get3A_465, %get3A_466] {strides = array<i32>} : memref<128x80xf32, #tpu.memory_space<vmem>>, vector<16xf32>,
          %mul3A_468 = arith.mulf %get3A_467, %gather3A_464 : vector<16xf32>
          %swap3A_469 = arith.index_cast %add3A_413 : i32 to index
          %swap3A_470 = arith.constant 48 : index
          %swap3A_471 = tpu.vector_load %arg11[%swap3A_469, %swap3A_470] {strides = array<i32>} : memref<128x80xf32, #tpu.memory_space<vmem>>, vector<16xf32>,
          tpu.vector_store %arg11[%swap3A_469, %swap3A_470], %mul3A_468 {strides = array<i32>} : memref<128x80xf32, #tpu.memory_space<vmem>>, vector<16xf32>,
          %broadcast_in_dim3A_472 = arith.constant 3 : i32
          %broadcast_in_dim3A_473 = vector.broadcast %broadcast_in_dim3A_472 : i32 to vector<16xi32>
          %reshape3A_474 = vector.shape_cast %broadcast_in_dim3A_473 : vector<16xi32> to vector<16x1xi32>
          %gather3A_475 = vector.shape_cast %reshape3A_474 : vector<16x1xi32> to vector<16xi32>
          %gather3A_476 = tpu.dynamic_gather %select_n3A_432[%gather3A_475] in [0] : vector<16xf32>, vector<16xi32> -> vector<16xf32>
          %get3A_477 = arith.index_cast %add3A_413 : i32 to index
          %get3A_478 = arith.constant 64 : index
          %get3A_479 = tpu.vector_load %arg10[%get3A_477, %get3A_478] {strides = array<i32>} : memref<128x80xf32, #tpu.memory_space<vmem>>, vector<16xf32>,
          %mul3A_480 = arith.mulf %get3A_479, %gather3A_476 : vector<16xf32>
          %swap3A_481 = arith.index_cast %add3A_413 : i32 to index
          %swap3A_482 = arith.constant 64 : index
          %swap3A_483 = tpu.vector_load %arg11[%swap3A_481, %swap3A_482] {strides = array<i32>} : memref<128x80xf32, #tpu.memory_space<vmem>>, vector<16xf32>,
          tpu.vector_store %arg11[%swap3A_481, %swap3A_482], %mul3A_480 {strides = array<i32>} : memref<128x80xf32, #tpu.memory_space<vmem>>, vector<16xf32>,
          %mul3A_484 = arith.constant 16 : i32
          %mul3A_485 = arith.muli %scan3A_113, %mul3A_484 : i32
          %add3A_486 = arith.constant 5 : i32
          %add3A_487 = arith.addi %mul3A_485, %add3A_486 : i32
          %broadcast_in_dim3A_488 = arith.constant 5 : i32
          %broadcast_in_dim3A_489 = vector.broadcast %broadcast_in_dim3A_488 : i32 to vector<16xi32>
          %reshape3A_490 = vector.shape_cast %broadcast_in_dim3A_489 : vector<16xi32> to vector<16x1xi32>
          %gather3A_491 = vector.shape_cast %reshape3A_490 : vector<16x1xi32> to vector<16xi32>
          %gather3A_492 = tpu.dynamic_gather %mul3A_120[%gather3A_491] in [0] : vector<16xi32>, vector<16xi32> -> vector<16xi32>
          %add3A_493 = arith.addi %gather3A_492, %iota3A : vector<16xi32>
          %gather3A_494 = tpu.vector_load_idx %arg12[%add3A_493] : memref<40016xf32, #tpu.memory_space<vmem>>[vector<16xi32>], vector<16xf32>,
          %get3A_495 = arith.index_cast %add3A_487 : i32 to index
          %get3A_496 = arith.constant 0 : index
          %get3A_497 = tpu.vector_load %arg10[%get3A_495, %get3A_496] {strides = array<i32>} : memref<128x80xf32, #tpu.memory_space<vmem>>, vector<16xf32>,
          %add3A_498 = arith.addf %get3A_497, %gather3A_494 : vector<16xf32>
          %mul3A_499 = arith.constant 2.000000e-01 : f32
          %mul3A_500 = vector.broadcast %mul3A_499 : f32 to vector<16xf32>
          %mul3A_501 = arith.mulf %add3A_498, %mul3A_500 : vector<16xf32>
          %max3A_502 = arith.maximumf %add3A_498, %mul3A_501 : vector<16xf32>
          %exp3A_503 = math.exp %max3A_502 : vector<16xf32>
          %jit3A_504 = arith.constant 0.000000e+00 : f32
          %broadcast_in_dim3A_505 = vector.broadcast %jit3A_504 : f32 to vector<16xf32>
          %select_n3A_506 = arith.select %lt3A_6, %exp3A_503, %broadcast_in_dim3A_505 : vector<16xi1>, vector<16xf32>
          %swap3A_507 = arith.index_cast %add3A_487 : i32 to index
          %swap3A_508 = arith.constant 0 : index
          %swap3A_509 = tpu.vector_load %arg11[%swap3A_507, %swap3A_508] {strides = array<i32>} : memref<128x80xf32, #tpu.memory_space<vmem>>, vector<16xf32>,
          tpu.vector_store %arg11[%swap3A_507, %swap3A_508], %select_n3A_506 {strides = array<i32>} : memref<128x80xf32, #tpu.memory_space<vmem>>, vector<16xf32>,
          %broadcast_in_dim3A_510 = arith.constant 0 : i32
          %broadcast_in_dim3A_511 = vector.broadcast %broadcast_in_dim3A_510 : i32 to vector<16xi32>
          %reshape3A_512 = vector.shape_cast %broadcast_in_dim3A_511 : vector<16xi32> to vector<16x1xi32>
          %gather3A_513 = vector.shape_cast %reshape3A_512 : vector<16x1xi32> to vector<16xi32>
          %gather3A_514 = tpu.dynamic_gather %select_n3A_506[%gather3A_513] in [0] : vector<16xf32>, vector<16xi32> -> vector<16xf32>
          %get3A_515 = arith.index_cast %add3A_487 : i32 to index
          %get3A_516 = arith.constant 16 : index
          %get3A_517 = tpu.vector_load %arg10[%get3A_515, %get3A_516] {strides = array<i32>} : memref<128x80xf32, #tpu.memory_space<vmem>>, vector<16xf32>,
          %mul3A_518 = arith.mulf %get3A_517, %gather3A_514 : vector<16xf32>
          %swap3A_519 = arith.index_cast %add3A_487 : i32 to index
          %swap3A_520 = arith.constant 16 : index
          %swap3A_521 = tpu.vector_load %arg11[%swap3A_519, %swap3A_520] {strides = array<i32>} : memref<128x80xf32, #tpu.memory_space<vmem>>, vector<16xf32>,
          tpu.vector_store %arg11[%swap3A_519, %swap3A_520], %mul3A_518 {strides = array<i32>} : memref<128x80xf32, #tpu.memory_space<vmem>>, vector<16xf32>,
          %broadcast_in_dim3A_522 = arith.constant 1 : i32
          %broadcast_in_dim3A_523 = vector.broadcast %broadcast_in_dim3A_522 : i32 to vector<16xi32>
          %reshape3A_524 = vector.shape_cast %broadcast_in_dim3A_523 : vector<16xi32> to vector<16x1xi32>
          %gather3A_525 = vector.shape_cast %reshape3A_524 : vector<16x1xi32> to vector<16xi32>
          %gather3A_526 = tpu.dynamic_gather %select_n3A_506[%gather3A_525] in [0] : vector<16xf32>, vector<16xi32> -> vector<16xf32>
          %get3A_527 = arith.index_cast %add3A_487 : i32 to index
          %get3A_528 = arith.constant 32 : index
          %get3A_529 = tpu.vector_load %arg10[%get3A_527, %get3A_528] {strides = array<i32>} : memref<128x80xf32, #tpu.memory_space<vmem>>, vector<16xf32>,
          %mul3A_530 = arith.mulf %get3A_529, %gather3A_526 : vector<16xf32>
          %swap3A_531 = arith.index_cast %add3A_487 : i32 to index
          %swap3A_532 = arith.constant 32 : index
          %swap3A_533 = tpu.vector_load %arg11[%swap3A_531, %swap3A_532] {strides = array<i32>} : memref<128x80xf32, #tpu.memory_space<vmem>>, vector<16xf32>,
          tpu.vector_store %arg11[%swap3A_531, %swap3A_532], %mul3A_530 {strides = array<i32>} : memref<128x80xf32, #tpu.memory_space<vmem>>, vector<16xf32>,
          %broadcast_in_dim3A_534 = arith.constant 2 : i32
          %broadcast_in_dim3A_535 = vector.broadcast %broadcast_in_dim3A_534 : i32 to vector<16xi32>
          %reshape3A_536 = vector.shape_cast %broadcast_in_dim3A_535 : vector<16xi32> to vector<16x1xi32>
          %gather3A_537 = vector.shape_cast %reshape3A_536 : vector<16x1xi32> to vector<16xi32>
          %gather3A_538 = tpu.dynamic_gather %select_n3A_506[%gather3A_537] in [0] : vector<16xf32>, vector<16xi32> -> vector<16xf32>
          %get3A_539 = arith.index_cast %add3A_487 : i32 to index
          %get3A_540 = arith.constant 48 : index
          %get3A_541 = tpu.vector_load %arg10[%get3A_539, %get3A_540] {strides = array<i32>} : memref<128x80xf32, #tpu.memory_space<vmem>>, vector<16xf32>,
          %mul3A_542 = arith.mulf %get3A_541, %gather3A_538 : vector<16xf32>
          %swap3A_543 = arith.index_cast %add3A_487 : i32 to index
          %swap3A_544 = arith.constant 48 : index
          %swap3A_545 = tpu.vector_load %arg11[%swap3A_543, %swap3A_544] {strides = array<i32>} : memref<128x80xf32, #tpu.memory_space<vmem>>, vector<16xf32>,
          tpu.vector_store %arg11[%swap3A_543, %swap3A_544], %mul3A_542 {strides = array<i32>} : memref<128x80xf32, #tpu.memory_space<vmem>>, vector<16xf32>,
          %broadcast_in_dim3A_546 = arith.constant 3 : i32
          %broadcast_in_dim3A_547 = vector.broadcast %broadcast_in_dim3A_546 : i32 to vector<16xi32>
          %reshape3A_548 = vector.shape_cast %broadcast_in_dim3A_547 : vector<16xi32> to vector<16x1xi32>
          %gather3A_549 = vector.shape_cast %reshape3A_548 : vector<16x1xi32> to vector<16xi32>
          %gather3A_550 = tpu.dynamic_gather %select_n3A_506[%gather3A_549] in [0] : vector<16xf32>, vector<16xi32> -> vector<16xf32>
          %get3A_551 = arith.index_cast %add3A_487 : i32 to index
          %get3A_552 = arith.constant 64 : index
          %get3A_553 = tpu.vector_load %arg10[%get3A_551, %get3A_552] {strides = array<i32>} : memref<128x80xf32, #tpu.memory_space<vmem>>, vector<16xf32>,
          %mul3A_554 = arith.mulf %get3A_553, %gather3A_550 : vector<16xf32>
          %swap3A_555 = arith.index_cast %add3A_487 : i32 to index
          %swap3A_556 = arith.constant 64 : index
          %swap3A_557 = tpu.vector_load %arg11[%swap3A_555, %swap3A_556] {strides = array<i32>} : memref<128x80xf32, #tpu.memory_space<vmem>>, vector<16xf32>,
          tpu.vector_store %arg11[%swap3A_555, %swap3A_556], %mul3A_554 {strides = array<i32>} : memref<128x80xf32, #tpu.memory_space<vmem>>, vector<16xf32>,
          %mul3A_558 = arith.constant 16 : i32
          %mul3A_559 = arith.muli %scan3A_113, %mul3A_558 : i32
          %add3A_560 = arith.constant 6 : i32
          %add3A_561 = arith.addi %mul3A_559, %add3A_560 : i32
          %broadcast_in_dim3A_562 = arith.constant 6 : i32
          %broadcast_in_dim3A_563 = vector.broadcast %broadcast_in_dim3A_562 : i32 to vector<16xi32>
          %reshape3A_564 = vector.shape_cast %broadcast_in_dim3A_563 : vector<16xi32> to vector<16x1xi32>
          %gather3A_565 = vector.shape_cast %reshape3A_564 : vector<16x1xi32> to vector<16xi32>
          %gather3A_566 = tpu.dynamic_gather %mul3A_120[%gather3A_565] in [0] : vector<16xi32>, vector<16xi32> -> vector<16xi32>
          %add3A_567 = arith.addi %gather3A_566, %iota3A : vector<16xi32>
          %gather3A_568 = tpu.vector_load_idx %arg12[%add3A_567] : memref<40016xf32, #tpu.memory_space<vmem>>[vector<16xi32>], vector<16xf32>,
          %get3A_569 = arith.index_cast %add3A_561 : i32 to index
          %get3A_570 = arith.constant 0 : index
          %get3A_571 = tpu.vector_load %arg10[%get3A_569, %get3A_570] {strides = array<i32>} : memref<128x80xf32, #tpu.memory_space<vmem>>, vector<16xf32>,
          %add3A_572 = arith.addf %get3A_571, %gather3A_568 : vector<16xf32>
          %mul3A_573 = arith.constant 2.000000e-01 : f32
          %mul3A_574 = vector.broadcast %mul3A_573 : f32 to vector<16xf32>
          %mul3A_575 = arith.mulf %add3A_572, %mul3A_574 : vector<16xf32>
          %max3A_576 = arith.maximumf %add3A_572, %mul3A_575 : vector<16xf32>
          %exp3A_577 = math.exp %max3A_576 : vector<16xf32>
          %jit3A_578 = arith.constant 0.000000e+00 : f32
          %broadcast_in_dim3A_579 = vector.broadcast %jit3A_578 : f32 to vector<16xf32>
          %select_n3A_580 = arith.select %lt3A_6, %exp3A_577, %broadcast_in_dim3A_579 : vector<16xi1>, vector<16xf32>
          %swap3A_581 = arith.index_cast %add3A_561 : i32 to index
          %swap3A_582 = arith.constant 0 : index
          %swap3A_583 = tpu.vector_load %arg11[%swap3A_581, %swap3A_582] {strides = array<i32>} : memref<128x80xf32, #tpu.memory_space<vmem>>, vector<16xf32>,
          tpu.vector_store %arg11[%swap3A_581, %swap3A_582], %select_n3A_580 {strides = array<i32>} : memref<128x80xf32, #tpu.memory_space<vmem>>, vector<16xf32>,
          %broadcast_in_dim3A_584 = arith.constant 0 : i32
          %broadcast_in_dim3A_585 = vector.broadcast %broadcast_in_dim3A_584 : i32 to vector<16xi32>
          %reshape3A_586 = vector.shape_cast %broadcast_in_dim3A_585 : vector<16xi32> to vector<16x1xi32>
          %gather3A_587 = vector.shape_cast %reshape3A_586 : vector<16x1xi32> to vector<16xi32>
          %gather3A_588 = tpu.dynamic_gather %select_n3A_580[%gather3A_587] in [0] : vector<16xf32>, vector<16xi32> -> vector<16xf32>
          %get3A_589 = arith.index_cast %add3A_561 : i32 to index
          %get3A_590 = arith.constant 16 : index
          %get3A_591 = tpu.vector_load %arg10[%get3A_589, %get3A_590] {strides = array<i32>} : memref<128x80xf32, #tpu.memory_space<vmem>>, vector<16xf32>,
          %mul3A_592 = arith.mulf %get3A_591, %gather3A_588 : vector<16xf32>
          %swap3A_593 = arith.index_cast %add3A_561 : i32 to index
          %swap3A_594 = arith.constant 16 : index
          %swap3A_595 = tpu.vector_load %arg11[%swap3A_593, %swap3A_594] {strides = array<i32>} : memref<128x80xf32, #tpu.memory_space<vmem>>, vector<16xf32>,
          tpu.vector_store %arg11[%swap3A_593, %swap3A_594], %mul3A_592 {strides = array<i32>} : memref<128x80xf32, #tpu.memory_space<vmem>>, vector<16xf32>,
          %broadcast_in_dim3A_596 = arith.constant 1 : i32
          %broadcast_in_dim3A_597 = vector.broadcast %broadcast_in_dim3A_596 : i32 to vector<16xi32>
          %reshape3A_598 = vector.shape_cast %broadcast_in_dim3A_597 : vector<16xi32> to vector<16x1xi32>
          %gather3A_599 = vector.shape_cast %reshape3A_598 : vector<16x1xi32> to vector<16xi32>
          %gather3A_600 = tpu.dynamic_gather %select_n3A_580[%gather3A_599] in [0] : vector<16xf32>, vector<16xi32> -> vector<16xf32>
          %get3A_601 = arith.index_cast %add3A_561 : i32 to index
          %get3A_602 = arith.constant 32 : index
          %get3A_603 = tpu.vector_load %arg10[%get3A_601, %get3A_602] {strides = array<i32>} : memref<128x80xf32, #tpu.memory_space<vmem>>, vector<16xf32>,
          %mul3A_604 = arith.mulf %get3A_603, %gather3A_600 : vector<16xf32>
          %swap3A_605 = arith.index_cast %add3A_561 : i32 to index
          %swap3A_606 = arith.constant 32 : index
          %swap3A_607 = tpu.vector_load %arg11[%swap3A_605, %swap3A_606] {strides = array<i32>} : memref<128x80xf32, #tpu.memory_space<vmem>>, vector<16xf32>,
          tpu.vector_store %arg11[%swap3A_605, %swap3A_606], %mul3A_604 {strides = array<i32>} : memref<128x80xf32, #tpu.memory_space<vmem>>, vector<16xf32>,
          %broadcast_in_dim3A_608 = arith.constant 2 : i32
          %broadcast_in_dim3A_609 = vector.broadcast %broadcast_in_dim3A_608 : i32 to vector<16xi32>
          %reshape3A_610 = vector.shape_cast %broadcast_in_dim3A_609 : vector<16xi32> to vector<16x1xi32>
          %gather3A_611 = vector.shape_cast %reshape3A_610 : vector<16x1xi32> to vector<16xi32>
          %gather3A_612 = tpu.dynamic_gather %select_n3A_580[%gather3A_611] in [0] : vector<16xf32>, vector<16xi32> -> vector<16xf32>
          %get3A_613 = arith.index_cast %add3A_561 : i32 to index
          %get3A_614 = arith.constant 48 : index
          %get3A_615 = tpu.vector_load %arg10[%get3A_613, %get3A_614] {strides = array<i32>} : memref<128x80xf32, #tpu.memory_space<vmem>>, vector<16xf32>,
          %mul3A_616 = arith.mulf %get3A_615, %gather3A_612 : vector<16xf32>
          %swap3A_617 = arith.index_cast %add3A_561 : i32 to index
          %swap3A_618 = arith.constant 48 : index
          %swap3A_619 = tpu.vector_load %arg11[%swap3A_617, %swap3A_618] {strides = array<i32>} : memref<128x80xf32, #tpu.memory_space<vmem>>, vector<16xf32>,
          tpu.vector_store %arg11[%swap3A_617, %swap3A_618], %mul3A_616 {strides = array<i32>} : memref<128x80xf32, #tpu.memory_space<vmem>>, vector<16xf32>,
          %broadcast_in_dim3A_620 = arith.constant 3 : i32
          %broadcast_in_dim3A_621 = vector.broadcast %broadcast_in_dim3A_620 : i32 to vector<16xi32>
          %reshape3A_622 = vector.shape_cast %broadcast_in_dim3A_621 : vector<16xi32> to vector<16x1xi32>
          %gather3A_623 = vector.shape_cast %reshape3A_622 : vector<16x1xi32> to vector<16xi32>
          %gather3A_624 = tpu.dynamic_gather %select_n3A_580[%gather3A_623] in [0] : vector<16xf32>, vector<16xi32> -> vector<16xf32>
          %get3A_625 = arith.index_cast %add3A_561 : i32 to index
          %get3A_626 = arith.constant 64 : index
          %get3A_627 = tpu.vector_load %arg10[%get3A_625, %get3A_626] {strides = array<i32>} : memref<128x80xf32, #tpu.memory_space<vmem>>, vector<16xf32>,
          %mul3A_628 = arith.mulf %get3A_627, %gather3A_624 : vector<16xf32>
          %swap3A_629 = arith.index_cast %add3A_561 : i32 to index
          %swap3A_630 = arith.constant 64 : index
          %swap3A_631 = tpu.vector_load %arg11[%swap3A_629, %swap3A_630] {strides = array<i32>} : memref<128x80xf32, #tpu.memory_space<vmem>>, vector<16xf32>,
          tpu.vector_store %arg11[%swap3A_629, %swap3A_630], %mul3A_628 {strides = array<i32>} : memref<128x80xf32, #tpu.memory_space<vmem>>, vector<16xf32>,
          %mul3A_632 = arith.constant 16 : i32
          %mul3A_633 = arith.muli %scan3A_113, %mul3A_632 : i32
          %add3A_634 = arith.constant 7 : i32
          %add3A_635 = arith.addi %mul3A_633, %add3A_634 : i32
          %broadcast_in_dim3A_636 = arith.constant 7 : i32
          %broadcast_in_dim3A_637 = vector.broadcast %broadcast_in_dim3A_636 : i32 to vector<16xi32>
          %reshape3A_638 = vector.shape_cast %broadcast_in_dim3A_637 : vector<16xi32> to vector<16x1xi32>
          %gather3A_639 = vector.shape_cast %reshape3A_638 : vector<16x1xi32> to vector<16xi32>
          %gather3A_640 = tpu.dynamic_gather %mul3A_120[%gather3A_639] in [0] : vector<16xi32>, vector<16xi32> -> vector<16xi32>
          %add3A_641 = arith.addi %gather3A_640, %iota3A : vector<16xi32>
          %gather3A_642 = tpu.vector_load_idx %arg12[%add3A_641] : memref<40016xf32, #tpu.memory_space<vmem>>[vector<16xi32>], vector<16xf32>,
          %get3A_643 = arith.index_cast %add3A_635 : i32 to index
          %get3A_644 = arith.constant 0 : index
          %get3A_645 = tpu.vector_load %arg10[%get3A_643, %get3A_644] {strides = array<i32>} : memref<128x80xf32, #tpu.memory_space<vmem>>, vector<16xf32>,
          %add3A_646 = arith.addf %get3A_645, %gather3A_642 : vector<16xf32>
          %mul3A_647 = arith.constant 2.000000e-01 : f32
          %mul3A_648 = vector.broadcast %mul3A_647 : f32 to vector<16xf32>
          %mul3A_649 = arith.mulf %add3A_646, %mul3A_648 : vector<16xf32>
          %max3A_650 = arith.maximumf %add3A_646, %mul3A_649 : vector<16xf32>
          %exp3A_651 = math.exp %max3A_650 : vector<16xf32>
          %jit3A_652 = arith.constant 0.000000e+00 : f32
          %broadcast_in_dim3A_653 = vector.broadcast %jit3A_652 : f32 to vector<16xf32>
          %select_n3A_654 = arith.select %lt3A_6, %exp3A_651, %broadcast_in_dim3A_653 : vector<16xi1>, vector<16xf32>
          %swap3A_655 = arith.index_cast %add3A_635 : i32 to index
          %swap3A_656 = arith.constant 0 : index
          %swap3A_657 = tpu.vector_load %arg11[%swap3A_655, %swap3A_656] {strides = array<i32>} : memref<128x80xf32, #tpu.memory_space<vmem>>, vector<16xf32>,
          tpu.vector_store %arg11[%swap3A_655, %swap3A_656], %select_n3A_654 {strides = array<i32>} : memref<128x80xf32, #tpu.memory_space<vmem>>, vector<16xf32>,
          %broadcast_in_dim3A_658 = arith.constant 0 : i32
          %broadcast_in_dim3A_659 = vector.broadcast %broadcast_in_dim3A_658 : i32 to vector<16xi32>
          %reshape3A_660 = vector.shape_cast %broadcast_in_dim3A_659 : vector<16xi32> to vector<16x1xi32>
          %gather3A_661 = vector.shape_cast %reshape3A_660 : vector<16x1xi32> to vector<16xi32>
          %gather3A_662 = tpu.dynamic_gather %select_n3A_654[%gather3A_661] in [0] : vector<16xf32>, vector<16xi32> -> vector<16xf32>
          %get3A_663 = arith.index_cast %add3A_635 : i32 to index
          %get3A_664 = arith.constant 16 : index
          %get3A_665 = tpu.vector_load %arg10[%get3A_663, %get3A_664] {strides = array<i32>} : memref<128x80xf32, #tpu.memory_space<vmem>>, vector<16xf32>,
          %mul3A_666 = arith.mulf %get3A_665, %gather3A_662 : vector<16xf32>
          %swap3A_667 = arith.index_cast %add3A_635 : i32 to index
          %swap3A_668 = arith.constant 16 : index
          %swap3A_669 = tpu.vector_load %arg11[%swap3A_667, %swap3A_668] {strides = array<i32>} : memref<128x80xf32, #tpu.memory_space<vmem>>, vector<16xf32>,
          tpu.vector_store %arg11[%swap3A_667, %swap3A_668], %mul3A_666 {strides = array<i32>} : memref<128x80xf32, #tpu.memory_space<vmem>>, vector<16xf32>,
          %broadcast_in_dim3A_670 = arith.constant 1 : i32
          %broadcast_in_dim3A_671 = vector.broadcast %broadcast_in_dim3A_670 : i32 to vector<16xi32>
          %reshape3A_672 = vector.shape_cast %broadcast_in_dim3A_671 : vector<16xi32> to vector<16x1xi32>
          %gather3A_673 = vector.shape_cast %reshape3A_672 : vector<16x1xi32> to vector<16xi32>
          %gather3A_674 = tpu.dynamic_gather %select_n3A_654[%gather3A_673] in [0] : vector<16xf32>, vector<16xi32> -> vector<16xf32>
          %get3A_675 = arith.index_cast %add3A_635 : i32 to index
          %get3A_676 = arith.constant 32 : index
          %get3A_677 = tpu.vector_load %arg10[%get3A_675, %get3A_676] {strides = array<i32>} : memref<128x80xf32, #tpu.memory_space<vmem>>, vector<16xf32>,
          %mul3A_678 = arith.mulf %get3A_677, %gather3A_674 : vector<16xf32>
          %swap3A_679 = arith.index_cast %add3A_635 : i32 to index
          %swap3A_680 = arith.constant 32 : index
          %swap3A_681 = tpu.vector_load %arg11[%swap3A_679, %swap3A_680] {strides = array<i32>} : memref<128x80xf32, #tpu.memory_space<vmem>>, vector<16xf32>,
          tpu.vector_store %arg11[%swap3A_679, %swap3A_680], %mul3A_678 {strides = array<i32>} : memref<128x80xf32, #tpu.memory_space<vmem>>, vector<16xf32>,
          %broadcast_in_dim3A_682 = arith.constant 2 : i32
          %broadcast_in_dim3A_683 = vector.broadcast %broadcast_in_dim3A_682 : i32 to vector<16xi32>
          %reshape3A_684 = vector.shape_cast %broadcast_in_dim3A_683 : vector<16xi32> to vector<16x1xi32>
          %gather3A_685 = vector.shape_cast %reshape3A_684 : vector<16x1xi32> to vector<16xi32>
          %gather3A_686 = tpu.dynamic_gather %select_n3A_654[%gather3A_685] in [0] : vector<16xf32>, vector<16xi32> -> vector<16xf32>
          %get3A_687 = arith.index_cast %add3A_635 : i32 to index
          %get3A_688 = arith.constant 48 : index
          %get3A_689 = tpu.vector_load %arg10[%get3A_687, %get3A_688] {strides = array<i32>} : memref<128x80xf32, #tpu.memory_space<vmem>>, vector<16xf32>,
          %mul3A_690 = arith.mulf %get3A_689, %gather3A_686 : vector<16xf32>
          %swap3A_691 = arith.index_cast %add3A_635 : i32 to index
          %swap3A_692 = arith.constant 48 : index
          %swap3A_693 = tpu.vector_load %arg11[%swap3A_691, %swap3A_692] {strides = array<i32>} : memref<128x80xf32, #tpu.memory_space<vmem>>, vector<16xf32>,
          tpu.vector_store %arg11[%swap3A_691, %swap3A_692], %mul3A_690 {strides = array<i32>} : memref<128x80xf32, #tpu.memory_space<vmem>>, vector<16xf32>,
          %broadcast_in_dim3A_694 = arith.constant 3 : i32
          %broadcast_in_dim3A_695 = vector.broadcast %broadcast_in_dim3A_694 : i32 to vector<16xi32>
          %reshape3A_696 = vector.shape_cast %broadcast_in_dim3A_695 : vector<16xi32> to vector<16x1xi32>
          %gather3A_697 = vector.shape_cast %reshape3A_696 : vector<16x1xi32> to vector<16xi32>
          %gather3A_698 = tpu.dynamic_gather %select_n3A_654[%gather3A_697] in [0] : vector<16xf32>, vector<16xi32> -> vector<16xf32>
          %get3A_699 = arith.index_cast %add3A_635 : i32 to index
          %get3A_700 = arith.constant 64 : index
          %get3A_701 = tpu.vector_load %arg10[%get3A_699, %get3A_700] {strides = array<i32>} : memref<128x80xf32, #tpu.memory_space<vmem>>, vector<16xf32>,
          %mul3A_702 = arith.mulf %get3A_701, %gather3A_698 : vector<16xf32>
          %swap3A_703 = arith.index_cast %add3A_635 : i32 to index
          %swap3A_704 = arith.constant 64 : index
          %swap3A_705 = tpu.vector_load %arg11[%swap3A_703, %swap3A_704] {strides = array<i32>} : memref<128x80xf32, #tpu.memory_space<vmem>>, vector<16xf32>,
          tpu.vector_store %arg11[%swap3A_703, %swap3A_704], %mul3A_702 {strides = array<i32>} : memref<128x80xf32, #tpu.memory_space<vmem>>, vector<16xf32>,
          %mul3A_706 = arith.constant 16 : i32
          %mul3A_707 = arith.muli %scan3A_113, %mul3A_706 : i32
          %add3A_708 = arith.constant 8 : i32
          %add3A_709 = arith.addi %mul3A_707, %add3A_708 : i32
          %broadcast_in_dim3A_710 = arith.constant 8 : i32
          %broadcast_in_dim3A_711 = vector.broadcast %broadcast_in_dim3A_710 : i32 to vector<16xi32>
          %reshape3A_712 = vector.shape_cast %broadcast_in_dim3A_711 : vector<16xi32> to vector<16x1xi32>
          %gather3A_713 = vector.shape_cast %reshape3A_712 : vector<16x1xi32> to vector<16xi32>
          %gather3A_714 = tpu.dynamic_gather %mul3A_120[%gather3A_713] in [0] : vector<16xi32>, vector<16xi32> -> vector<16xi32>
          %add3A_715 = arith.addi %gather3A_714, %iota3A : vector<16xi32>
          %gather3A_716 = tpu.vector_load_idx %arg12[%add3A_715] : memref<40016xf32, #tpu.memory_space<vmem>>[vector<16xi32>], vector<16xf32>,
          %get3A_717 = arith.index_cast %add3A_709 : i32 to index
          %get3A_718 = arith.constant 0 : index
          %get3A_719 = tpu.vector_load %arg10[%get3A_717, %get3A_718] {strides = array<i32>} : memref<128x80xf32, #tpu.memory_space<vmem>>, vector<16xf32>,
          %add3A_720 = arith.addf %get3A_719, %gather3A_716 : vector<16xf32>
          %mul3A_721 = arith.constant 2.000000e-01 : f32
          %mul3A_722 = vector.broadcast %mul3A_721 : f32 to vector<16xf32>
          %mul3A_723 = arith.mulf %add3A_720, %mul3A_722 : vector<16xf32>
          %max3A_724 = arith.maximumf %add3A_720, %mul3A_723 : vector<16xf32>
          %exp3A_725 = math.exp %max3A_724 : vector<16xf32>
          %jit3A_726 = arith.constant 0.000000e+00 : f32
          %broadcast_in_dim3A_727 = vector.broadcast %jit3A_726 : f32 to vector<16xf32>
          %select_n3A_728 = arith.select %lt3A_6, %exp3A_725, %broadcast_in_dim3A_727 : vector<16xi1>, vector<16xf32>
          %swap3A_729 = arith.index_cast %add3A_709 : i32 to index
          %swap3A_730 = arith.constant 0 : index
          %swap3A_731 = tpu.vector_load %arg11[%swap3A_729, %swap3A_730] {strides = array<i32>} : memref<128x80xf32, #tpu.memory_space<vmem>>, vector<16xf32>,
          tpu.vector_store %arg11[%swap3A_729, %swap3A_730], %select_n3A_728 {strides = array<i32>} : memref<128x80xf32, #tpu.memory_space<vmem>>, vector<16xf32>,
          %broadcast_in_dim3A_732 = arith.constant 0 : i32
          %broadcast_in_dim3A_733 = vector.broadcast %broadcast_in_dim3A_732 : i32 to vector<16xi32>
          %reshape3A_734 = vector.shape_cast %broadcast_in_dim3A_733 : vector<16xi32> to vector<16x1xi32>
          %gather3A_735 = vector.shape_cast %reshape3A_734 : vector<16x1xi32> to vector<16xi32>
          %gather3A_736 = tpu.dynamic_gather %select_n3A_728[%gather3A_735] in [0] : vector<16xf32>, vector<16xi32> -> vector<16xf32>
          %get3A_737 = arith.index_cast %add3A_709 : i32 to index
          %get3A_738 = arith.constant 16 : index
          %get3A_739 = tpu.vector_load %arg10[%get3A_737, %get3A_738] {strides = array<i32>} : memref<128x80xf32, #tpu.memory_space<vmem>>, vector<16xf32>,
          %mul3A_740 = arith.mulf %get3A_739, %gather3A_736 : vector<16xf32>
          %swap3A_741 = arith.index_cast %add3A_709 : i32 to index
          %swap3A_742 = arith.constant 16 : index
          %swap3A_743 = tpu.vector_load %arg11[%swap3A_741, %swap3A_742] {strides = array<i32>} : memref<128x80xf32, #tpu.memory_space<vmem>>, vector<16xf32>,
          tpu.vector_store %arg11[%swap3A_741, %swap3A_742], %mul3A_740 {strides = array<i32>} : memref<128x80xf32, #tpu.memory_space<vmem>>, vector<16xf32>,
          %broadcast_in_dim3A_744 = arith.constant 1 : i32
          %broadcast_in_dim3A_745 = vector.broadcast %broadcast_in_dim3A_744 : i32 to vector<16xi32>
          %reshape3A_746 = vector.shape_cast %broadcast_in_dim3A_745 : vector<16xi32> to vector<16x1xi32>
          %gather3A_747 = vector.shape_cast %reshape3A_746 : vector<16x1xi32> to vector<16xi32>
          %gather3A_748 = tpu.dynamic_gather %select_n3A_728[%gather3A_747] in [0] : vector<16xf32>, vector<16xi32> -> vector<16xf32>
          %get3A_749 = arith.index_cast %add3A_709 : i32 to index
          %get3A_750 = arith.constant 32 : index
          %get3A_751 = tpu.vector_load %arg10[%get3A_749, %get3A_750] {strides = array<i32>} : memref<128x80xf32, #tpu.memory_space<vmem>>, vector<16xf32>,
          %mul3A_752 = arith.mulf %get3A_751, %gather3A_748 : vector<16xf32>
          %swap3A_753 = arith.index_cast %add3A_709 : i32 to index
          %swap3A_754 = arith.constant 32 : index
          %swap3A_755 = tpu.vector_load %arg11[%swap3A_753, %swap3A_754] {strides = array<i32>} : memref<128x80xf32, #tpu.memory_space<vmem>>, vector<16xf32>,
          tpu.vector_store %arg11[%swap3A_753, %swap3A_754], %mul3A_752 {strides = array<i32>} : memref<128x80xf32, #tpu.memory_space<vmem>>, vector<16xf32>,
          %broadcast_in_dim3A_756 = arith.constant 2 : i32
          %broadcast_in_dim3A_757 = vector.broadcast %broadcast_in_dim3A_756 : i32 to vector<16xi32>
          %reshape3A_758 = vector.shape_cast %broadcast_in_dim3A_757 : vector<16xi32> to vector<16x1xi32>
          %gather3A_759 = vector.shape_cast %reshape3A_758 : vector<16x1xi32> to vector<16xi32>
          %gather3A_760 = tpu.dynamic_gather %select_n3A_728[%gather3A_759] in [0] : vector<16xf32>, vector<16xi32> -> vector<16xf32>
          %get3A_761 = arith.index_cast %add3A_709 : i32 to index
          %get3A_762 = arith.constant 48 : index
          %get3A_763 = tpu.vector_load %arg10[%get3A_761, %get3A_762] {strides = array<i32>} : memref<128x80xf32, #tpu.memory_space<vmem>>, vector<16xf32>,
          %mul3A_764 = arith.mulf %get3A_763, %gather3A_760 : vector<16xf32>
          %swap3A_765 = arith.index_cast %add3A_709 : i32 to index
          %swap3A_766 = arith.constant 48 : index
          %swap3A_767 = tpu.vector_load %arg11[%swap3A_765, %swap3A_766] {strides = array<i32>} : memref<128x80xf32, #tpu.memory_space<vmem>>, vector<16xf32>,
          tpu.vector_store %arg11[%swap3A_765, %swap3A_766], %mul3A_764 {strides = array<i32>} : memref<128x80xf32, #tpu.memory_space<vmem>>, vector<16xf32>,
          %broadcast_in_dim3A_768 = arith.constant 3 : i32
          %broadcast_in_dim3A_769 = vector.broadcast %broadcast_in_dim3A_768 : i32 to vector<16xi32>
          %reshape3A_770 = vector.shape_cast %broadcast_in_dim3A_769 : vector<16xi32> to vector<16x1xi32>
          %gather3A_771 = vector.shape_cast %reshape3A_770 : vector<16x1xi32> to vector<16xi32>
          %gather3A_772 = tpu.dynamic_gather %select_n3A_728[%gather3A_771] in [0] : vector<16xf32>, vector<16xi32> -> vector<16xf32>
          %get3A_773 = arith.index_cast %add3A_709 : i32 to index
          %get3A_774 = arith.constant 64 : index
          %get3A_775 = tpu.vector_load %arg10[%get3A_773, %get3A_774] {strides = array<i32>} : memref<128x80xf32, #tpu.memory_space<vmem>>, vector<16xf32>,
          %mul3A_776 = arith.mulf %get3A_775, %gather3A_772 : vector<16xf32>
          %swap3A_777 = arith.index_cast %add3A_709 : i32 to index
          %swap3A_778 = arith.constant 64 : index
          %swap3A_779 = tpu.vector_load %arg11[%swap3A_777, %swap3A_778] {strides = array<i32>} : memref<128x80xf32, #tpu.memory_space<vmem>>, vector<16xf32>,
          tpu.vector_store %arg11[%swap3A_777, %swap3A_778], %mul3A_776 {strides = array<i32>} : memref<128x80xf32, #tpu.memory_space<vmem>>, vector<16xf32>,
          %mul3A_780 = arith.constant 16 : i32
          %mul3A_781 = arith.muli %scan3A_113, %mul3A_780 : i32
          %add3A_782 = arith.constant 9 : i32
          %add3A_783 = arith.addi %mul3A_781, %add3A_782 : i32
          %broadcast_in_dim3A_784 = arith.constant 9 : i32
          %broadcast_in_dim3A_785 = vector.broadcast %broadcast_in_dim3A_784 : i32 to vector<16xi32>
          %reshape3A_786 = vector.shape_cast %broadcast_in_dim3A_785 : vector<16xi32> to vector<16x1xi32>
          %gather3A_787 = vector.shape_cast %reshape3A_786 : vector<16x1xi32> to vector<16xi32>
          %gather3A_788 = tpu.dynamic_gather %mul3A_120[%gather3A_787] in [0] : vector<16xi32>, vector<16xi32> -> vector<16xi32>
          %add3A_789 = arith.addi %gather3A_788, %iota3A : vector<16xi32>
          %gather3A_790 = tpu.vector_load_idx %arg12[%add3A_789] : memref<40016xf32, #tpu.memory_space<vmem>>[vector<16xi32>], vector<16xf32>,
          %get3A_791 = arith.index_cast %add3A_783 : i32 to index
          %get3A_792 = arith.constant 0 : index
          %get3A_793 = tpu.vector_load %arg10[%get3A_791, %get3A_792] {strides = array<i32>} : memref<128x80xf32, #tpu.memory_space<vmem>>, vector<16xf32>,
          %add3A_794 = arith.addf %get3A_793, %gather3A_790 : vector<16xf32>
          %mul3A_795 = arith.constant 2.000000e-01 : f32
          %mul3A_796 = vector.broadcast %mul3A_795 : f32 to vector<16xf32>
          %mul3A_797 = arith.mulf %add3A_794, %mul3A_796 : vector<16xf32>
          %max3A_798 = arith.maximumf %add3A_794, %mul3A_797 : vector<16xf32>
          %exp3A_799 = math.exp %max3A_798 : vector<16xf32>
          %jit3A_800 = arith.constant 0.000000e+00 : f32
          %broadcast_in_dim3A_801 = vector.broadcast %jit3A_800 : f32 to vector<16xf32>
          %select_n3A_802 = arith.select %lt3A_6, %exp3A_799, %broadcast_in_dim3A_801 : vector<16xi1>, vector<16xf32>
          %swap3A_803 = arith.index_cast %add3A_783 : i32 to index
          %swap3A_804 = arith.constant 0 : index
          %swap3A_805 = tpu.vector_load %arg11[%swap3A_803, %swap3A_804] {strides = array<i32>} : memref<128x80xf32, #tpu.memory_space<vmem>>, vector<16xf32>,
          tpu.vector_store %arg11[%swap3A_803, %swap3A_804], %select_n3A_802 {strides = array<i32>} : memref<128x80xf32, #tpu.memory_space<vmem>>, vector<16xf32>,
          %broadcast_in_dim3A_806 = arith.constant 0 : i32
          %broadcast_in_dim3A_807 = vector.broadcast %broadcast_in_dim3A_806 : i32 to vector<16xi32>
          %reshape3A_808 = vector.shape_cast %broadcast_in_dim3A_807 : vector<16xi32> to vector<16x1xi32>
          %gather3A_809 = vector.shape_cast %reshape3A_808 : vector<16x1xi32> to vector<16xi32>
          %gather3A_810 = tpu.dynamic_gather %select_n3A_802[%gather3A_809] in [0] : vector<16xf32>, vector<16xi32> -> vector<16xf32>
          %get3A_811 = arith.index_cast %add3A_783 : i32 to index
          %get3A_812 = arith.constant 16 : index
          %get3A_813 = tpu.vector_load %arg10[%get3A_811, %get3A_812] {strides = array<i32>} : memref<128x80xf32, #tpu.memory_space<vmem>>, vector<16xf32>,
          %mul3A_814 = arith.mulf %get3A_813, %gather3A_810 : vector<16xf32>
          %swap3A_815 = arith.index_cast %add3A_783 : i32 to index
          %swap3A_816 = arith.constant 16 : index
          %swap3A_817 = tpu.vector_load %arg11[%swap3A_815, %swap3A_816] {strides = array<i32>} : memref<128x80xf32, #tpu.memory_space<vmem>>, vector<16xf32>,
          tpu.vector_store %arg11[%swap3A_815, %swap3A_816], %mul3A_814 {strides = array<i32>} : memref<128x80xf32, #tpu.memory_space<vmem>>, vector<16xf32>,
          %broadcast_in_dim3A_818 = arith.constant 1 : i32
          %broadcast_in_dim3A_819 = vector.broadcast %broadcast_in_dim3A_818 : i32 to vector<16xi32>
          %reshape3A_820 = vector.shape_cast %broadcast_in_dim3A_819 : vector<16xi32> to vector<16x1xi32>
          %gather3A_821 = vector.shape_cast %reshape3A_820 : vector<16x1xi32> to vector<16xi32>
          %gather3A_822 = tpu.dynamic_gather %select_n3A_802[%gather3A_821] in [0] : vector<16xf32>, vector<16xi32> -> vector<16xf32>
          %get3A_823 = arith.index_cast %add3A_783 : i32 to index
          %get3A_824 = arith.constant 32 : index
          %get3A_825 = tpu.vector_load %arg10[%get3A_823, %get3A_824] {strides = array<i32>} : memref<128x80xf32, #tpu.memory_space<vmem>>, vector<16xf32>,
          %mul3A_826 = arith.mulf %get3A_825, %gather3A_822 : vector<16xf32>
          %swap3A_827 = arith.index_cast %add3A_783 : i32 to index
          %swap3A_828 = arith.constant 32 : index
          %swap3A_829 = tpu.vector_load %arg11[%swap3A_827, %swap3A_828] {strides = array<i32>} : memref<128x80xf32, #tpu.memory_space<vmem>>, vector<16xf32>,
          tpu.vector_store %arg11[%swap3A_827, %swap3A_828], %mul3A_826 {strides = array<i32>} : memref<128x80xf32, #tpu.memory_space<vmem>>, vector<16xf32>,
          %broadcast_in_dim3A_830 = arith.constant 2 : i32
          %broadcast_in_dim3A_831 = vector.broadcast %broadcast_in_dim3A_830 : i32 to vector<16xi32>
          %reshape3A_832 = vector.shape_cast %broadcast_in_dim3A_831 : vector<16xi32> to vector<16x1xi32>
          %gather3A_833 = vector.shape_cast %reshape3A_832 : vector<16x1xi32> to vector<16xi32>
          %gather3A_834 = tpu.dynamic_gather %select_n3A_802[%gather3A_833] in [0] : vector<16xf32>, vector<16xi32> -> vector<16xf32>
          %get3A_835 = arith.index_cast %add3A_783 : i32 to index
          %get3A_836 = arith.constant 48 : index
          %get3A_837 = tpu.vector_load %arg10[%get3A_835, %get3A_836] {strides = array<i32>} : memref<128x80xf32, #tpu.memory_space<vmem>>, vector<16xf32>,
          %mul3A_838 = arith.mulf %get3A_837, %gather3A_834 : vector<16xf32>
          %swap3A_839 = arith.index_cast %add3A_783 : i32 to index
          %swap3A_840 = arith.constant 48 : index
          %swap3A_841 = tpu.vector_load %arg11[%swap3A_839, %swap3A_840] {strides = array<i32>} : memref<128x80xf32, #tpu.memory_space<vmem>>, vector<16xf32>,
          tpu.vector_store %arg11[%swap3A_839, %swap3A_840], %mul3A_838 {strides = array<i32>} : memref<128x80xf32, #tpu.memory_space<vmem>>, vector<16xf32>,
          %broadcast_in_dim3A_842 = arith.constant 3 : i32
          %broadcast_in_dim3A_843 = vector.broadcast %broadcast_in_dim3A_842 : i32 to vector<16xi32>
          %reshape3A_844 = vector.shape_cast %broadcast_in_dim3A_843 : vector<16xi32> to vector<16x1xi32>
          %gather3A_845 = vector.shape_cast %reshape3A_844 : vector<16x1xi32> to vector<16xi32>
          %gather3A_846 = tpu.dynamic_gather %select_n3A_802[%gather3A_845] in [0] : vector<16xf32>, vector<16xi32> -> vector<16xf32>
          %get3A_847 = arith.index_cast %add3A_783 : i32 to index
          %get3A_848 = arith.constant 64 : index
          %get3A_849 = tpu.vector_load %arg10[%get3A_847, %get3A_848] {strides = array<i32>} : memref<128x80xf32, #tpu.memory_space<vmem>>, vector<16xf32>,
          %mul3A_850 = arith.mulf %get3A_849, %gather3A_846 : vector<16xf32>
          %swap3A_851 = arith.index_cast %add3A_783 : i32 to index
          %swap3A_852 = arith.constant 64 : index
          %swap3A_853 = tpu.vector_load %arg11[%swap3A_851, %swap3A_852] {strides = array<i32>} : memref<128x80xf32, #tpu.memory_space<vmem>>, vector<16xf32>,
          tpu.vector_store %arg11[%swap3A_851, %swap3A_852], %mul3A_850 {strides = array<i32>} : memref<128x80xf32, #tpu.memory_space<vmem>>, vector<16xf32>,
          %mul3A_854 = arith.constant 16 : i32
          %mul3A_855 = arith.muli %scan3A_113, %mul3A_854 : i32
          %add3A_856 = arith.constant 10 : i32
          %add3A_857 = arith.addi %mul3A_855, %add3A_856 : i32
          %broadcast_in_dim3A_858 = arith.constant 10 : i32
          %broadcast_in_dim3A_859 = vector.broadcast %broadcast_in_dim3A_858 : i32 to vector<16xi32>
          %reshape3A_860 = vector.shape_cast %broadcast_in_dim3A_859 : vector<16xi32> to vector<16x1xi32>
          %gather3A_861 = vector.shape_cast %reshape3A_860 : vector<16x1xi32> to vector<16xi32>
          %gather3A_862 = tpu.dynamic_gather %mul3A_120[%gather3A_861] in [0] : vector<16xi32>, vector<16xi32> -> vector<16xi32>
          %add3A_863 = arith.addi %gather3A_862, %iota3A : vector<16xi32>
          %gather3A_864 = tpu.vector_load_idx %arg12[%add3A_863] : memref<40016xf32, #tpu.memory_space<vmem>>[vector<16xi32>], vector<16xf32>,
          %get3A_865 = arith.index_cast %add3A_857 : i32 to index
          %get3A_866 = arith.constant 0 : index
          %get3A_867 = tpu.vector_load %arg10[%get3A_865, %get3A_866] {strides = array<i32>} : memref<128x80xf32, #tpu.memory_space<vmem>>, vector<16xf32>,
          %add3A_868 = arith.addf %get3A_867, %gather3A_864 : vector<16xf32>
          %mul3A_869 = arith.constant 2.000000e-01 : f32
          %mul3A_870 = vector.broadcast %mul3A_869 : f32 to vector<16xf32>
          %mul3A_871 = arith.mulf %add3A_868, %mul3A_870 : vector<16xf32>
          %max3A_872 = arith.maximumf %add3A_868, %mul3A_871 : vector<16xf32>
          %exp3A_873 = math.exp %max3A_872 : vector<16xf32>
          %jit3A_874 = arith.constant 0.000000e+00 : f32
          %broadcast_in_dim3A_875 = vector.broadcast %jit3A_874 : f32 to vector<16xf32>
          %select_n3A_876 = arith.select %lt3A_6, %exp3A_873, %broadcast_in_dim3A_875 : vector<16xi1>, vector<16xf32>
          %swap3A_877 = arith.index_cast %add3A_857 : i32 to index
          %swap3A_878 = arith.constant 0 : index
          %swap3A_879 = tpu.vector_load %arg11[%swap3A_877, %swap3A_878] {strides = array<i32>} : memref<128x80xf32, #tpu.memory_space<vmem>>, vector<16xf32>,
          tpu.vector_store %arg11[%swap3A_877, %swap3A_878], %select_n3A_876 {strides = array<i32>} : memref<128x80xf32, #tpu.memory_space<vmem>>, vector<16xf32>,
          %broadcast_in_dim3A_880 = arith.constant 0 : i32
          %broadcast_in_dim3A_881 = vector.broadcast %broadcast_in_dim3A_880 : i32 to vector<16xi32>
          %reshape3A_882 = vector.shape_cast %broadcast_in_dim3A_881 : vector<16xi32> to vector<16x1xi32>
          %gather3A_883 = vector.shape_cast %reshape3A_882 : vector<16x1xi32> to vector<16xi32>
          %gather3A_884 = tpu.dynamic_gather %select_n3A_876[%gather3A_883] in [0] : vector<16xf32>, vector<16xi32> -> vector<16xf32>
          %get3A_885 = arith.index_cast %add3A_857 : i32 to index
          %get3A_886 = arith.constant 16 : index
          %get3A_887 = tpu.vector_load %arg10[%get3A_885, %get3A_886] {strides = array<i32>} : memref<128x80xf32, #tpu.memory_space<vmem>>, vector<16xf32>,
          %mul3A_888 = arith.mulf %get3A_887, %gather3A_884 : vector<16xf32>
          %swap3A_889 = arith.index_cast %add3A_857 : i32 to index
          %swap3A_890 = arith.constant 16 : index
          %swap3A_891 = tpu.vector_load %arg11[%swap3A_889, %swap3A_890] {strides = array<i32>} : memref<128x80xf32, #tpu.memory_space<vmem>>, vector<16xf32>,
          tpu.vector_store %arg11[%swap3A_889, %swap3A_890], %mul3A_888 {strides = array<i32>} : memref<128x80xf32, #tpu.memory_space<vmem>>, vector<16xf32>,
          %broadcast_in_dim3A_892 = arith.constant 1 : i32
          %broadcast_in_dim3A_893 = vector.broadcast %broadcast_in_dim3A_892 : i32 to vector<16xi32>
          %reshape3A_894 = vector.shape_cast %broadcast_in_dim3A_893 : vector<16xi32> to vector<16x1xi32>
          %gather3A_895 = vector.shape_cast %reshape3A_894 : vector<16x1xi32> to vector<16xi32>
          %gather3A_896 = tpu.dynamic_gather %select_n3A_876[%gather3A_895] in [0] : vector<16xf32>, vector<16xi32> -> vector<16xf32>
          %get3A_897 = arith.index_cast %add3A_857 : i32 to index
          %get3A_898 = arith.constant 32 : index
          %get3A_899 = tpu.vector_load %arg10[%get3A_897, %get3A_898] {strides = array<i32>} : memref<128x80xf32, #tpu.memory_space<vmem>>, vector<16xf32>,
          %mul3A_900 = arith.mulf %get3A_899, %gather3A_896 : vector<16xf32>
          %swap3A_901 = arith.index_cast %add3A_857 : i32 to index
          %swap3A_902 = arith.constant 32 : index
          %swap3A_903 = tpu.vector_load %arg11[%swap3A_901, %swap3A_902] {strides = array<i32>} : memref<128x80xf32, #tpu.memory_space<vmem>>, vector<16xf32>,
          tpu.vector_store %arg11[%swap3A_901, %swap3A_902], %mul3A_900 {strides = array<i32>} : memref<128x80xf32, #tpu.memory_space<vmem>>, vector<16xf32>,
          %broadcast_in_dim3A_904 = arith.constant 2 : i32
          %broadcast_in_dim3A_905 = vector.broadcast %broadcast_in_dim3A_904 : i32 to vector<16xi32>
          %reshape3A_906 = vector.shape_cast %broadcast_in_dim3A_905 : vector<16xi32> to vector<16x1xi32>
          %gather3A_907 = vector.shape_cast %reshape3A_906 : vector<16x1xi32> to vector<16xi32>
          %gather3A_908 = tpu.dynamic_gather %select_n3A_876[%gather3A_907] in [0] : vector<16xf32>, vector<16xi32> -> vector<16xf32>
          %get3A_909 = arith.index_cast %add3A_857 : i32 to index
          %get3A_910 = arith.constant 48 : index
          %get3A_911 = tpu.vector_load %arg10[%get3A_909, %get3A_910] {strides = array<i32>} : memref<128x80xf32, #tpu.memory_space<vmem>>, vector<16xf32>,
          %mul3A_912 = arith.mulf %get3A_911, %gather3A_908 : vector<16xf32>
          %swap3A_913 = arith.index_cast %add3A_857 : i32 to index
          %swap3A_914 = arith.constant 48 : index
          %swap3A_915 = tpu.vector_load %arg11[%swap3A_913, %swap3A_914] {strides = array<i32>} : memref<128x80xf32, #tpu.memory_space<vmem>>, vector<16xf32>,
          tpu.vector_store %arg11[%swap3A_913, %swap3A_914], %mul3A_912 {strides = array<i32>} : memref<128x80xf32, #tpu.memory_space<vmem>>, vector<16xf32>,
          %broadcast_in_dim3A_916 = arith.constant 3 : i32
          %broadcast_in_dim3A_917 = vector.broadcast %broadcast_in_dim3A_916 : i32 to vector<16xi32>
          %reshape3A_918 = vector.shape_cast %broadcast_in_dim3A_917 : vector<16xi32> to vector<16x1xi32>
          %gather3A_919 = vector.shape_cast %reshape3A_918 : vector<16x1xi32> to vector<16xi32>
          %gather3A_920 = tpu.dynamic_gather %select_n3A_876[%gather3A_919] in [0] : vector<16xf32>, vector<16xi32> -> vector<16xf32>
          %get3A_921 = arith.index_cast %add3A_857 : i32 to index
          %get3A_922 = arith.constant 64 : index
          %get3A_923 = tpu.vector_load %arg10[%get3A_921, %get3A_922] {strides = array<i32>} : memref<128x80xf32, #tpu.memory_space<vmem>>, vector<16xf32>,
          %mul3A_924 = arith.mulf %get3A_923, %gather3A_920 : vector<16xf32>
          %swap3A_925 = arith.index_cast %add3A_857 : i32 to index
          %swap3A_926 = arith.constant 64 : index
          %swap3A_927 = tpu.vector_load %arg11[%swap3A_925, %swap3A_926] {strides = array<i32>} : memref<128x80xf32, #tpu.memory_space<vmem>>, vector<16xf32>,
          tpu.vector_store %arg11[%swap3A_925, %swap3A_926], %mul3A_924 {strides = array<i32>} : memref<128x80xf32, #tpu.memory_space<vmem>>, vector<16xf32>,
          %mul3A_928 = arith.constant 16 : i32
          %mul3A_929 = arith.muli %scan3A_113, %mul3A_928 : i32
          %add3A_930 = arith.constant 11 : i32
          %add3A_931 = arith.addi %mul3A_929, %add3A_930 : i32
          %broadcast_in_dim3A_932 = arith.constant 11 : i32
          %broadcast_in_dim3A_933 = vector.broadcast %broadcast_in_dim3A_932 : i32 to vector<16xi32>
          %reshape3A_934 = vector.shape_cast %broadcast_in_dim3A_933 : vector<16xi32> to vector<16x1xi32>
          %gather3A_935 = vector.shape_cast %reshape3A_934 : vector<16x1xi32> to vector<16xi32>
          %gather3A_936 = tpu.dynamic_gather %mul3A_120[%gather3A_935] in [0] : vector<16xi32>, vector<16xi32> -> vector<16xi32>
          %add3A_937 = arith.addi %gather3A_936, %iota3A : vector<16xi32>
          %gather3A_938 = tpu.vector_load_idx %arg12[%add3A_937] : memref<40016xf32, #tpu.memory_space<vmem>>[vector<16xi32>], vector<16xf32>,
          %get3A_939 = arith.index_cast %add3A_931 : i32 to index
          %get3A_940 = arith.constant 0 : index
          %get3A_941 = tpu.vector_load %arg10[%get3A_939, %get3A_940] {strides = array<i32>} : memref<128x80xf32, #tpu.memory_space<vmem>>, vector<16xf32>,
          %add3A_942 = arith.addf %get3A_941, %gather3A_938 : vector<16xf32>
          %mul3A_943 = arith.constant 2.000000e-01 : f32
          %mul3A_944 = vector.broadcast %mul3A_943 : f32 to vector<16xf32>
          %mul3A_945 = arith.mulf %add3A_942, %mul3A_944 : vector<16xf32>
          %max3A_946 = arith.maximumf %add3A_942, %mul3A_945 : vector<16xf32>
          %exp3A_947 = math.exp %max3A_946 : vector<16xf32>
          %jit3A_948 = arith.constant 0.000000e+00 : f32
          %broadcast_in_dim3A_949 = vector.broadcast %jit3A_948 : f32 to vector<16xf32>
          %select_n3A_950 = arith.select %lt3A_6, %exp3A_947, %broadcast_in_dim3A_949 : vector<16xi1>, vector<16xf32>
          %swap3A_951 = arith.index_cast %add3A_931 : i32 to index
          %swap3A_952 = arith.constant 0 : index
          %swap3A_953 = tpu.vector_load %arg11[%swap3A_951, %swap3A_952] {strides = array<i32>} : memref<128x80xf32, #tpu.memory_space<vmem>>, vector<16xf32>,
          tpu.vector_store %arg11[%swap3A_951, %swap3A_952], %select_n3A_950 {strides = array<i32>} : memref<128x80xf32, #tpu.memory_space<vmem>>, vector<16xf32>,
          %broadcast_in_dim3A_954 = arith.constant 0 : i32
          %broadcast_in_dim3A_955 = vector.broadcast %broadcast_in_dim3A_954 : i32 to vector<16xi32>
          %reshape3A_956 = vector.shape_cast %broadcast_in_dim3A_955 : vector<16xi32> to vector<16x1xi32>
          %gather3A_957 = vector.shape_cast %reshape3A_956 : vector<16x1xi32> to vector<16xi32>
          %gather3A_958 = tpu.dynamic_gather %select_n3A_950[%gather3A_957] in [0] : vector<16xf32>, vector<16xi32> -> vector<16xf32>
          %get3A_959 = arith.index_cast %add3A_931 : i32 to index
          %get3A_960 = arith.constant 16 : index
          %get3A_961 = tpu.vector_load %arg10[%get3A_959, %get3A_960] {strides = array<i32>} : memref<128x80xf32, #tpu.memory_space<vmem>>, vector<16xf32>,
          %mul3A_962 = arith.mulf %get3A_961, %gather3A_958 : vector<16xf32>
          %swap3A_963 = arith.index_cast %add3A_931 : i32 to index
          %swap3A_964 = arith.constant 16 : index
          %swap3A_965 = tpu.vector_load %arg11[%swap3A_963, %swap3A_964] {strides = array<i32>} : memref<128x80xf32, #tpu.memory_space<vmem>>, vector<16xf32>,
          tpu.vector_store %arg11[%swap3A_963, %swap3A_964], %mul3A_962 {strides = array<i32>} : memref<128x80xf32, #tpu.memory_space<vmem>>, vector<16xf32>,
          %broadcast_in_dim3A_966 = arith.constant 1 : i32
          %broadcast_in_dim3A_967 = vector.broadcast %broadcast_in_dim3A_966 : i32 to vector<16xi32>
          %reshape3A_968 = vector.shape_cast %broadcast_in_dim3A_967 : vector<16xi32> to vector<16x1xi32>
          %gather3A_969 = vector.shape_cast %reshape3A_968 : vector<16x1xi32> to vector<16xi32>
          %gather3A_970 = tpu.dynamic_gather %select_n3A_950[%gather3A_969] in [0] : vector<16xf32>, vector<16xi32> -> vector<16xf32>
          %get3A_971 = arith.index_cast %add3A_931 : i32 to index
          %get3A_972 = arith.constant 32 : index
          %get3A_973 = tpu.vector_load %arg10[%get3A_971, %get3A_972] {strides = array<i32>} : memref<128x80xf32, #tpu.memory_space<vmem>>, vector<16xf32>,
          %mul3A_974 = arith.mulf %get3A_973, %gather3A_970 : vector<16xf32>
          %swap3A_975 = arith.index_cast %add3A_931 : i32 to index
          %swap3A_976 = arith.constant 32 : index
          %swap3A_977 = tpu.vector_load %arg11[%swap3A_975, %swap3A_976] {strides = array<i32>} : memref<128x80xf32, #tpu.memory_space<vmem>>, vector<16xf32>,
          tpu.vector_store %arg11[%swap3A_975, %swap3A_976], %mul3A_974 {strides = array<i32>} : memref<128x80xf32, #tpu.memory_space<vmem>>, vector<16xf32>,
          %broadcast_in_dim3A_978 = arith.constant 2 : i32
          %broadcast_in_dim3A_979 = vector.broadcast %broadcast_in_dim3A_978 : i32 to vector<16xi32>
          %reshape3A_980 = vector.shape_cast %broadcast_in_dim3A_979 : vector<16xi32> to vector<16x1xi32>
          %gather3A_981 = vector.shape_cast %reshape3A_980 : vector<16x1xi32> to vector<16xi32>
          %gather3A_982 = tpu.dynamic_gather %select_n3A_950[%gather3A_981] in [0] : vector<16xf32>, vector<16xi32> -> vector<16xf32>
          %get3A_983 = arith.index_cast %add3A_931 : i32 to index
          %get3A_984 = arith.constant 48 : index
          %get3A_985 = tpu.vector_load %arg10[%get3A_983, %get3A_984] {strides = array<i32>} : memref<128x80xf32, #tpu.memory_space<vmem>>, vector<16xf32>,
          %mul3A_986 = arith.mulf %get3A_985, %gather3A_982 : vector<16xf32>
          %swap3A_987 = arith.index_cast %add3A_931 : i32 to index
          %swap3A_988 = arith.constant 48 : index
          %swap3A_989 = tpu.vector_load %arg11[%swap3A_987, %swap3A_988] {strides = array<i32>} : memref<128x80xf32, #tpu.memory_space<vmem>>, vector<16xf32>,
          tpu.vector_store %arg11[%swap3A_987, %swap3A_988], %mul3A_986 {strides = array<i32>} : memref<128x80xf32, #tpu.memory_space<vmem>>, vector<16xf32>,
          %broadcast_in_dim3A_990 = arith.constant 3 : i32
          %broadcast_in_dim3A_991 = vector.broadcast %broadcast_in_dim3A_990 : i32 to vector<16xi32>
          %reshape3A_992 = vector.shape_cast %broadcast_in_dim3A_991 : vector<16xi32> to vector<16x1xi32>
          %gather3A_993 = vector.shape_cast %reshape3A_992 : vector<16x1xi32> to vector<16xi32>
          %gather3A_994 = tpu.dynamic_gather %select_n3A_950[%gather3A_993] in [0] : vector<16xf32>, vector<16xi32> -> vector<16xf32>
          %get3A_995 = arith.index_cast %add3A_931 : i32 to index
          %get3A_996 = arith.constant 64 : index
          %get3A_997 = tpu.vector_load %arg10[%get3A_995, %get3A_996] {strides = array<i32>} : memref<128x80xf32, #tpu.memory_space<vmem>>, vector<16xf32>,
          %mul3A_998 = arith.mulf %get3A_997, %gather3A_994 : vector<16xf32>
          %swap3A_999 = arith.index_cast %add3A_931 : i32 to index
          %swap3A_1000 = arith.constant 64 : index
          %swap3A_1001 = tpu.vector_load %arg11[%swap3A_999, %swap3A_1000] {strides = array<i32>} : memref<128x80xf32, #tpu.memory_space<vmem>>, vector<16xf32>,
          tpu.vector_store %arg11[%swap3A_999, %swap3A_1000], %mul3A_998 {strides = array<i32>} : memref<128x80xf32, #tpu.memory_space<vmem>>, vector<16xf32>,
          %mul3A_1002 = arith.constant 16 : i32
          %mul3A_1003 = arith.muli %scan3A_113, %mul3A_1002 : i32
          %add3A_1004 = arith.constant 12 : i32
          %add3A_1005 = arith.addi %mul3A_1003, %add3A_1004 : i32
          %broadcast_in_dim3A_1006 = arith.constant 12 : i32
          %broadcast_in_dim3A_1007 = vector.broadcast %broadcast_in_dim3A_1006 : i32 to vector<16xi32>
          %reshape3A_1008 = vector.shape_cast %broadcast_in_dim3A_1007 : vector<16xi32> to vector<16x1xi32>
          %gather3A_1009 = vector.shape_cast %reshape3A_1008 : vector<16x1xi32> to vector<16xi32>
          %gather3A_1010 = tpu.dynamic_gather %mul3A_120[%gather3A_1009] in [0] : vector<16xi32>, vector<16xi32> -> vector<16xi32>
          %add3A_1011 = arith.addi %gather3A_1010, %iota3A : vector<16xi32>
          %gather3A_1012 = tpu.vector_load_idx %arg12[%add3A_1011] : memref<40016xf32, #tpu.memory_space<vmem>>[vector<16xi32>], vector<16xf32>,
          %get3A_1013 = arith.index_cast %add3A_1005 : i32 to index
          %get3A_1014 = arith.constant 0 : index
          %get3A_1015 = tpu.vector_load %arg10[%get3A_1013, %get3A_1014] {strides = array<i32>} : memref<128x80xf32, #tpu.memory_space<vmem>>, vector<16xf32>,
          %add3A_1016 = arith.addf %get3A_1015, %gather3A_1012 : vector<16xf32>
          %mul3A_1017 = arith.constant 2.000000e-01 : f32
          %mul3A_1018 = vector.broadcast %mul3A_1017 : f32 to vector<16xf32>
          %mul3A_1019 = arith.mulf %add3A_1016, %mul3A_1018 : vector<16xf32>
          %max3A_1020 = arith.maximumf %add3A_1016, %mul3A_1019 : vector<16xf32>
          %exp3A_1021 = math.exp %max3A_1020 : vector<16xf32>
          %jit3A_1022 = arith.constant 0.000000e+00 : f32
          %broadcast_in_dim3A_1023 = vector.broadcast %jit3A_1022 : f32 to vector<16xf32>
          %select_n3A_1024 = arith.select %lt3A_6, %exp3A_1021, %broadcast_in_dim3A_1023 : vector<16xi1>, vector<16xf32>
          %swap3A_1025 = arith.index_cast %add3A_1005 : i32 to index
          %swap3A_1026 = arith.constant 0 : index
          %swap3A_1027 = tpu.vector_load %arg11[%swap3A_1025, %swap3A_1026] {strides = array<i32>} : memref<128x80xf32, #tpu.memory_space<vmem>>, vector<16xf32>,
          tpu.vector_store %arg11[%swap3A_1025, %swap3A_1026], %select_n3A_1024 {strides = array<i32>} : memref<128x80xf32, #tpu.memory_space<vmem>>, vector<16xf32>,
          %broadcast_in_dim3A_1028 = arith.constant 0 : i32
          %broadcast_in_dim3A_1029 = vector.broadcast %broadcast_in_dim3A_1028 : i32 to vector<16xi32>
          %reshape3A_1030 = vector.shape_cast %broadcast_in_dim3A_1029 : vector<16xi32> to vector<16x1xi32>
          %gather3A_1031 = vector.shape_cast %reshape3A_1030 : vector<16x1xi32> to vector<16xi32>
          %gather3A_1032 = tpu.dynamic_gather %select_n3A_1024[%gather3A_1031] in [0] : vector<16xf32>, vector<16xi32> -> vector<16xf32>
          %get3A_1033 = arith.index_cast %add3A_1005 : i32 to index
          %get3A_1034 = arith.constant 16 : index
          %get3A_1035 = tpu.vector_load %arg10[%get3A_1033, %get3A_1034] {strides = array<i32>} : memref<128x80xf32, #tpu.memory_space<vmem>>, vector<16xf32>,
          %mul3A_1036 = arith.mulf %get3A_1035, %gather3A_1032 : vector<16xf32>
          %swap3A_1037 = arith.index_cast %add3A_1005 : i32 to index
          %swap3A_1038 = arith.constant 16 : index
          %swap3A_1039 = tpu.vector_load %arg11[%swap3A_1037, %swap3A_1038] {strides = array<i32>} : memref<128x80xf32, #tpu.memory_space<vmem>>, vector<16xf32>,
          tpu.vector_store %arg11[%swap3A_1037, %swap3A_1038], %mul3A_1036 {strides = array<i32>} : memref<128x80xf32, #tpu.memory_space<vmem>>, vector<16xf32>,
          %broadcast_in_dim3A_1040 = arith.constant 1 : i32
          %broadcast_in_dim3A_1041 = vector.broadcast %broadcast_in_dim3A_1040 : i32 to vector<16xi32>
          %reshape3A_1042 = vector.shape_cast %broadcast_in_dim3A_1041 : vector<16xi32> to vector<16x1xi32>
          %gather3A_1043 = vector.shape_cast %reshape3A_1042 : vector<16x1xi32> to vector<16xi32>
          %gather3A_1044 = tpu.dynamic_gather %select_n3A_1024[%gather3A_1043] in [0] : vector<16xf32>, vector<16xi32> -> vector<16xf32>
          %get3A_1045 = arith.index_cast %add3A_1005 : i32 to index
          %get3A_1046 = arith.constant 32 : index
          %get3A_1047 = tpu.vector_load %arg10[%get3A_1045, %get3A_1046] {strides = array<i32>} : memref<128x80xf32, #tpu.memory_space<vmem>>, vector<16xf32>,
          %mul3A_1048 = arith.mulf %get3A_1047, %gather3A_1044 : vector<16xf32>
          %swap3A_1049 = arith.index_cast %add3A_1005 : i32 to index
          %swap3A_1050 = arith.constant 32 : index
          %swap3A_1051 = tpu.vector_load %arg11[%swap3A_1049, %swap3A_1050] {strides = array<i32>} : memref<128x80xf32, #tpu.memory_space<vmem>>, vector<16xf32>,
          tpu.vector_store %arg11[%swap3A_1049, %swap3A_1050], %mul3A_1048 {strides = array<i32>} : memref<128x80xf32, #tpu.memory_space<vmem>>, vector<16xf32>,
          %broadcast_in_dim3A_1052 = arith.constant 2 : i32
          %broadcast_in_dim3A_1053 = vector.broadcast %broadcast_in_dim3A_1052 : i32 to vector<16xi32>
          %reshape3A_1054 = vector.shape_cast %broadcast_in_dim3A_1053 : vector<16xi32> to vector<16x1xi32>
          %gather3A_1055 = vector.shape_cast %reshape3A_1054 : vector<16x1xi32> to vector<16xi32>
          %gather3A_1056 = tpu.dynamic_gather %select_n3A_1024[%gather3A_1055] in [0] : vector<16xf32>, vector<16xi32> -> vector<16xf32>
          %get3A_1057 = arith.index_cast %add3A_1005 : i32 to index
          %get3A_1058 = arith.constant 48 : index
          %get3A_1059 = tpu.vector_load %arg10[%get3A_1057, %get3A_1058] {strides = array<i32>} : memref<128x80xf32, #tpu.memory_space<vmem>>, vector<16xf32>,
          %mul3A_1060 = arith.mulf %get3A_1059, %gather3A_1056 : vector<16xf32>
          %swap3A_1061 = arith.index_cast %add3A_1005 : i32 to index
          %swap3A_1062 = arith.constant 48 : index
          %swap3A_1063 = tpu.vector_load %arg11[%swap3A_1061, %swap3A_1062] {strides = array<i32>} : memref<128x80xf32, #tpu.memory_space<vmem>>, vector<16xf32>,
          tpu.vector_store %arg11[%swap3A_1061, %swap3A_1062], %mul3A_1060 {strides = array<i32>} : memref<128x80xf32, #tpu.memory_space<vmem>>, vector<16xf32>,
          %broadcast_in_dim3A_1064 = arith.constant 3 : i32
          %broadcast_in_dim3A_1065 = vector.broadcast %broadcast_in_dim3A_1064 : i32 to vector<16xi32>
          %reshape3A_1066 = vector.shape_cast %broadcast_in_dim3A_1065 : vector<16xi32> to vector<16x1xi32>
          %gather3A_1067 = vector.shape_cast %reshape3A_1066 : vector<16x1xi32> to vector<16xi32>
          %gather3A_1068 = tpu.dynamic_gather %select_n3A_1024[%gather3A_1067] in [0] : vector<16xf32>, vector<16xi32> -> vector<16xf32>
          %get3A_1069 = arith.index_cast %add3A_1005 : i32 to index
          %get3A_1070 = arith.constant 64 : index
          %get3A_1071 = tpu.vector_load %arg10[%get3A_1069, %get3A_1070] {strides = array<i32>} : memref<128x80xf32, #tpu.memory_space<vmem>>, vector<16xf32>,
          %mul3A_1072 = arith.mulf %get3A_1071, %gather3A_1068 : vector<16xf32>
          %swap3A_1073 = arith.index_cast %add3A_1005 : i32 to index
          %swap3A_1074 = arith.constant 64 : index
          %swap3A_1075 = tpu.vector_load %arg11[%swap3A_1073, %swap3A_1074] {strides = array<i32>} : memref<128x80xf32, #tpu.memory_space<vmem>>, vector<16xf32>,
          tpu.vector_store %arg11[%swap3A_1073, %swap3A_1074], %mul3A_1072 {strides = array<i32>} : memref<128x80xf32, #tpu.memory_space<vmem>>, vector<16xf32>,
          %mul3A_1076 = arith.constant 16 : i32
          %mul3A_1077 = arith.muli %scan3A_113, %mul3A_1076 : i32
          %add3A_1078 = arith.constant 13 : i32
          %add3A_1079 = arith.addi %mul3A_1077, %add3A_1078 : i32
          %broadcast_in_dim3A_1080 = arith.constant 13 : i32
          %broadcast_in_dim3A_1081 = vector.broadcast %broadcast_in_dim3A_1080 : i32 to vector<16xi32>
          %reshape3A_1082 = vector.shape_cast %broadcast_in_dim3A_1081 : vector<16xi32> to vector<16x1xi32>
          %gather3A_1083 = vector.shape_cast %reshape3A_1082 : vector<16x1xi32> to vector<16xi32>
          %gather3A_1084 = tpu.dynamic_gather %mul3A_120[%gather3A_1083] in [0] : vector<16xi32>, vector<16xi32> -> vector<16xi32>
          %add3A_1085 = arith.addi %gather3A_1084, %iota3A : vector<16xi32>
          %gather3A_1086 = tpu.vector_load_idx %arg12[%add3A_1085] : memref<40016xf32, #tpu.memory_space<vmem>>[vector<16xi32>], vector<16xf32>,
          %get3A_1087 = arith.index_cast %add3A_1079 : i32 to index
          %get3A_1088 = arith.constant 0 : index
          %get3A_1089 = tpu.vector_load %arg10[%get3A_1087, %get3A_1088] {strides = array<i32>} : memref<128x80xf32, #tpu.memory_space<vmem>>, vector<16xf32>,
          %add3A_1090 = arith.addf %get3A_1089, %gather3A_1086 : vector<16xf32>
          %mul3A_1091 = arith.constant 2.000000e-01 : f32
          %mul3A_1092 = vector.broadcast %mul3A_1091 : f32 to vector<16xf32>
          %mul3A_1093 = arith.mulf %add3A_1090, %mul3A_1092 : vector<16xf32>
          %max3A_1094 = arith.maximumf %add3A_1090, %mul3A_1093 : vector<16xf32>
          %exp3A_1095 = math.exp %max3A_1094 : vector<16xf32>
          %jit3A_1096 = arith.constant 0.000000e+00 : f32
          %broadcast_in_dim3A_1097 = vector.broadcast %jit3A_1096 : f32 to vector<16xf32>
          %select_n3A_1098 = arith.select %lt3A_6, %exp3A_1095, %broadcast_in_dim3A_1097 : vector<16xi1>, vector<16xf32>
          %swap3A_1099 = arith.index_cast %add3A_1079 : i32 to index
          %swap3A_1100 = arith.constant 0 : index
          %swap3A_1101 = tpu.vector_load %arg11[%swap3A_1099, %swap3A_1100] {strides = array<i32>} : memref<128x80xf32, #tpu.memory_space<vmem>>, vector<16xf32>,
          tpu.vector_store %arg11[%swap3A_1099, %swap3A_1100], %select_n3A_1098 {strides = array<i32>} : memref<128x80xf32, #tpu.memory_space<vmem>>, vector<16xf32>,
          %broadcast_in_dim3A_1102 = arith.constant 0 : i32
          %broadcast_in_dim3A_1103 = vector.broadcast %broadcast_in_dim3A_1102 : i32 to vector<16xi32>
          %reshape3A_1104 = vector.shape_cast %broadcast_in_dim3A_1103 : vector<16xi32> to vector<16x1xi32>
          %gather3A_1105 = vector.shape_cast %reshape3A_1104 : vector<16x1xi32> to vector<16xi32>
          %gather3A_1106 = tpu.dynamic_gather %select_n3A_1098[%gather3A_1105] in [0] : vector<16xf32>, vector<16xi32> -> vector<16xf32>
          %get3A_1107 = arith.index_cast %add3A_1079 : i32 to index
          %get3A_1108 = arith.constant 16 : index
          %get3A_1109 = tpu.vector_load %arg10[%get3A_1107, %get3A_1108] {strides = array<i32>} : memref<128x80xf32, #tpu.memory_space<vmem>>, vector<16xf32>,
          %mul3A_1110 = arith.mulf %get3A_1109, %gather3A_1106 : vector<16xf32>
          %swap3A_1111 = arith.index_cast %add3A_1079 : i32 to index
          %swap3A_1112 = arith.constant 16 : index
          %swap3A_1113 = tpu.vector_load %arg11[%swap3A_1111, %swap3A_1112] {strides = array<i32>} : memref<128x80xf32, #tpu.memory_space<vmem>>, vector<16xf32>,
          tpu.vector_store %arg11[%swap3A_1111, %swap3A_1112], %mul3A_1110 {strides = array<i32>} : memref<128x80xf32, #tpu.memory_space<vmem>>, vector<16xf32>,
          %broadcast_in_dim3A_1114 = arith.constant 1 : i32
          %broadcast_in_dim3A_1115 = vector.broadcast %broadcast_in_dim3A_1114 : i32 to vector<16xi32>
          %reshape3A_1116 = vector.shape_cast %broadcast_in_dim3A_1115 : vector<16xi32> to vector<16x1xi32>
          %gather3A_1117 = vector.shape_cast %reshape3A_1116 : vector<16x1xi32> to vector<16xi32>
          %gather3A_1118 = tpu.dynamic_gather %select_n3A_1098[%gather3A_1117] in [0] : vector<16xf32>, vector<16xi32> -> vector<16xf32>
          %get3A_1119 = arith.index_cast %add3A_1079 : i32 to index
          %get3A_1120 = arith.constant 32 : index
          %get3A_1121 = tpu.vector_load %arg10[%get3A_1119, %get3A_1120] {strides = array<i32>} : memref<128x80xf32, #tpu.memory_space<vmem>>, vector<16xf32>,
          %mul3A_1122 = arith.mulf %get3A_1121, %gather3A_1118 : vector<16xf32>
          %swap3A_1123 = arith.index_cast %add3A_1079 : i32 to index
          %swap3A_1124 = arith.constant 32 : index
          %swap3A_1125 = tpu.vector_load %arg11[%swap3A_1123, %swap3A_1124] {strides = array<i32>} : memref<128x80xf32, #tpu.memory_space<vmem>>, vector<16xf32>,
          tpu.vector_store %arg11[%swap3A_1123, %swap3A_1124], %mul3A_1122 {strides = array<i32>} : memref<128x80xf32, #tpu.memory_space<vmem>>, vector<16xf32>,
          %broadcast_in_dim3A_1126 = arith.constant 2 : i32
          %broadcast_in_dim3A_1127 = vector.broadcast %broadcast_in_dim3A_1126 : i32 to vector<16xi32>
          %reshape3A_1128 = vector.shape_cast %broadcast_in_dim3A_1127 : vector<16xi32> to vector<16x1xi32>
          %gather3A_1129 = vector.shape_cast %reshape3A_1128 : vector<16x1xi32> to vector<16xi32>
          %gather3A_1130 = tpu.dynamic_gather %select_n3A_1098[%gather3A_1129] in [0] : vector<16xf32>, vector<16xi32> -> vector<16xf32>
          %get3A_1131 = arith.index_cast %add3A_1079 : i32 to index
          %get3A_1132 = arith.constant 48 : index
          %get3A_1133 = tpu.vector_load %arg10[%get3A_1131, %get3A_1132] {strides = array<i32>} : memref<128x80xf32, #tpu.memory_space<vmem>>, vector<16xf32>,
          %mul3A_1134 = arith.mulf %get3A_1133, %gather3A_1130 : vector<16xf32>
          %swap3A_1135 = arith.index_cast %add3A_1079 : i32 to index
          %swap3A_1136 = arith.constant 48 : index
          %swap3A_1137 = tpu.vector_load %arg11[%swap3A_1135, %swap3A_1136] {strides = array<i32>} : memref<128x80xf32, #tpu.memory_space<vmem>>, vector<16xf32>,
          tpu.vector_store %arg11[%swap3A_1135, %swap3A_1136], %mul3A_1134 {strides = array<i32>} : memref<128x80xf32, #tpu.memory_space<vmem>>, vector<16xf32>,
          %broadcast_in_dim3A_1138 = arith.constant 3 : i32
          %broadcast_in_dim3A_1139 = vector.broadcast %broadcast_in_dim3A_1138 : i32 to vector<16xi32>
          %reshape3A_1140 = vector.shape_cast %broadcast_in_dim3A_1139 : vector<16xi32> to vector<16x1xi32>
          %gather3A_1141 = vector.shape_cast %reshape3A_1140 : vector<16x1xi32> to vector<16xi32>
          %gather3A_1142 = tpu.dynamic_gather %select_n3A_1098[%gather3A_1141] in [0] : vector<16xf32>, vector<16xi32> -> vector<16xf32>
          %get3A_1143 = arith.index_cast %add3A_1079 : i32 to index
          %get3A_1144 = arith.constant 64 : index
          %get3A_1145 = tpu.vector_load %arg10[%get3A_1143, %get3A_1144] {strides = array<i32>} : memref<128x80xf32, #tpu.memory_space<vmem>>, vector<16xf32>,
          %mul3A_1146 = arith.mulf %get3A_1145, %gather3A_1142 : vector<16xf32>
          %swap3A_1147 = arith.index_cast %add3A_1079 : i32 to index
          %swap3A_1148 = arith.constant 64 : index
          %swap3A_1149 = tpu.vector_load %arg11[%swap3A_1147, %swap3A_1148] {strides = array<i32>} : memref<128x80xf32, #tpu.memory_space<vmem>>, vector<16xf32>,
          tpu.vector_store %arg11[%swap3A_1147, %swap3A_1148], %mul3A_1146 {strides = array<i32>} : memref<128x80xf32, #tpu.memory_space<vmem>>, vector<16xf32>,
          %mul3A_1150 = arith.constant 16 : i32
          %mul3A_1151 = arith.muli %scan3A_113, %mul3A_1150 : i32
          %add3A_1152 = arith.constant 14 : i32
          %add3A_1153 = arith.addi %mul3A_1151, %add3A_1152 : i32
          %broadcast_in_dim3A_1154 = arith.constant 14 : i32
          %broadcast_in_dim3A_1155 = vector.broadcast %broadcast_in_dim3A_1154 : i32 to vector<16xi32>
          %reshape3A_1156 = vector.shape_cast %broadcast_in_dim3A_1155 : vector<16xi32> to vector<16x1xi32>
          %gather3A_1157 = vector.shape_cast %reshape3A_1156 : vector<16x1xi32> to vector<16xi32>
          %gather3A_1158 = tpu.dynamic_gather %mul3A_120[%gather3A_1157] in [0] : vector<16xi32>, vector<16xi32> -> vector<16xi32>
          %add3A_1159 = arith.addi %gather3A_1158, %iota3A : vector<16xi32>
          %gather3A_1160 = tpu.vector_load_idx %arg12[%add3A_1159] : memref<40016xf32, #tpu.memory_space<vmem>>[vector<16xi32>], vector<16xf32>,
          %get3A_1161 = arith.index_cast %add3A_1153 : i32 to index
          %get3A_1162 = arith.constant 0 : index
          %get3A_1163 = tpu.vector_load %arg10[%get3A_1161, %get3A_1162] {strides = array<i32>} : memref<128x80xf32, #tpu.memory_space<vmem>>, vector<16xf32>,
          %add3A_1164 = arith.addf %get3A_1163, %gather3A_1160 : vector<16xf32>
          %mul3A_1165 = arith.constant 2.000000e-01 : f32
          %mul3A_1166 = vector.broadcast %mul3A_1165 : f32 to vector<16xf32>
          %mul3A_1167 = arith.mulf %add3A_1164, %mul3A_1166 : vector<16xf32>
          %max3A_1168 = arith.maximumf %add3A_1164, %mul3A_1167 : vector<16xf32>
          %exp3A_1169 = math.exp %max3A_1168 : vector<16xf32>
          %jit3A_1170 = arith.constant 0.000000e+00 : f32
          %broadcast_in_dim3A_1171 = vector.broadcast %jit3A_1170 : f32 to vector<16xf32>
          %select_n3A_1172 = arith.select %lt3A_6, %exp3A_1169, %broadcast_in_dim3A_1171 : vector<16xi1>, vector<16xf32>
          %swap3A_1173 = arith.index_cast %add3A_1153 : i32 to index
          %swap3A_1174 = arith.constant 0 : index
          %swap3A_1175 = tpu.vector_load %arg11[%swap3A_1173, %swap3A_1174] {strides = array<i32>} : memref<128x80xf32, #tpu.memory_space<vmem>>, vector<16xf32>,
          tpu.vector_store %arg11[%swap3A_1173, %swap3A_1174], %select_n3A_1172 {strides = array<i32>} : memref<128x80xf32, #tpu.memory_space<vmem>>, vector<16xf32>,
          %broadcast_in_dim3A_1176 = arith.constant 0 : i32
          %broadcast_in_dim3A_1177 = vector.broadcast %broadcast_in_dim3A_1176 : i32 to vector<16xi32>
          %reshape3A_1178 = vector.shape_cast %broadcast_in_dim3A_1177 : vector<16xi32> to vector<16x1xi32>
          %gather3A_1179 = vector.shape_cast %reshape3A_1178 : vector<16x1xi32> to vector<16xi32>
          %gather3A_1180 = tpu.dynamic_gather %select_n3A_1172[%gather3A_1179] in [0] : vector<16xf32>, vector<16xi32> -> vector<16xf32>
          %get3A_1181 = arith.index_cast %add3A_1153 : i32 to index
          %get3A_1182 = arith.constant 16 : index
          %get3A_1183 = tpu.vector_load %arg10[%get3A_1181, %get3A_1182] {strides = array<i32>} : memref<128x80xf32, #tpu.memory_space<vmem>>, vector<16xf32>,
          %mul3A_1184 = arith.mulf %get3A_1183, %gather3A_1180 : vector<16xf32>
          %swap3A_1185 = arith.index_cast %add3A_1153 : i32 to index
          %swap3A_1186 = arith.constant 16 : index
          %swap3A_1187 = tpu.vector_load %arg11[%swap3A_1185, %swap3A_1186] {strides = array<i32>} : memref<128x80xf32, #tpu.memory_space<vmem>>, vector<16xf32>,
          tpu.vector_store %arg11[%swap3A_1185, %swap3A_1186], %mul3A_1184 {strides = array<i32>} : memref<128x80xf32, #tpu.memory_space<vmem>>, vector<16xf32>,
          %broadcast_in_dim3A_1188 = arith.constant 1 : i32
          %broadcast_in_dim3A_1189 = vector.broadcast %broadcast_in_dim3A_1188 : i32 to vector<16xi32>
          %reshape3A_1190 = vector.shape_cast %broadcast_in_dim3A_1189 : vector<16xi32> to vector<16x1xi32>
          %gather3A_1191 = vector.shape_cast %reshape3A_1190 : vector<16x1xi32> to vector<16xi32>
          %gather3A_1192 = tpu.dynamic_gather %select_n3A_1172[%gather3A_1191] in [0] : vector<16xf32>, vector<16xi32> -> vector<16xf32>
          %get3A_1193 = arith.index_cast %add3A_1153 : i32 to index
          %get3A_1194 = arith.constant 32 : index
          %get3A_1195 = tpu.vector_load %arg10[%get3A_1193, %get3A_1194] {strides = array<i32>} : memref<128x80xf32, #tpu.memory_space<vmem>>, vector<16xf32>,
          %mul3A_1196 = arith.mulf %get3A_1195, %gather3A_1192 : vector<16xf32>
          %swap3A_1197 = arith.index_cast %add3A_1153 : i32 to index
          %swap3A_1198 = arith.constant 32 : index
          %swap3A_1199 = tpu.vector_load %arg11[%swap3A_1197, %swap3A_1198] {strides = array<i32>} : memref<128x80xf32, #tpu.memory_space<vmem>>, vector<16xf32>,
          tpu.vector_store %arg11[%swap3A_1197, %swap3A_1198], %mul3A_1196 {strides = array<i32>} : memref<128x80xf32, #tpu.memory_space<vmem>>, vector<16xf32>,
          %broadcast_in_dim3A_1200 = arith.constant 2 : i32
          %broadcast_in_dim3A_1201 = vector.broadcast %broadcast_in_dim3A_1200 : i32 to vector<16xi32>
          %reshape3A_1202 = vector.shape_cast %broadcast_in_dim3A_1201 : vector<16xi32> to vector<16x1xi32>
          %gather3A_1203 = vector.shape_cast %reshape3A_1202 : vector<16x1xi32> to vector<16xi32>
          %gather3A_1204 = tpu.dynamic_gather %select_n3A_1172[%gather3A_1203] in [0] : vector<16xf32>, vector<16xi32> -> vector<16xf32>
          %get3A_1205 = arith.index_cast %add3A_1153 : i32 to index
          %get3A_1206 = arith.constant 48 : index
          %get3A_1207 = tpu.vector_load %arg10[%get3A_1205, %get3A_1206] {strides = array<i32>} : memref<128x80xf32, #tpu.memory_space<vmem>>, vector<16xf32>,
          %mul3A_1208 = arith.mulf %get3A_1207, %gather3A_1204 : vector<16xf32>
          %swap3A_1209 = arith.index_cast %add3A_1153 : i32 to index
          %swap3A_1210 = arith.constant 48 : index
          %swap3A_1211 = tpu.vector_load %arg11[%swap3A_1209, %swap3A_1210] {strides = array<i32>} : memref<128x80xf32, #tpu.memory_space<vmem>>, vector<16xf32>,
          tpu.vector_store %arg11[%swap3A_1209, %swap3A_1210], %mul3A_1208 {strides = array<i32>} : memref<128x80xf32, #tpu.memory_space<vmem>>, vector<16xf32>,
          %broadcast_in_dim3A_1212 = arith.constant 3 : i32
          %broadcast_in_dim3A_1213 = vector.broadcast %broadcast_in_dim3A_1212 : i32 to vector<16xi32>
          %reshape3A_1214 = vector.shape_cast %broadcast_in_dim3A_1213 : vector<16xi32> to vector<16x1xi32>
          %gather3A_1215 = vector.shape_cast %reshape3A_1214 : vector<16x1xi32> to vector<16xi32>
          %gather3A_1216 = tpu.dynamic_gather %select_n3A_1172[%gather3A_1215] in [0] : vector<16xf32>, vector<16xi32> -> vector<16xf32>
          %get3A_1217 = arith.index_cast %add3A_1153 : i32 to index
          %get3A_1218 = arith.constant 64 : index
          %get3A_1219 = tpu.vector_load %arg10[%get3A_1217, %get3A_1218] {strides = array<i32>} : memref<128x80xf32, #tpu.memory_space<vmem>>, vector<16xf32>,
          %mul3A_1220 = arith.mulf %get3A_1219, %gather3A_1216 : vector<16xf32>
          %swap3A_1221 = arith.index_cast %add3A_1153 : i32 to index
          %swap3A_1222 = arith.constant 64 : index
          %swap3A_1223 = tpu.vector_load %arg11[%swap3A_1221, %swap3A_1222] {strides = array<i32>} : memref<128x80xf32, #tpu.memory_space<vmem>>, vector<16xf32>,
          tpu.vector_store %arg11[%swap3A_1221, %swap3A_1222], %mul3A_1220 {strides = array<i32>} : memref<128x80xf32, #tpu.memory_space<vmem>>, vector<16xf32>,
          %mul3A_1224 = arith.constant 16 : i32
          %mul3A_1225 = arith.muli %scan3A_113, %mul3A_1224 : i32
          %add3A_1226 = arith.constant 15 : i32
          %add3A_1227 = arith.addi %mul3A_1225, %add3A_1226 : i32
          %broadcast_in_dim3A_1228 = arith.constant 15 : i32
          %broadcast_in_dim3A_1229 = vector.broadcast %broadcast_in_dim3A_1228 : i32 to vector<16xi32>
          %reshape3A_1230 = vector.shape_cast %broadcast_in_dim3A_1229 : vector<16xi32> to vector<16x1xi32>
          %gather3A_1231 = vector.shape_cast %reshape3A_1230 : vector<16x1xi32> to vector<16xi32>
          %gather3A_1232 = tpu.dynamic_gather %mul3A_120[%gather3A_1231] in [0] : vector<16xi32>, vector<16xi32> -> vector<16xi32>
          %add3A_1233 = arith.addi %gather3A_1232, %iota3A : vector<16xi32>
          %gather3A_1234 = tpu.vector_load_idx %arg12[%add3A_1233] : memref<40016xf32, #tpu.memory_space<vmem>>[vector<16xi32>], vector<16xf32>,
          %get3A_1235 = arith.index_cast %add3A_1227 : i32 to index
          %get3A_1236 = arith.constant 0 : index
          %get3A_1237 = tpu.vector_load %arg10[%get3A_1235, %get3A_1236] {strides = array<i32>} : memref<128x80xf32, #tpu.memory_space<vmem>>, vector<16xf32>,
          %add3A_1238 = arith.addf %get3A_1237, %gather3A_1234 : vector<16xf32>
          %mul3A_1239 = arith.constant 2.000000e-01 : f32
          %mul3A_1240 = vector.broadcast %mul3A_1239 : f32 to vector<16xf32>
          %mul3A_1241 = arith.mulf %add3A_1238, %mul3A_1240 : vector<16xf32>
          %max3A_1242 = arith.maximumf %add3A_1238, %mul3A_1241 : vector<16xf32>
          %exp3A_1243 = math.exp %max3A_1242 : vector<16xf32>
          %jit3A_1244 = arith.constant 0.000000e+00 : f32
          %broadcast_in_dim3A_1245 = vector.broadcast %jit3A_1244 : f32 to vector<16xf32>
          %select_n3A_1246 = arith.select %lt3A_6, %exp3A_1243, %broadcast_in_dim3A_1245 : vector<16xi1>, vector<16xf32>
          %swap3A_1247 = arith.index_cast %add3A_1227 : i32 to index
          %swap3A_1248 = arith.constant 0 : index
          %swap3A_1249 = tpu.vector_load %arg11[%swap3A_1247, %swap3A_1248] {strides = array<i32>} : memref<128x80xf32, #tpu.memory_space<vmem>>, vector<16xf32>,
          tpu.vector_store %arg11[%swap3A_1247, %swap3A_1248], %select_n3A_1246 {strides = array<i32>} : memref<128x80xf32, #tpu.memory_space<vmem>>, vector<16xf32>,
          %broadcast_in_dim3A_1250 = arith.constant 0 : i32
          %broadcast_in_dim3A_1251 = vector.broadcast %broadcast_in_dim3A_1250 : i32 to vector<16xi32>
          %reshape3A_1252 = vector.shape_cast %broadcast_in_dim3A_1251 : vector<16xi32> to vector<16x1xi32>
          %gather3A_1253 = vector.shape_cast %reshape3A_1252 : vector<16x1xi32> to vector<16xi32>
          %gather3A_1254 = tpu.dynamic_gather %select_n3A_1246[%gather3A_1253] in [0] : vector<16xf32>, vector<16xi32> -> vector<16xf32>
          %get3A_1255 = arith.index_cast %add3A_1227 : i32 to index
          %get3A_1256 = arith.constant 16 : index
          %get3A_1257 = tpu.vector_load %arg10[%get3A_1255, %get3A_1256] {strides = array<i32>} : memref<128x80xf32, #tpu.memory_space<vmem>>, vector<16xf32>,
          %mul3A_1258 = arith.mulf %get3A_1257, %gather3A_1254 : vector<16xf32>
          %swap3A_1259 = arith.index_cast %add3A_1227 : i32 to index
          %swap3A_1260 = arith.constant 16 : index
          %swap3A_1261 = tpu.vector_load %arg11[%swap3A_1259, %swap3A_1260] {strides = array<i32>} : memref<128x80xf32, #tpu.memory_space<vmem>>, vector<16xf32>,
          tpu.vector_store %arg11[%swap3A_1259, %swap3A_1260], %mul3A_1258 {strides = array<i32>} : memref<128x80xf32, #tpu.memory_space<vmem>>, vector<16xf32>,
          %broadcast_in_dim3A_1262 = arith.constant 1 : i32
          %broadcast_in_dim3A_1263 = vector.broadcast %broadcast_in_dim3A_1262 : i32 to vector<16xi32>
          %reshape3A_1264 = vector.shape_cast %broadcast_in_dim3A_1263 : vector<16xi32> to vector<16x1xi32>
          %gather3A_1265 = vector.shape_cast %reshape3A_1264 : vector<16x1xi32> to vector<16xi32>
          %gather3A_1266 = tpu.dynamic_gather %select_n3A_1246[%gather3A_1265] in [0] : vector<16xf32>, vector<16xi32> -> vector<16xf32>
          %get3A_1267 = arith.index_cast %add3A_1227 : i32 to index
          %get3A_1268 = arith.constant 32 : index
          %get3A_1269 = tpu.vector_load %arg10[%get3A_1267, %get3A_1268] {strides = array<i32>} : memref<128x80xf32, #tpu.memory_space<vmem>>, vector<16xf32>,
          %mul3A_1270 = arith.mulf %get3A_1269, %gather3A_1266 : vector<16xf32>
          %swap3A_1271 = arith.index_cast %add3A_1227 : i32 to index
          %swap3A_1272 = arith.constant 32 : index
          %swap3A_1273 = tpu.vector_load %arg11[%swap3A_1271, %swap3A_1272] {strides = array<i32>} : memref<128x80xf32, #tpu.memory_space<vmem>>, vector<16xf32>,
          tpu.vector_store %arg11[%swap3A_1271, %swap3A_1272], %mul3A_1270 {strides = array<i32>} : memref<128x80xf32, #tpu.memory_space<vmem>>, vector<16xf32>,
          %broadcast_in_dim3A_1274 = arith.constant 2 : i32
          %broadcast_in_dim3A_1275 = vector.broadcast %broadcast_in_dim3A_1274 : i32 to vector<16xi32>
          %reshape3A_1276 = vector.shape_cast %broadcast_in_dim3A_1275 : vector<16xi32> to vector<16x1xi32>
          %gather3A_1277 = vector.shape_cast %reshape3A_1276 : vector<16x1xi32> to vector<16xi32>
          %gather3A_1278 = tpu.dynamic_gather %select_n3A_1246[%gather3A_1277] in [0] : vector<16xf32>, vector<16xi32> -> vector<16xf32>
          %get3A_1279 = arith.index_cast %add3A_1227 : i32 to index
          %get3A_1280 = arith.constant 48 : index
          %get3A_1281 = tpu.vector_load %arg10[%get3A_1279, %get3A_1280] {strides = array<i32>} : memref<128x80xf32, #tpu.memory_space<vmem>>, vector<16xf32>,
          %mul3A_1282 = arith.mulf %get3A_1281, %gather3A_1278 : vector<16xf32>
          %swap3A_1283 = arith.index_cast %add3A_1227 : i32 to index
          %swap3A_1284 = arith.constant 48 : index
          %swap3A_1285 = tpu.vector_load %arg11[%swap3A_1283, %swap3A_1284] {strides = array<i32>} : memref<128x80xf32, #tpu.memory_space<vmem>>, vector<16xf32>,
          tpu.vector_store %arg11[%swap3A_1283, %swap3A_1284], %mul3A_1282 {strides = array<i32>} : memref<128x80xf32, #tpu.memory_space<vmem>>, vector<16xf32>,
          %broadcast_in_dim3A_1286 = arith.constant 3 : i32
          %broadcast_in_dim3A_1287 = vector.broadcast %broadcast_in_dim3A_1286 : i32 to vector<16xi32>
          %reshape3A_1288 = vector.shape_cast %broadcast_in_dim3A_1287 : vector<16xi32> to vector<16x1xi32>
          %gather3A_1289 = vector.shape_cast %reshape3A_1288 : vector<16x1xi32> to vector<16xi32>
          %gather3A_1290 = tpu.dynamic_gather %select_n3A_1246[%gather3A_1289] in [0] : vector<16xf32>, vector<16xi32> -> vector<16xf32>
          %get3A_1291 = arith.index_cast %add3A_1227 : i32 to index
          %get3A_1292 = arith.constant 64 : index
          %get3A_1293 = tpu.vector_load %arg10[%get3A_1291, %get3A_1292] {strides = array<i32>} : memref<128x80xf32, #tpu.memory_space<vmem>>, vector<16xf32>,
          %mul3A_1294 = arith.mulf %get3A_1293, %gather3A_1290 : vector<16xf32>
          %swap3A_1295 = arith.index_cast %add3A_1227 : i32 to index
          %swap3A_1296 = arith.constant 64 : index
          %swap3A_1297 = tpu.vector_load %arg11[%swap3A_1295, %swap3A_1296] {strides = array<i32>} : memref<128x80xf32, #tpu.memory_space<vmem>>, vector<16xf32>,
          tpu.vector_store %arg11[%swap3A_1295, %swap3A_1296], %mul3A_1294 {strides = array<i32>} : memref<128x80xf32, #tpu.memory_space<vmem>>, vector<16xf32>,
        }
        %scan3A_112 = arith.constant 8 : i32
        "tpu.region"() ({
          %run_scoped3A = tpu.sem_alloc : memref<!tpu.dma_semaphore, #tpu.memory_space<semaphore_mem>>
          %dma_start3A_113 = arith.constant 0 : i32
          %dma_start3A_114 = arith.constant 0 : i32
          %dma_start3A_115 = tpu.memref_slice %arg13[%dma_start3A_113, %dma_start3A_114] : memref<10112x80xf32, #tpu.memory_space<vmem_shared>> -> memref<10112x80xf32, #tpu.memory_space<vmem_shared>>
          tpu.enqueue_indirect_dma source(%arg11 : memref<128x80xf32, #tpu.memory_space<vmem>>) target(%dma_start3A_115 : memref<10112x80xf32, #tpu.memory_space<vmem_shared>>) offsets(%arg9 : memref<128xi32, #tpu.memory_space<vmem>>) semaphore(%run_scoped3A : memref<!tpu.dma_semaphore, #tpu.memory_space<semaphore_mem>>) {add = true}
          %dma_wait3A_116 = arith.constant 0 : i32
          %dma_wait3A_117 = arith.constant 0 : i32
          %dma_wait3A_118 = tpu.memref_slice %arg13[%dma_wait3A_116, %dma_wait3A_117] : memref<10112x80xf32, #tpu.memory_space<vmem_shared>> -> memref<10112x80xf32, #tpu.memory_space<vmem_shared>>
          tpu.wait_indirect_dma semaphore(%run_scoped3A : memref<!tpu.dma_semaphore, #tpu.memory_space<semaphore_mem>>) src(%arg11 : memref<128x80xf32, #tpu.memory_space<vmem>>) dst(%dma_wait3A_118 : memref<10112x80xf32, #tpu.memory_space<vmem_shared>>)
          tpu.yield
        }) : () -> ()
      } else {
      }
    }
    %scan3A_13 = arith.constant 157 : i32
    %barrier3A_14 = arith.constant 0 : index
    tpu.barrier barrier_id(%barrier3A_14)
    %mul3A_15 = arith.constant 632 : i32
    %mul3A_16 = arith.muli %arg1, %mul3A_15 : i32
    %mul3A_17 = arith.constant 632 : i32
    %mul3A_18 = arith.muli %arg1, %mul3A_17 : i32
    "tpu.region"() ({
      %run_scoped3A = tpu.sem_alloc : memref<!tpu.dma_semaphore, #tpu.memory_space<semaphore_mem>>
      %dma_start3A = arith.constant 0 : i32
      %dma_start3A_19 = tpu.memref_slice %arg6[%arg0, %mul3A_18, %dma_start3A] : memref<2x10112x80xf32, #tpu.memory_space<hbm>> -> memref<1x632x80xf32, #tpu.memory_space<hbm>>
      %dma_start3A_20 = tpu.memref_squeeze %dma_start3A_19 : memref<1x632x80xf32, #tpu.memory_space<hbm>> -> memref<632x80xf32, #tpu.memory_space<hbm>>
      %dma_start3A_21 = arith.constant 0 : i32
      %dma_start3A_22 = tpu.memref_slice %arg13[%mul3A_16, %dma_start3A_21] : memref<10112x80xf32, #tpu.memory_space<vmem_shared>> -> memref<632x80xf32, #tpu.memory_space<vmem_shared>>
      tpu.enqueue_dma source(%dma_start3A_22 : memref<632x80xf32, #tpu.memory_space<vmem_shared>>) target(%dma_start3A_20 : memref<632x80xf32, #tpu.memory_space<hbm>>) target_semaphore(%run_scoped3A : memref<!tpu.dma_semaphore, #tpu.memory_space<semaphore_mem>>)
      %dma_wait3A = arith.constant 0 : i32
      %dma_wait3A_23 = tpu.memref_slice %arg6[%arg0, %mul3A_18, %dma_wait3A] : memref<2x10112x80xf32, #tpu.memory_space<hbm>> -> memref<1x632x80xf32, #tpu.memory_space<hbm>>
      %dma_wait3A_24 = tpu.memref_squeeze %dma_wait3A_23 : memref<1x632x80xf32, #tpu.memory_space<hbm>> -> memref<632x80xf32, #tpu.memory_space<hbm>>
      %dma_wait3A_25 = arith.constant 0 : i32
      %dma_wait3A_26 = tpu.memref_slice %arg13[%mul3A_16, %dma_wait3A_25] : memref<10112x80xf32, #tpu.memory_space<vmem_shared>> -> memref<632x80xf32, #tpu.memory_space<vmem_shared>>
      tpu.wait_dma2 semaphore(%run_scoped3A : memref<!tpu.dma_semaphore, #tpu.memory_space<semaphore_mem>>) src(%dma_wait3A_26 : memref<632x80xf32, #tpu.memory_space<vmem_shared>>) dst(%dma_wait3A_24 : memref<632x80xf32, #tpu.memory_space<hbm>>)
      tpu.yield
    }) : () -> ()
    return
  }
}

module attributes {stable_mosaic.version = 14 : i64} {
  func.func @body(%arg0: memref<10000x128xf32, #tpu.memory_space<vmem>>, %arg1: memref<128x128xf32, #tpu.memory_space<vmem>>, %arg2: memref<128x8xf32, #tpu.memory_space<vmem>>, %arg3: memref<128x8xf32, #tpu.memory_space<vmem>>, %arg4: memref<8x128xf32, #tpu.memory_space<vmem>>, %arg5: memref<2x10000x80xf32, #tpu.memory_space<vmem>>, %arg6: memref<10000x8xf32, #tpu.memory_space<vmem>>, %arg7: memref<10000x144xf32, #tpu.memory_space<vmem>>) attributes {dimension_semantics = [], scalar_prefetch = 0 : i64, scratch_operands = 0 : i64, tpu.core_type = #tpu.core_type<tc>} {
    %get3A = arith.constant 0 : index
    %get3A_0 = arith.constant 0 : index
    %get3A_1 = vector.load %arg0[%get3A, %get3A_0] : memref<10000x128xf32, #tpu.memory_space<vmem>>, vector<10000x128xf32>
    %get3A_2 = arith.constant 0 : index
    %get3A_3 = arith.constant 0 : index
    %get3A_4 = vector.load %arg1[%get3A_2, %get3A_3] : memref<128x128xf32, #tpu.memory_space<vmem>>, vector<128x128xf32>
    %dot_general3A = arith.constant dense<0.000000e+00> : vector<10000x128xf32>
    %dot_general3A_5 = tpu.matmul %get3A_1, %get3A_4, %dot_general3A {dimension_numbers = #tpu.dot_dimension_numbers<[1], [0], [0], [1], [0, 0, 1, 1], [], []>, transpose_lhs_hint = false} : vector<10000x128xf32>, vector<128x128xf32>, vector<10000x128xf32> -> vector<10000x128xf32>
    %get3A_6 = arith.constant 0 : index
    %get3A_7 = arith.constant 0 : index
    %get3A_8 = vector.load %arg2[%get3A_6, %get3A_7] : memref<128x8xf32, #tpu.memory_space<vmem>>, vector<128x8xf32>
    %dot_general3A_9 = arith.constant dense<0.000000e+00> : vector<10000x8xf32>
    %dot_general3A_10 = tpu.matmul %dot_general3A_5, %get3A_8, %dot_general3A_9 {dimension_numbers = #tpu.dot_dimension_numbers<[1], [0], [0], [1], [0, 0, 1, 1], [], []>, transpose_lhs_hint = false} : vector<10000x128xf32>, vector<128x8xf32>, vector<10000x8xf32> -> vector<10000x8xf32>
    %get3A_11 = arith.constant 0 : index
    %get3A_12 = arith.constant 0 : index
    %get3A_13 = vector.load %arg3[%get3A_11, %get3A_12] : memref<128x8xf32, #tpu.memory_space<vmem>>, vector<128x8xf32>
    %dot_general3A_14 = arith.constant dense<0.000000e+00> : vector<10000x8xf32>
    %dot_general3A_15 = tpu.matmul %dot_general3A_5, %get3A_13, %dot_general3A_14 {dimension_numbers = #tpu.dot_dimension_numbers<[1], [0], [0], [1], [0, 0, 1, 1], [], []>, transpose_lhs_hint = false} : vector<10000x128xf32>, vector<128x8xf32>, vector<10000x8xf32> -> vector<10000x8xf32>
    %add3A = arith.addf %dot_general3A_10, %dot_general3A_15 : vector<10000x8xf32>
    %mul3A = arith.constant 2.000000e-01 : f32
    %mul3A_16 = vector.broadcast %mul3A : f32 to vector<10000x8xf32>
    %mul3A_17 = arith.mulf %mul3A_16, %add3A : vector<10000x8xf32>
    %max3A = arith.maximumf %add3A, %mul3A_17 : vector<10000x8xf32>
    %exp3A = math.exp %max3A : vector<10000x8xf32>
    %get3A_18 = arith.constant 0 : index
    %get3A_19 = arith.constant 0 : index
    %get3A_20 = vector.load %arg4[%get3A_18, %get3A_19] : memref<8x128xf32, #tpu.memory_space<vmem>>, vector<8x128xf32>
    %dot_general3A_21 = arith.constant dense<0.000000e+00> : vector<10000x128xf32>
    %dot_general3A_22 = tpu.matmul %exp3A, %get3A_20, %dot_general3A_21 {dimension_numbers = #tpu.dot_dimension_numbers<[1], [0], [0], [1], [0, 0, 1, 1], [], []>, transpose_lhs_hint = false} : vector<10000x8xf32>, vector<8x128xf32>, vector<10000x128xf32> -> vector<10000x128xf32>
    %broadcast_in_dim3A = arith.constant 0.000000e+00 : f32
    %broadcast_in_dim3A_23 = vector.broadcast %broadcast_in_dim3A : f32 to vector<10000x12xf32>
    %slice3A = vector.extract_strided_slice %dot_general3A_10 {offsets = [0, 0], sizes = [10000, 4], strides = [1, 1]} : vector<10000x8xf32> to vector<10000x4xf32>
    %swap3A = arith.constant 0 : index
    %swap3A_24 = arith.constant 0 : index
    %swap3A_25 = arith.constant 0 : index
    %swap3A_26 = vector.load %arg5[%swap3A, %swap3A_24, %swap3A_25] : memref<2x10000x80xf32, #tpu.memory_space<vmem>>, vector<1x10000x4xf32>
    %swap3A_27 = vector.shape_cast %swap3A_26 : vector<1x10000x4xf32> to vector<10000x4xf32>
    %swap3A_28 = vector.shape_cast %slice3A : vector<10000x4xf32> to vector<1x10000x4xf32>
    tpu.vector_store %arg5[%swap3A, %swap3A_24, %swap3A_25], %swap3A_28 {strides = array<i32>} : memref<2x10000x80xf32, #tpu.memory_space<vmem>>, vector<1x10000x4xf32>,
    %swap3A_29 = arith.constant 0 : index
    %swap3A_30 = arith.constant 0 : index
    %swap3A_31 = arith.constant 4 : index
    %swap3A_32 = vector.load %arg5[%swap3A_29, %swap3A_30, %swap3A_31] : memref<2x10000x80xf32, #tpu.memory_space<vmem>>, vector<1x10000x12xf32>
    %swap3A_33 = vector.shape_cast %swap3A_32 : vector<1x10000x12xf32> to vector<10000x12xf32>
    %swap3A_34 = vector.shape_cast %broadcast_in_dim3A_23 : vector<10000x12xf32> to vector<1x10000x12xf32>
    tpu.vector_store %arg5[%swap3A_29, %swap3A_30, %swap3A_31], %swap3A_34 {strides = array<i32>} : memref<2x10000x80xf32, #tpu.memory_space<vmem>>, vector<1x10000x12xf32>,
    %slice3A_35 = vector.extract_strided_slice %dot_general3A_5 {offsets = [0, 0], sizes = [10000, 64], strides = [1, 1]} : vector<10000x128xf32> to vector<10000x64xf32>
    %swap3A_36 = arith.constant 0 : index
    %swap3A_37 = arith.constant 0 : index
    %swap3A_38 = arith.constant 16 : index
    %swap3A_39 = vector.load %arg5[%swap3A_36, %swap3A_37, %swap3A_38] : memref<2x10000x80xf32, #tpu.memory_space<vmem>>, vector<1x10000x64xf32>
    %swap3A_40 = vector.shape_cast %swap3A_39 : vector<1x10000x64xf32> to vector<10000x64xf32>
    %swap3A_41 = vector.shape_cast %slice3A_35 : vector<10000x64xf32> to vector<1x10000x64xf32>
    tpu.vector_store %arg5[%swap3A_36, %swap3A_37, %swap3A_38], %swap3A_41 {strides = array<i32>} : memref<2x10000x80xf32, #tpu.memory_space<vmem>>, vector<1x10000x64xf32>,
    %slice3A_42 = vector.extract_strided_slice %dot_general3A_10 {offsets = [0, 4], sizes = [10000, 4], strides = [1, 1]} : vector<10000x8xf32> to vector<10000x4xf32>
    %swap3A_43 = arith.constant 1 : index
    %swap3A_44 = arith.constant 0 : index
    %swap3A_45 = arith.constant 0 : index
    %swap3A_46 = vector.load %arg5[%swap3A_43, %swap3A_44, %swap3A_45] : memref<2x10000x80xf32, #tpu.memory_space<vmem>>, vector<1x10000x4xf32>
    %swap3A_47 = vector.shape_cast %swap3A_46 : vector<1x10000x4xf32> to vector<10000x4xf32>
    %swap3A_48 = vector.shape_cast %slice3A_42 : vector<10000x4xf32> to vector<1x10000x4xf32>
    tpu.vector_store %arg5[%swap3A_43, %swap3A_44, %swap3A_45], %swap3A_48 {strides = array<i32>} : memref<2x10000x80xf32, #tpu.memory_space<vmem>>, vector<1x10000x4xf32>,
    %swap3A_49 = arith.constant 1 : index
    %swap3A_50 = arith.constant 0 : index
    %swap3A_51 = arith.constant 4 : index
    %swap3A_52 = vector.load %arg5[%swap3A_49, %swap3A_50, %swap3A_51] : memref<2x10000x80xf32, #tpu.memory_space<vmem>>, vector<1x10000x12xf32>
    %swap3A_53 = vector.shape_cast %swap3A_52 : vector<1x10000x12xf32> to vector<10000x12xf32>
    %swap3A_54 = vector.shape_cast %broadcast_in_dim3A_23 : vector<10000x12xf32> to vector<1x10000x12xf32>
    tpu.vector_store %arg5[%swap3A_49, %swap3A_50, %swap3A_51], %swap3A_54 {strides = array<i32>} : memref<2x10000x80xf32, #tpu.memory_space<vmem>>, vector<1x10000x12xf32>,
    %slice3A_55 = vector.extract_strided_slice %dot_general3A_5 {offsets = [0, 64], sizes = [10000, 64], strides = [1, 1]} : vector<10000x128xf32> to vector<10000x64xf32>
    %swap3A_56 = arith.constant 1 : index
    %swap3A_57 = arith.constant 0 : index
    %swap3A_58 = arith.constant 16 : index
    %swap3A_59 = vector.load %arg5[%swap3A_56, %swap3A_57, %swap3A_58] : memref<2x10000x80xf32, #tpu.memory_space<vmem>>, vector<1x10000x64xf32>
    %swap3A_60 = vector.shape_cast %swap3A_59 : vector<1x10000x64xf32> to vector<10000x64xf32>
    %swap3A_61 = vector.shape_cast %slice3A_55 : vector<10000x64xf32> to vector<1x10000x64xf32>
    tpu.vector_store %arg5[%swap3A_56, %swap3A_57, %swap3A_58], %swap3A_61 {strides = array<i32>} : memref<2x10000x80xf32, #tpu.memory_space<vmem>>, vector<1x10000x64xf32>,
    %mul3A_62 = arith.mulf %dot_general3A_5, %dot_general3A_22 : vector<10000x128xf32>
    %swap3A_63 = arith.constant 0 : index
    %swap3A_64 = arith.constant 0 : index
    %swap3A_65 = vector.load %arg7[%swap3A_63, %swap3A_64] : memref<10000x144xf32, #tpu.memory_space<vmem>>, vector<10000x128xf32>
    tpu.vector_store %arg7[%swap3A_63, %swap3A_64], %mul3A_62 {strides = array<i32>} : memref<10000x144xf32, #tpu.memory_space<vmem>>, vector<10000x128xf32>,
    %mul3A_66 = arith.constant 0.000000e+00 : f32
    %mul3A_67 = vector.broadcast %mul3A_66 : f32 to vector<10000x8xf32>
    %mul3A_68 = arith.mulf %dot_general3A_10, %mul3A_67 : vector<10000x8xf32>
    %add3A_69 = arith.addf %mul3A_68, %exp3A : vector<10000x8xf32>
    %swap3A_70 = arith.constant 0 : index
    %swap3A_71 = arith.constant 128 : index
    %swap3A_72 = vector.load %arg7[%swap3A_70, %swap3A_71] : memref<10000x144xf32, #tpu.memory_space<vmem>>, vector<10000x8xf32>
    tpu.vector_store %arg7[%swap3A_70, %swap3A_71], %add3A_69 {strides = array<i32>} : memref<10000x144xf32, #tpu.memory_space<vmem>>, vector<10000x8xf32>,
    %broadcast_in_dim3A_73 = arith.constant 0.000000e+00 : f32
    %broadcast_in_dim3A_74 = vector.broadcast %broadcast_in_dim3A_73 : f32 to vector<10000x8xf32>
    %swap3A_75 = arith.constant 0 : index
    %swap3A_76 = arith.constant 136 : index
    %swap3A_77 = vector.load %arg7[%swap3A_75, %swap3A_76] : memref<10000x144xf32, #tpu.memory_space<vmem>>, vector<10000x8xf32>
    tpu.vector_store %arg7[%swap3A_75, %swap3A_76], %broadcast_in_dim3A_74 {strides = array<i32>} : memref<10000x144xf32, #tpu.memory_space<vmem>>, vector<10000x8xf32>,
    %swap3A_78 = arith.constant 0 : index
    %swap3A_79 = arith.constant 0 : index
    %swap3A_80 = vector.load %arg6[%swap3A_78, %swap3A_79] : memref<10000x8xf32, #tpu.memory_space<vmem>>, vector<10000x8xf32>
    tpu.vector_store %arg6[%swap3A_78, %swap3A_79], %dot_general3A_15 {strides = array<i32>} : memref<10000x8xf32, #tpu.memory_space<vmem>>, vector<10000x8xf32>,
    return
  }
}

module attributes {stable_mosaic.version = 14 : i64} {
  func.func @body(%arg0: memref<10000x80xf32, #tpu.memory_space<vmem>>, %arg1: memref<10000x80xf32, #tpu.memory_space<vmem>>, %arg2: memref<10000x144xf32, #tpu.memory_space<vmem>>, %arg3: memref<1x128xf32, #tpu.memory_space<vmem>>, %arg4: memref<128x16xf32, #tpu.memory_space<vmem>>, %arg5: memref<1x16xf32, #tpu.memory_space<vmem>>, %arg6: memref<1x16xf32, #tpu.memory_space<vmem>>, %arg7: memref<8x128xf32, #tpu.memory_space<vmem>>, %arg8: memref<10000x32xf32, #tpu.memory_space<vmem>>, %arg9: memref<10000x1xf32, #tpu.memory_space<vmem>>, %arg10: memref<10000x32xf32, #tpu.memory_space<vmem>>) attributes {dimension_semantics = [], scalar_prefetch = 0 : i64, scratch_operands = 0 : i64, tpu.core_type = #tpu.core_type<tc>} {
    %get3A = arith.constant 0 : index
    %get3A_0 = arith.constant 0 : index
    %get3A_1 = vector.load %arg0[%get3A, %get3A_0] : memref<10000x80xf32, #tpu.memory_space<vmem>>, vector<10000x80xf32>
    %get3A_2 = arith.constant 0 : index
    %get3A_3 = arith.constant 0 : index
    %get3A_4 = vector.load %arg1[%get3A_2, %get3A_3] : memref<10000x80xf32, #tpu.memory_space<vmem>>, vector<10000x80xf32>
    %get3A_5 = arith.constant 0 : index
    %get3A_6 = arith.constant 0 : index
    %get3A_7 = vector.load %arg2[%get3A_5, %get3A_6] : memref<10000x144xf32, #tpu.memory_space<vmem>>, vector<10000x144xf32>
    %slice3A = vector.extract_strided_slice %get3A_1 {offsets = [0, 16], sizes = [10000, 64], strides = [1, 1]} : vector<10000x80xf32> to vector<10000x64xf32>
    %slice3A_8 = vector.extract_strided_slice %get3A_4 {offsets = [0, 16], sizes = [10000, 64], strides = [1, 1]} : vector<10000x80xf32> to vector<10000x64xf32>
    %concatenate3A = tpu.concatenate %slice3A, %slice3A_8 in 1 : vector<10000x64xf32>, vector<10000x64xf32> -> vector<10000x128xf32>
    %slice3A_9 = vector.extract_strided_slice %get3A_7 {offsets = [0, 0], sizes = [10000, 128], strides = [1, 1]} : vector<10000x144xf32> to vector<10000x128xf32>
    %add3A = arith.addf %concatenate3A, %slice3A_9 : vector<10000x128xf32>
    %slice3A_10 = vector.extract_strided_slice %get3A_1 {offsets = [0, 0], sizes = [10000, 4], strides = [1, 1]} : vector<10000x80xf32> to vector<10000x4xf32>
    %slice3A_11 = vector.extract_strided_slice %get3A_4 {offsets = [0, 0], sizes = [10000, 4], strides = [1, 1]} : vector<10000x80xf32> to vector<10000x4xf32>
    %concatenate3A_12 = tpu.concatenate %slice3A_10, %slice3A_11 in 1 : vector<10000x4xf32>, vector<10000x4xf32> -> vector<10000x8xf32>
    %slice3A_13 = vector.extract_strided_slice %get3A_7 {offsets = [0, 128], sizes = [10000, 8], strides = [1, 1]} : vector<10000x144xf32> to vector<10000x8xf32>
    %add3A_14 = arith.addf %concatenate3A_12, %slice3A_13 : vector<10000x8xf32>
    %get3A_15 = arith.constant 0 : index
    %get3A_16 = arith.constant 0 : index
    %get3A_17 = vector.load %arg7[%get3A_15, %get3A_16] : memref<8x128xf32, #tpu.memory_space<vmem>>, vector<8x128xf32>
    %dot_general3A = arith.constant dense<0.000000e+00> : vector<10000x128xf32>
    %dot_general3A_18 = tpu.matmul %add3A_14, %get3A_17, %dot_general3A {dimension_numbers = #tpu.dot_dimension_numbers<[1], [0], [0], [1], [0, 0, 1, 1], [], []>, transpose_lhs_hint = false} : vector<10000x8xf32>, vector<8x128xf32>, vector<10000x128xf32> -> vector<10000x128xf32>
    %add3A_19 = arith.constant 1.000000e-16 : f32
    %add3A_20 = vector.broadcast %add3A_19 : f32 to vector<10000x128xf32>
    %add3A_21 = arith.addf %dot_general3A_18, %add3A_20 : vector<10000x128xf32>
    %div3A = arith.divf %add3A, %add3A_21 : vector<10000x128xf32>
    %get3A_22 = arith.constant 0 : index
    %get3A_23 = arith.constant 0 : index
    %get3A_24 = vector.load %arg3[%get3A_22, %get3A_23] : memref<1x128xf32, #tpu.memory_space<vmem>>, vector<1x128xf32>
    %add3A_25 = vector.broadcast %get3A_24 : vector<1x128xf32> to vector<10000x128xf32>
    %add3A_26 = arith.addf %div3A, %add3A_25 : vector<10000x128xf32>
    %gt3A = arith.constant 0.000000e+00 : f32
    %gt3A_27 = vector.broadcast %gt3A : f32 to vector<10000x128xf32>
    %gt3A_28 = arith.cmpf ogt, %add3A_26, %gt3A_27 : vector<10000x128xf32>
    %exp3A = math.exp %add3A_26 : vector<10000x128xf32>
    %sub3A = arith.constant 1.000000e+00 : f32
    %sub3A_29 = vector.broadcast %sub3A : f32 to vector<10000x128xf32>
    %sub3A_30 = arith.subf %exp3A, %sub3A_29 : vector<10000x128xf32>
    %select_n3A = arith.select %gt3A_28, %add3A_26, %sub3A_30 : vector<10000x128xi1>, vector<10000x128xf32>
    %get3A_31 = arith.constant 0 : index
    %get3A_32 = arith.constant 0 : index
    %get3A_33 = vector.load %arg4[%get3A_31, %get3A_32] : memref<128x16xf32, #tpu.memory_space<vmem>>, vector<128x16xf32>
    %dot_general3A_34 = arith.constant dense<0.000000e+00> : vector<10000x16xf32>
    %dot_general3A_35 = tpu.matmul %select_n3A, %get3A_33, %dot_general3A_34 {dimension_numbers = #tpu.dot_dimension_numbers<[1], [0], [0], [1], [0, 0, 1, 1], [], []>, transpose_lhs_hint = false} : vector<10000x128xf32>, vector<128x16xf32>, vector<10000x16xf32> -> vector<10000x16xf32>
    %get3A_36 = arith.constant 0 : index
    %get3A_37 = arith.constant 0 : index
    %get3A_38 = vector.load %arg5[%get3A_36, %get3A_37] : memref<1x16xf32, #tpu.memory_space<vmem>>, vector<1x16xf32>
    %mul3A = vector.broadcast %get3A_38 : vector<1x16xf32> to vector<10000x16xf32>
    %mul3A_39 = arith.mulf %dot_general3A_35, %mul3A : vector<10000x16xf32>
    %reduce_sum3A = arith.constant dense<0.000000e+00> : vector<10000xf32>
    %reduce_sum3A_40 = vector.multi_reduction <add>, %mul3A_39, %reduce_sum3A [1] : vector<10000x16xf32> to vector<10000xf32>
    %broadcast_in_dim3A = vector.shape_cast %reduce_sum3A_40 : vector<10000xf32> to vector<10000x1xf32>
    %get3A_41 = arith.constant 0 : index
    %get3A_42 = arith.constant 0 : index
    %get3A_43 = vector.load %arg6[%get3A_41, %get3A_42] : memref<1x16xf32, #tpu.memory_space<vmem>>, vector<1x16xf32>
    %mul3A_44 = vector.broadcast %get3A_43 : vector<1x16xf32> to vector<10000x16xf32>
    %mul3A_45 = arith.mulf %dot_general3A_35, %mul3A_44 : vector<10000x16xf32>
    %reduce_sum3A_46 = arith.constant dense<0.000000e+00> : vector<10000xf32>
    %reduce_sum3A_47 = vector.multi_reduction <add>, %mul3A_45, %reduce_sum3A_46 [1] : vector<10000x16xf32> to vector<10000xf32>
    %broadcast_in_dim3A_48 = vector.shape_cast %reduce_sum3A_47 : vector<10000xf32> to vector<10000x1xf32>
    %add3A_49 = arith.addf %broadcast_in_dim3A, %broadcast_in_dim3A_48 : vector<10000x1xf32>
    %mul3A_50 = arith.constant 2.000000e-01 : f32
    %mul3A_51 = vector.broadcast %mul3A_50 : f32 to vector<10000x1xf32>
    %mul3A_52 = arith.mulf %mul3A_51, %add3A_49 : vector<10000x1xf32>
    %max3A = arith.maximumf %add3A_49, %mul3A_52 : vector<10000x1xf32>
    %exp3A_53 = math.exp %max3A : vector<10000x1xf32>
    %broadcast_in_dim3A_54 = arith.constant 0.000000e+00 : f32
    %broadcast_in_dim3A_55 = vector.broadcast %broadcast_in_dim3A_54 : f32 to vector<10000x15xf32>
    %swap3A = arith.constant 0 : index
    %swap3A_56 = arith.constant 0 : index
    %swap3A_57 = vector.load %arg8[%swap3A, %swap3A_56] : memref<10000x32xf32, #tpu.memory_space<vmem>>, vector<10000x16xf32>
    tpu.vector_store %arg8[%swap3A, %swap3A_56], %dot_general3A_35 {strides = array<i32>} : memref<10000x32xf32, #tpu.memory_space<vmem>>, vector<10000x16xf32>,
    %swap3A_58 = arith.constant 0 : index
    %swap3A_59 = arith.constant 16 : index
    %swap3A_60 = vector.load %arg8[%swap3A_58, %swap3A_59] : memref<10000x32xf32, #tpu.memory_space<vmem>>, vector<10000x1xf32>
    tpu.vector_store %arg8[%swap3A_58, %swap3A_59], %broadcast_in_dim3A {strides = array<i32>} : memref<10000x32xf32, #tpu.memory_space<vmem>>, vector<10000x1xf32>,
    %swap3A_61 = arith.constant 0 : index
    %swap3A_62 = arith.constant 17 : index
    %swap3A_63 = vector.load %arg8[%swap3A_61, %swap3A_62] : memref<10000x32xf32, #tpu.memory_space<vmem>>, vector<10000x15xf32>
    tpu.vector_store %arg8[%swap3A_61, %swap3A_62], %broadcast_in_dim3A_55 {strides = array<i32>} : memref<10000x32xf32, #tpu.memory_space<vmem>>, vector<10000x15xf32>,
    %mul3A_64 = vector.broadcast %exp3A_53 : vector<10000x1xf32> to vector<10000x16xf32>
    %mul3A_65 = arith.mulf %dot_general3A_35, %mul3A_64 : vector<10000x16xf32>
    %swap3A_66 = arith.constant 0 : index
    %swap3A_67 = arith.constant 0 : index
    %swap3A_68 = vector.load %arg10[%swap3A_66, %swap3A_67] : memref<10000x32xf32, #tpu.memory_space<vmem>>, vector<10000x16xf32>
    tpu.vector_store %arg10[%swap3A_66, %swap3A_67], %mul3A_65 {strides = array<i32>} : memref<10000x32xf32, #tpu.memory_space<vmem>>, vector<10000x16xf32>,
    %swap3A_69 = arith.constant 0 : index
    %swap3A_70 = arith.constant 16 : index
    %swap3A_71 = vector.load %arg10[%swap3A_69, %swap3A_70] : memref<10000x32xf32, #tpu.memory_space<vmem>>, vector<10000x1xf32>
    tpu.vector_store %arg10[%swap3A_69, %swap3A_70], %exp3A_53 {strides = array<i32>} : memref<10000x32xf32, #tpu.memory_space<vmem>>, vector<10000x1xf32>,
    %swap3A_72 = arith.constant 0 : index
    %swap3A_73 = arith.constant 17 : index
    %swap3A_74 = vector.load %arg10[%swap3A_72, %swap3A_73] : memref<10000x32xf32, #tpu.memory_space<vmem>>, vector<10000x15xf32>
    tpu.vector_store %arg10[%swap3A_72, %swap3A_73], %broadcast_in_dim3A_55 {strides = array<i32>} : memref<10000x32xf32, #tpu.memory_space<vmem>>, vector<10000x15xf32>,
    %swap3A_75 = arith.constant 0 : index
    %swap3A_76 = arith.constant 0 : index
    %swap3A_77 = vector.load %arg9[%swap3A_75, %swap3A_76] : memref<10000x1xf32, #tpu.memory_space<vmem>>, vector<10000x1xf32>
    tpu.vector_store %arg9[%swap3A_75, %swap3A_76], %broadcast_in_dim3A_48 {strides = array<i32>} : memref<10000x1xf32, #tpu.memory_space<vmem>>, vector<10000x1xf32>,
    return
  }
}

module attributes {stable_mosaic.version = 14 : i64} {
  func.func @body(%arg0: memref<10000x32xf32, #tpu.memory_space<vmem>>, %arg1: memref<10000x32xf32, #tpu.memory_space<vmem>>, %arg2: memref<10000x32xf32, #tpu.memory_space<vmem>>, %arg3: memref<1x16xf32, #tpu.memory_space<vmem>>, %arg4: memref<10000x16xf32, #tpu.memory_space<vmem>>) attributes {dimension_semantics = [], scalar_prefetch = 0 : i64, scratch_operands = 0 : i64, tpu.core_type = #tpu.core_type<tc>} {
    %get3A = arith.constant 0 : index
    %get3A_0 = arith.constant 0 : index
    %get3A_1 = vector.load %arg0[%get3A, %get3A_0] : memref<10000x32xf32, #tpu.memory_space<vmem>>, vector<10000x32xf32>
    %get3A_2 = arith.constant 0 : index
    %get3A_3 = arith.constant 0 : index
    %get3A_4 = vector.load %arg1[%get3A_2, %get3A_3] : memref<10000x32xf32, #tpu.memory_space<vmem>>, vector<10000x32xf32>
    %add3A = arith.addf %get3A_1, %get3A_4 : vector<10000x32xf32>
    %get3A_5 = arith.constant 0 : index
    %get3A_6 = arith.constant 0 : index
    %get3A_7 = vector.load %arg2[%get3A_5, %get3A_6] : memref<10000x32xf32, #tpu.memory_space<vmem>>, vector<10000x32xf32>
    %add3A_8 = arith.addf %add3A, %get3A_7 : vector<10000x32xf32>
    %slice3A = vector.extract_strided_slice %add3A_8 {offsets = [0, 0], sizes = [10000, 16], strides = [1, 1]} : vector<10000x32xf32> to vector<10000x16xf32>
    %slice3A_9 = vector.extract_strided_slice %add3A_8 {offsets = [0, 16], sizes = [10000, 1], strides = [1, 1]} : vector<10000x32xf32> to vector<10000x1xf32>
    %add3A_10 = arith.constant 1.000000e-16 : f32
    %add3A_11 = vector.broadcast %add3A_10 : f32 to vector<10000x1xf32>
    %add3A_12 = arith.addf %slice3A_9, %add3A_11 : vector<10000x1xf32>
    %div3A = vector.broadcast %add3A_12 : vector<10000x1xf32> to vector<10000x16xf32>
    %div3A_13 = arith.divf %slice3A, %div3A : vector<10000x16xf32>
    %get3A_14 = arith.constant 0 : index
    %get3A_15 = arith.constant 0 : index
    %get3A_16 = vector.load %arg3[%get3A_14, %get3A_15] : memref<1x16xf32, #tpu.memory_space<vmem>>, vector<1x16xf32>
    %add3A_17 = vector.broadcast %get3A_16 : vector<1x16xf32> to vector<10000x16xf32>
    %add3A_18 = arith.addf %div3A_13, %add3A_17 : vector<10000x16xf32>
    %reduce_max3A = arith.constant dense<0xFF800000> : vector<10000xf32>
    %reduce_max3A_19 = vector.multi_reduction <maximumf>, %add3A_18, %reduce_max3A [1] : vector<10000x16xf32> to vector<10000xf32>
    %broadcast_in_dim3A = vector.shape_cast %reduce_max3A_19 : vector<10000xf32> to vector<10000x1xf32>
    %sub3A = vector.broadcast %broadcast_in_dim3A : vector<10000x1xf32> to vector<10000x16xf32>
    %sub3A_20 = arith.subf %add3A_18, %sub3A : vector<10000x16xf32>
    %exp3A = math.exp %sub3A_20 : vector<10000x16xf32>
    %reduce_sum3A = arith.constant dense<0.000000e+00> : vector<10000xf32>
    %reduce_sum3A_21 = vector.multi_reduction <add>, %exp3A, %reduce_sum3A [1] : vector<10000x16xf32> to vector<10000xf32>
    %broadcast_in_dim3A_22 = vector.shape_cast %reduce_sum3A_21 : vector<10000xf32> to vector<10000x1xf32>
    %log3A = math.log %broadcast_in_dim3A_22 : vector<10000x1xf32>
    %sub3A_23 = vector.broadcast %broadcast_in_dim3A : vector<10000x1xf32> to vector<10000x16xf32>
    %sub3A_24 = arith.subf %add3A_18, %sub3A_23 : vector<10000x16xf32>
    %sub3A_25 = vector.broadcast %log3A : vector<10000x1xf32> to vector<10000x16xf32>
    %sub3A_26 = arith.subf %sub3A_24, %sub3A_25 : vector<10000x16xf32>
    %swap3A = arith.constant 0 : index
    %swap3A_27 = arith.constant 0 : index
    %swap3A_28 = vector.load %arg4[%swap3A, %swap3A_27] : memref<10000x16xf32, #tpu.memory_space<vmem>>, vector<10000x16xf32>
    tpu.vector_store %arg4[%swap3A, %swap3A_27], %sub3A_26 {strides = array<i32>} : memref<10000x16xf32, #tpu.memory_space<vmem>>, vector<10000x16xf32>,
    return
  }
}

</mosaic_0001>

<sc_bundles>
// kernel: kernel.10.cloned.1.call-start
scs
__scs_entry_jumppad:
0x0: {  	(pc) =	sbr.rel $0x88, $3  }
0x1: {  	(tag) =	ssettag $0x0;
	lr =	simm.s32 $0x1  }
0x2: {  	[smem:$0x3F97] =	sst lr;
	_ =	strace $0xD0000000  }
0x3: {  	_ = 	snop  }
0x4: {  	_ = 	snop  }
0x5: {  	_ = 	snop  }
0x6: {  	_ = 	snop  }
0x7: {  	_ = 	snop  }
__scs_overlays_trampoline_lowered:
0x8: {  	[smem:$0x3FA6] =	sst s0  }
0x9: {  	[smem:$0x3FA7] =	sst s1  }
0xa: {  	[smem:$0x3FA8] =	sst s2  }
0xb: {  	[smem:$0x3FA9] =	sst s3  }
0xc: {  	[smem:$0x3FAA] =	sst s4  }
0xd: {  	[smem:$0x3FAB] =	sst s5  }
0xe: {  	[smem:$0x3FAC] =	sst s6  }
0xf: {  	[smem:$0x3FAD] =	sst s7  }
0x10: {  	[smem:$0x3FAE] =	sst s8  }
0x11: {  	[smem:$0x3FAF] =	sst s9;
	s0 =	simm.s32 @!p0 $0x0  }
0x12: {  	s1 =	sld [smem:$0x3F95];
	s0 =	simm.s32 @p0 $0x1  }
0x13: {  	[smem:$0x3FB0] =	sst s0;
	s0 =	simm.s32 @!p1 $0x0  }
0x14: {  	s2 =	sld [smem:$0x3F94];
	s0 =	simm.s32 @p1 $0x1  }
0x15: {  	[smem:$0x3FB1] =	sst s0;
	s0 =	simm.s32 @!p2 $0x0  }
0x16: {  	s3 =	sld [smem:$0x3FDB];
	s0 =	simm.s32 @p2 $0x1  }
0x17: {  	s4 =	simm.s32 $0x1BF5;
	[smem:$0x3FB3] =	sst s0  }
0x18: {  	s0 =	sld [smem:$0x3F96];
	_ =	swait.ge [sflag:s4], $0x0  }
0x19: {  	s7 =	sld [smem:$0x3F97]  }
0x1a: {  	s8 =	sadd.s32 $0xFFFFE003, lr  }
0x1b: {  	s9 =	sadd.s32 $0xFFFFFEF7, lr;
	s5 =	simm.s32 $0xFFFFFFFF;
	p2 =	slt.u32 s8, $0xFFFFF086  }
0x1c: {  	p1 =	slt.u32 s9, $0xF7A;
	s5 =	simm.s32 @!p2 $0x0  }
0x1d: {  	s5 =	simm.s32 @p1 $0x1;
	p0 =	seq.s32 s7, s2  }
0x1e: {  	s7 =	smul.u32 @!p0 $0xF7A, s2;
	p2 =	seq.s32 @!p0 s5, $0x0  }
0x1f: {  	s9 =	smul.u32 $0xF7A, s1;
	s8 =	simm.s32 @!p0 $0x1BF5;
	p2 =	por !p2, p0  }
0x20: {  	[sflag:s8] =	ssyncset.s32 @!p0 $0xFFFFF086;
	s6 =	sadd.s32 @!p0 s3, s7;
	s7 =	simm.s32 @!p0 $0x108  }
0x21: {  	s3 =	sadd.s32 s3, s9;
	s6 =	sadd.s32 @!p0 $0x88, s6;
	s7 =	simm.s32 @p2 $0x1082  }
0x22: {  	[simem:s7], [sflag:s8] =	dma.local @!p0 [hbm:s6], $0xF7A  }
0x23: {  	s9 =	sor.u32 $0xD0000000, s2;
	s6 =	simm.s32 $0x108;
	_ =	swait.ge @!p0 [sflag:s8], $0x0  }
0x24: {  	s3 =	sadd.s32 $0x88, s3;
	s6 =	simm.s32 @!p1 $0x1082;
	[sflag:s4] =	ssyncset.s32 $0xFFFFF086  }
0x25: {  	[simem:s6], [sflag:s4] =	dma.local [hbm:s3], $0xF7A  }
0x26: {  	[smem:$0x3F97] =	sst s1;
	(tag) =	ssettag s2;
	_ =	strace s9  }
0x27: {  	s1 =	sld [smem:$0x3FA7]  }
0x28: {  	s2 =	sld [smem:$0x3FA8]  }
0x29: {  	s4 =	sld [smem:$0x3FAA]  }
0x2a: {  	p0 =	seq.s32 s5, $0x0;
	s5 =	sld [smem:$0x3FAB]  }
0x2b: {  	s6 =	sld [smem:$0x3FAC]  }
0x2c: {  	s7 =	sld [smem:$0x3FAD]  }
0x2d: {  	s3 =	simm.s32 $0x108;
	s8 =	sld [smem:$0x3FAE]  }
0x2e: {  	s3 =	simm.s32 @!p0 $0x1082;
	s9 =	sld [smem:$0x3FAF]  }
0x2f: {  	lr =	sadd.s32 s0, s3;
	s0 =	sld [smem:$0x3FA6]  }
0x30: {  	s3 =	sld [smem:$0x3FA9]  }
0x31: {  	[smem:$0x3FB2] =	sst s10  }
0x32: {  	s10 =	sld [smem:$0x3FB0];
	_ =	sdelay $0x3  }
0x33: {  	p0 =	seq.s32 s10, $0x1;
	s10 =	sld [smem:$0x3FB2];
	_ =	sdelay $0x3  }
0x34: {  	[smem:$0x3FB2] =	sst s10  }
0x35: {  	s10 =	sld [smem:$0x3FB1];
	_ =	sdelay $0x3  }
0x36: {  	p1 =	seq.s32 s10, $0x1;
	s10 =	sld [smem:$0x3FB2];
	_ =	sdelay $0x3  }
0x37: {  	[smem:$0x3FB2] =	sst s10  }
0x38: {  	s10 =	sld [smem:$0x3FB3]  }
0x39: {  	_ = 	snop;
	(pc) =	sbr.ind lr, $3  }
0x3a: {  	_ = 	snop  }
0x3b: {  	_ = 	snop  }
0x3c: {  	p2 =	seq.s32 s10, $0x1;
	s10 =	sld [smem:$0x3FB2]  }
0x3d: {  	_ =	shalt  }
0x3e: {  	_ =	shalt  }
0x3f: {  	_ =	shalt  }
0x40: {  	_ =	shalt  }
0x41: {  	_ =	shalt  }
0x42: {  	_ =	shalt  }
0x43: {  	_ =	shalt  }
0x44: {  	_ =	shalt  }
0x45: {  	_ =	shalt  }
0x46: {  	_ =	shalt  }
0x47: {  	_ =	shalt  }
0x48: {  	_ =	shalt  }
0x49: {  	_ =	shalt  }
0x4a: {  	_ =	shalt  }
0x4b: {  	_ =	shalt  }
0x4c: {  	_ =	shalt  }
0x4d: {  	_ =	shalt  }
0x4e: {  	_ =	shalt  }
0x4f: {  	_ =	shalt  }
0x50: {  	_ =	shalt  }
0x51: {  	_ =	shalt  }
0x52: {  	_ =	shalt  }
0x53: {  	_ =	shalt  }
0x54: {  	_ =	shalt  }
0x55: {  	_ =	shalt  }
0x56: {  	_ =	shalt  }
0x57: {  	_ =	shalt  }
0x58: {  	_ =	shalt  }
0x59: {  	_ =	shalt  }
0x5a: {  	_ =	shalt  }
0x5b: {  	_ =	shalt  }
0x5c: {  	_ =	shalt  }
0x5d: {  	_ =	shalt  }
0x5e: {  	_ =	shalt  }
0x5f: {  	_ =	shalt  }
0x60: {  	_ =	shalt  }
0x61: {  	_ =	shalt  }
0x62: {  	_ =	shalt  }
0x63: {  	_ =	shalt  }
0x64: {  	_ =	shalt  }
0x65: {  	_ =	shalt  }
0x66: {  	_ =	shalt  }
0x67: {  	_ =	shalt  }
0x68: {  	_ =	shalt  }
0x69: {  	_ =	shalt  }
0x6a: {  	_ =	shalt  }
0x6b: {  	_ =	shalt  }
0x6c: {  	_ =	shalt  }
0x6d: {  	_ =	shalt  }
0x6e: {  	_ =	shalt  }
0x6f: {  	_ =	shalt  }
0x70: {  	_ =	shalt  }
0x71: {  	_ =	shalt  }
0x72: {  	_ =	shalt  }
0x73: {  	_ =	shalt  }
0x74: {  	_ =	shalt  }
0x75: {  	_ =	shalt  }
0x76: {  	_ =	shalt  }
0x77: {  	_ =	shalt  }
0x78: {  	_ =	shalt  }
0x79: {  	_ =	shalt  }
0x7a: {  	_ =	shalt  }
0x7b: {  	_ =	shalt  }
0x7c: {  	_ =	shalt  }
0x7d: {  	_ =	shalt  }
0x7e: {  	_ =	shalt  }
0x7f: {  	_ =	shalt  }
0x80: {  	_ =	shalt  }
0x81: {  	_ =	shalt  }
0x82: {  	_ =	shalt  }
0x83: {  	_ =	shalt  }
0x84: {  	_ =	shalt  }
0x85: {  	_ =	shalt  }
0x86: {  	_ =	shalt  }
0x87: {  	_ =	shalt  }
.Lfunc_end0:
.L_simem_size_0:
called_computation.1_lowered:
.L_overlay_start_0:
0x88: {  	s2 =	sld [smem:$0x3FD9]  }
0x89: {  	s3 =	sld [smem:$0x3FFE];
	_ =	sdelay $0x1  }
0x8a: {  	s1 =	srdreg.scid  }
0x8b: {  	s0 =	sand.u32 $0x1, s1  }
0x8c: {  	s17 =	sshll.u32 s0, $0xA;
	s2 =	sadd.s32 s3, s2  }
0x8d: {  	s2 =	sadd.s32 s2, s17  }
0x8e: {  	[smem:$0x3FBE] =	sst s2  }
0x8f: {  	_ = 	snop  }
0x90: {  	s2 =	sld [smem:$0x3FD0];
	(tm) =	ssettm $0x1  }
0x91: {  	s18 =	sld [smem:$0x3FFB];
	_ =	sdelay $0x3  }
0x92: {  	_ =	strace s18  }
0x93: {  	s3 =	sld [smem:$0x3FFC];
	_ =	sdelay $0x3  }
0x94: {  	_ =	strace s3  }
0x95: {  	s3 =	sld [smem:$0x3FFD];
	_ =	sdelay $0x3  }
0x96: {  	_ =	strace s3  }
0x97: {  	_ =	strace $0x8FFFFFFF  }
0x98: {  	s19 =	sld [smem:$0x3FDB];
	_ =	sdelay $0x1  }
0x99: {  	s4 =	simm.s32 $_scs_section_size  }
0x9a: {  	s5 =	simm.s32 $_size__tile_overlayer_lowered;
	s6 =	simm.s32 $_tile_overlayer_lowered  }
0x9b: {  	s22 =	simm.s32 $0x1BFF;
	s21 =	sshll.u32 s6, $0x1;
	s3 =	sadd.s32 s4, s19  }
0x9c: {  	s7 =	simm.s32 $0x0;
	s20 =	sshll.u32 s5, $0x1;
	s5 =	sadd.s32 s21, s3  }
0x9d: {  	[timem:s7], [sflag:s22] =	dma.local [hbm:s5], s20  }
0x9e: {  	_ =	swait.ge [sflag:s22], s20  }
0x9f: {  	s4 =	ssub.s32 $0x0, s20;
	[sflag:s22] =	ssyncset.done $0x0  }
0xa0: {  	[sflag:s22] =	ssyncadd.s32 s4;
	_ =	sdelay $0x1  }
0xa1: {  	s23 =	simm.s32 $0x1B8B  }
0xa2: {  	_ =	swait.ge [sflag:s23], $0x1  }
0xa3: {  	[sflag:s23] =	ssyncset.done $0x0  }
0xa4: {  	s25 =	simm.s32 $0x1B8E;
	s24 =	sld [smem:$0x3FFE];
	[sflag:s23] =	ssyncadd.s32 $0xFFFFFFFF  }
0xa5: {  	s26 =	simm.s32 $execute0_lowered;
	[smem:$0x3FD2] =	sst s25  }
0xa6: {  	s5 =	sshll.u32 s26, $0x1;
	_ =	strace $0x80000049;
	[dreg:$0x1] =	wrdreg $0xFFFFFFFF  }
0xa7: {  	s28 =	simm.s32 $_size_execute0_lowered;
	s3 =	sadd.s32 s3, s5;
	[dreg:$0x0] =	wrdreg $0x0  }
0xa8: {  	s5 =	sshll.u32 s28, $0x1;
	[dreg:$0x2] =	wrdreg s3  }
0xa9: {  	[dreg:$0x3] =	wrdreg s5  }
0xaa: {  	[dreg:$0x4] =	wrdreg $0xC0  }
0xab: {  	_ =	task [dreg:s7], $0x5FFFF  }
0xac: {  	[dreg:$0x1] =	wrdreg $0xFFFFFFFF  }
0xad: {  	[dreg:$0x0] =	wrdreg $0x60  }
0xae: {  	[dreg:$0x2] =	wrdreg s24  }
0xaf: {  	[dreg:$0x3] =	wrdreg s2  }
0xb0: {  	[dreg:$0x4] =	wrdreg $0x49200  }
0xb1: {  	[dreg:$0x5] =	wrdreg $0x9  }
0xb2: {  	_ =	task.clear_ibuf [dreg:s7], $0x6FFFF;
	_ =	strace $0x90000049  }
0xb3: {  	s29 =	simm.s32 $0x9;
	_ =	strace $0x8000004B  }
0xb4: {  	_ =	swait.ge [sflag:s29], $0x1  }
0xb5: {  	[sflag:s29] =	ssyncadd.s32 $0xFFFFFFFF  }
0xb6: {  	_ =	strace $0x9000004B  }
0xb7: {  	_ =	sfence  }
0xb8: {  	s30 =	sld [smem:$0x0];
	_ =	sdelay $0x2  }
0xb9: {  	s31 =	sshll.u32 s1, $0xD;
	s1 =	sshrl.u32 s1, $0x2  }
0xba: {  	s3 =	sand.u32 $0x4000, s31;
	s1 =	sadd.s32 s1, s30  }
0xbb: {  	s0 =	sor.u32 s3, s0;
	s1 =	sshll.u32 s1, $0x11  }
0xbc: {  	s0 =	sor.u32 s1, s0  }
0xbd: {  	s0 =	sadd.s32 $0x8F2B, s0  }
0xbe: {  	[sflag:s0] =	ssyncadd.remote.s32 $0x1  }
0xbf: {  	_ =	sfence.sel $0xFFFF  }
0xc0: {  	[dreg:$0x0] =	wrdreg $0xFFFFFFFF;
	(pc) =	sbr.abs _section_cstart, $3  }
0xc1: {  	[dreg:$0x1] =	wrdreg $0xFFFFFFFF  }
0xc2: {  	_ =	task.clear_ibuf [dreg:s7], $0x2FFFF;
	_ =	strace $0x9FFFFFFF  }
0xc3: {  	(tm) =	ssettm $0x7FFFFFFF  }
tec
execute0_lowered:
.L_overlay_start_1:
0x0: {  	(tag) =	ssettag $0x1  }
0x1: {  	s8 =	rddreg [dreg:$0x0]  }
0x2: {  	s2 =	rddreg [dreg:$0x1]  }
0x3: {  	s3 =	rddreg [dreg:$0x2]  }
0x4: {  	s0 =	rddreg [dreg:$0x3];
	s1 =	stileid.u32  }
0x5: {  	s5 =	srdreg.scid;
	s4 =	simm.s32 $0x0;
	s16 =	simm.s32 $0x3  }
0x6: {  	s17 =	simm.s32 $0x80;
	s18 =	simm.s32 $0x100;
	s19 =	simm.s32 $0x200  }
0x7: {  	s20 =	simm.s32 $0x1;
	s21 =	simm.s32 $0x1200;
	s22 =	simm.s32 $0x180  }
0x8: {  	s23 =	simm.s32 $0x0;
	s9 =	smul.u32 $0x4F00, s1;
	s5 =	sand.u32 $0x1, s5  }
0x9: {  	[smem:$0x7FF] =	sst s4;
	s6 =	sadd.s32 $0x80600, s8;
	s7 =	sadd.s32 $0x1600, s8  }
0xa: {  	s31 =	sshll.u32 s1, $0x6;
	s10 =	smul.u32 $0x4F000, s5;
	s11 =	ssub.s32 $0x2, s5  }
0xb: {  	v0 =	vlaneseq.u32;
	v1 =	vimm.s32 $0x5;
	v2 =	vimm.s32 $0x0;
	_ =	strace $0x8000004A;
	s12 =	sshrl.u32 s9, $0x3;
	s13 =	sshrl.u32 s11, $0x1  }
.Ltmp0:
0xc: {  	v3 =	vimm.s32 $0x1;
	v4 =	vimm.s32 $0x2;
	v5 =	vimm.s32 $0x3;
	s15 =	sadd.s32 s9, s3;
	s10 =	sadd.s32 s9, s10;
	(pc) =	sbr.rel .LBB2_1-.Ltmp0, $4  }
0xd: {  	v6 =	vimm.s32 $0x4;
	v7 =	vimm.s32 $0x6;
	v8 =	vimm.s32 $0x7;
	s12 =	sadd.s32 s12, s8;
	s13 =	ssub.s32 s11, s13;
	s10 =	sshrl.u32 s10, $0x3  }
0xe: {  	v9 =	vimm.s32 $0x8;
	v10 =	vimm.s32 $0x9;
	v11 =	vimm.s32 $0xA;
	s9 =	sadd.s32 $0xB400, s12;
	s12 =	smax.u32 s13, $0x1;
	s13 =	sshrl.u32 s15, $0x3  }
0xf: {  	v12 =	vimm.s32 $0xB;
	v13 =	vimm.s32 $0xC;
	v14 =	vimm.s32 $0xD;
	s15 =	simm.s32 $0x2200;
	s14 =	sadd.s32 s10, s8;
	s8 =	sshll.u32 s1, $0x1  }
0x10: {  	v15 =	vimm.s32 $0xE;
	v16 =	vimm.s32 $0xF;
	v0 =	vmul.u32 $0x20, v0;
	s10 =	sor.u32 $0x1C02, s31;
	s11 =	sadd.s32 $0x15200, s14;
	s14 =	simm.s32 $0x2  }
.LBB2_7:
0x11: {  	s23 =	sadd.s32 $0x1, s23  }
0x12: {  	p0 =	sne.s32 s23, s12  }
.Ltmp1:
0x13: {  	[bflag:$0x0] =	sbarrier.arrive $0xFFFF;
	(pc) =	sbr.rel @!p0 .LBB2_8-.Ltmp1, $4  }
0x14: {  	[hbm:s11], [sflag:s10] =	dma.local [spmem:s13], $0x9E0  }
0x15: {  	_ =	swait.ge [sflag:s14], $0x9E0  }
0x16: {  	[sflag:s14] =	ssyncset.done $0x0  }
0x17: {  	[sflag:s14] =	ssyncadd.s32 $0xFFFFF620  }
.LBB2_1:
0x18: {  	[spmem:s13], [sflag:s10] =	dma.local [hbm:s9], $0x9E0  }
0x19: {  	_ =	swait.ge [sflag:s14], $0x9E0  }
0x1a: {  	[sflag:s14] =	ssyncset.done $0x0  }
0x1b: {  	[sflag:s14] =	ssyncadd.s32 $0xFFFFF620  }
0x1c: {  	[tilespmem:s15], [sflag:$0x2] =	stream.linear.gather [hbm4b:s2+s4], $0x2720, $0x38;
	[tilespmem:$0x9820] =	vst v63  }
.Ltmp2:
0x1d: {  	_ =	swait.ge [sflag:s14], $0x2720;
	(pc) =	sbr.rel .LBB2_2-.Ltmp2, $4  }
0x1e: {  	[sflag:s14] =	ssyncset.done $0x0  }
0x1f: {  	[sflag:s14] =	ssyncadd.s32 $0xFFFFD8E0  }
0x20: {  	[bflag:$0x0] =	sbarrier.arrive $0xFFFF  }
0x21: {  	s24 =	simm.s32 $0x0  }
.LBB2_6:
0x22: {  	s24 =	sadd.s32 $0x1, s24  }
0x23: {  	p0 =	sne.s32 s24, $0x4F  }
.Ltmp3:
0x24: {  	_ = 	snop;
	(pc) =	sbr.rel @!p0 .LBB2_7-.Ltmp3, $1  }
0x25: {  	_ =	sdelay $0x3  }
.LBB2_2:
0x26: {  	s25 =	sshll.u32 s24, $0x5  }
0x27: {  	s25 =	sor.u32 s8, s25  }
0x28: {  	p0 =	sgt.u32 s25, $0x9C3  }
.Ltmp4:
0x29: {  	_ = 	snop;
	(pc) =	sbr.rel @p0 .LBB2_6-.Ltmp4, $1  }
0x2a: {  	_ =	sdelay $0x3  }
0x2b: {  	s25 =	sor.u32 s5, s25  }
0x2c: {  	s25 =	sshll.u32 s25, $0x5  }
0x2d: {  	s26 =	simm.s32 $0x0;
	s25 =	sadd.s32 s6, s25  }
0x2e: {  	[tilespmem:s26], [sflag:$0x3] =	stream.linear.gather [hbm4b:s25+s26], $0x100, $0x38;
	[tilespmem:$0x9820] =	vst v63  }
0x2f: {  	_ =	swait.ge [sflag:s16], $0x100  }
0x30: {  	[sflag:s16] =	ssyncset.done $0x0  }
0x31: {  	[sflag:s16] =	ssyncadd.s32 $0xFFFFFF00  }
0x32: {  	v17 =	vld [tilespmem:$0x0]  }
0x33: {  	v18 =	vld [tilespmem:$0x80]  }
0x34: {  	v19 =	vld [tilespmem:$0x10]  }
0x35: {  	v20 =	vld [tilespmem:$0x90]  }
0x36: {  	v21 =	vld [tilespmem:$0x20]  }
0x37: {  	[tilespmem:$0x100] =	vst v17;
	v17 =	vld [tilespmem:$0xA0]  }
0x38: {  	v60 =	vld [tilespmem:$0x40];
	[tilespmem:$0x180] =	vst v18  }
0x39: {  	v61 =	vld [tilespmem:$0xC0];
	[tilespmem:$0x110] =	vst v19  }
0x3a: {  	v18 =	vld [tilespmem:$0x30];
	[tilespmem:$0x190] =	vst v20  }
0x3b: {  	v19 =	vld [tilespmem:$0xB0];
	[tilespmem:$0x120] =	vst v21  }
0x3c: {  	[tilespmem:$0x1A0] =	vst v17;
	v17 =	vld [tilespmem:$0x50]  }
0x3d: {  	v62 =	vld [tilespmem:$0xE0];
	[tilespmem:$0x140] =	vst v60  }
0x3e: {  	v63 =	vld [tilespmem:$0x70];
	[tilespmem:$0x1C0] =	vst v61  }
0x3f: {  	[tilespmem:$0x130] =	vst v18;
	v18 =	vld [tilespmem:$0xD0]  }
0x40: {  	[tilespmem:$0x1B0] =	vst v19;
	v19 =	vld [tilespmem:$0x60]  }
0x41: {  	[tilespmem:$0x150] =	vst v17;
	v17 =	vld [tilespmem:$0xF0]  }
0x42: {  	[tilespmem:$0x1E0] =	vst v62  }
0x43: {  	[tilespmem:$0x170] =	vst v63  }
0x44: {  	[tilespmem:$0x1D0] =	vst v18  }
0x45: {  	[tilespmem:$0x160] =	vst v19  }
0x46: {  	[tilespmem:$0x1F0] =	vst v17  }
0x47: {  	[tilespmem:s19], [sflag:$0x1] =	stream.indirect.gather [hbm4b:s7+s17], $0x20, s18, s17, $0xb8;
	[tilespmem:$0x9820] =	vst v63  }
0x48: {  	_ =	swait.ge [sflag:s20], $0x1000  }
0x49: {  	[sflag:s20] =	ssyncset.done $0x0  }
0x4a: {  	s25 =	simm.s32 $0x180;
	v17 =	vmov s26;
	[sflag:s20] =	ssyncadd.s32 $0xFFFFF000  }
0x4b: {  	v17 =	vshll.u32 v17, $0x5;
	v18 =	vld [tilespmem:s25+$0x0]  }
0x4c: {  	v17 =	vor.u32 v0, v17  }
0x4d: {  	v17 =	vor.u32 $0x10, v17;
	_ =	sdelay $0x4  }
0x4e: {  	v19 =	vld.idx.msk [tilespmem:v17+s19+$0x0], $0xffff  }
0x4f: {  	v18 =	vld.idx.msk [tilespmem:v18+s15+$0x0], $0xffff;
	_ =	sdelay $0x4  }
0x50: {  	v18 =	vadd.f32 v19, v18;
	_ =	sdelay $0x1  }
0x51: {  	v19 =	vmul.f32 $2.000000030e-01, v18;
	_ =	sdelay $0x1  }
0x52: {  	v18 =	vmax.f32 v18, v19  }
0x53: {  	v18 =	vmul.f32 $1.442695020e+00, v18;
	_ =	sdelay $0x1  }
0x54: {  	(erf) = vpow2.f32 v18;
	_ =	sdelay $0x8  }
0x55: {  	v18 =	vpop (erf)  }
0x56: {  	s26 =	simm.s32 $0x300;
	[tilespmem:v17+s21+$0x0] =	vst.idx.msk $0xffff, v18  }
0x57: {  	v17 =	vld [tilespmem:s26+$0xFFFFFF00];
	_ =	sdelay $0x2  }
0x58: {  	v19 =	vperm.xlane v18, v2;
	_ =	sdelay $0x1  }
0x59: {  	v17 =	vmul.f32 v17, v19  }
0x5a: {  	s28 =	simm.s32 $0x1300  }
0x5b: {  	[tilespmem:s28+$0xFFFFFF00] =	vst v17  }
0x5c: {  	v17 =	vld [tilespmem:s26+$0xFFFFFF20];
	_ =	sdelay $0x2  }
0x5d: {  	v19 =	vperm.xlane v18, v3;
	_ =	sdelay $0x1  }
0x5e: {  	v17 =	vmul.f32 v17, v19;
	_ =	sdelay $0x1  }
0x5f: {  	[tilespmem:s28+$0xFFFFFF20] =	vst v17  }
0x60: {  	v17 =	vld [tilespmem:s26+$0xFFFFFF40];
	_ =	sdelay $0x2  }
0x61: {  	v19 =	vperm.xlane v18, v4;
	_ =	sdelay $0x1  }
0x62: {  	v17 =	vmul.f32 v17, v19;
	_ =	sdelay $0x1  }
0x63: {  	[tilespmem:s28+$0xFFFFFF40] =	vst v17  }
0x64: {  	v17 =	vld [tilespmem:s26+$0xFFFFFF60];
	_ =	sdelay $0x2  }
0x65: {  	v19 =	vperm.xlane v18, v5;
	_ =	sdelay $0x1  }
0x66: {  	v17 =	vmul.f32 v17, v19;
	_ =	sdelay $0x1  }
0x67: {  	[tilespmem:s28+$0xFFFFFF60] =	vst v17  }
0x68: {  	v17 =	vld [tilespmem:s26+$0xFFFFFF80];
	_ =	sdelay $0x2  }
0x69: {  	v19 =	vperm.xlane v18, v6;
	_ =	sdelay $0x1  }
0x6a: {  	v17 =	vmul.f32 v17, v19;
	_ =	sdelay $0x1  }
0x6b: {  	[tilespmem:s28+$0xFFFFFF80] =	vst v17  }
0x6c: {  	v17 =	vld [tilespmem:s26+$0xFFFFFFA0];
	_ =	sdelay $0x2  }
0x6d: {  	v19 =	vperm.xlane v18, v1;
	_ =	sdelay $0x1  }
0x6e: {  	v17 =	vmul.f32 v17, v19;
	_ =	sdelay $0x1  }
0x6f: {  	[tilespmem:s28+$0xFFFFFFA0] =	vst v17  }
0x70: {  	v17 =	vld [tilespmem:s26+$0xFFFFFFC0];
	_ =	sdelay $0x2  }
0x71: {  	v19 =	vperm.xlane v18, v7;
	_ =	sdelay $0x1  }
0x72: {  	v17 =	vmul.f32 v17, v19;
	_ =	sdelay $0x1  }
0x73: {  	[tilespmem:s28+$0xFFFFFFC0] =	vst v17  }
0x74: {  	v17 =	vld [tilespmem:s26+$0xFFFFFFE0];
	_ =	sdelay $0x2  }
0x75: {  	v19 =	vperm.xlane v18, v8;
	_ =	sdelay $0x1  }
0x76: {  	v17 =	vmul.f32 v17, v19;
	_ =	sdelay $0x1  }
0x77: {  	[tilespmem:s28+$0xFFFFFFE0] =	vst v17  }
0x78: {  	v17 =	vld [tilespmem:s26+$0x0];
	_ =	sdelay $0x2  }
0x79: {  	v19 =	vperm.xlane v18, v9;
	_ =	sdelay $0x1  }
0x7a: {  	v17 =	vmul.f32 v17, v19;
	_ =	sdelay $0x1  }
0x7b: {  	[tilespmem:s28+$0x0] =	vst v17  }
0x7c: {  	v17 =	vld [tilespmem:s26+$0x20];
	_ =	sdelay $0x2  }
0x7d: {  	v19 =	vperm.xlane v18, v10;
	_ =	sdelay $0x1  }
0x7e: {  	v17 =	vmul.f32 v17, v19;
	_ =	sdelay $0x1  }
0x7f: {  	[tilespmem:s28+$0x20] =	vst v17  }
0x80: {  	v17 =	vld [tilespmem:s26+$0x40];
	_ =	sdelay $0x2  }
0x81: {  	v19 =	vperm.xlane v18, v11;
	_ =	sdelay $0x1  }
0x82: {  	v17 =	vmul.f32 v17, v19;
	_ =	sdelay $0x1  }
0x83: {  	[tilespmem:s28+$0x40] =	vst v17  }
0x84: {  	v17 =	vld [tilespmem:s26+$0x60];
	_ =	sdelay $0x2  }
0x85: {  	v19 =	vperm.xlane v18, v12;
	_ =	sdelay $0x1  }
0x86: {  	v17 =	vmul.f32 v17, v19;
	_ =	sdelay $0x1  }
0x87: {  	[tilespmem:s28+$0x60] =	vst v17  }
0x88: {  	v17 =	vld [tilespmem:s26+$0x80];
	_ =	sdelay $0x2  }
0x89: {  	v19 =	vperm.xlane v18, v13;
	_ =	sdelay $0x1  }
0x8a: {  	v17 =	vmul.f32 v17, v19;
	_ =	sdelay $0x1  }
0x8b: {  	[tilespmem:s28+$0x80] =	vst v17  }
0x8c: {  	v17 =	vld [tilespmem:s26+$0xA0];
	_ =	sdelay $0x2  }
0x8d: {  	v19 =	vperm.xlane v18, v14;
	_ =	sdelay $0x1  }
0x8e: {  	v17 =	vmul.f32 v17, v19;
	_ =	sdelay $0x1  }
0x8f: {  	[tilespmem:s28+$0xA0] =	vst v17  }
0x90: {  	v17 =	vld [tilespmem:s26+$0xC0];
	_ =	sdelay $0x2  }
0x91: {  	v19 =	vperm.xlane v18, v15;
	_ =	sdelay $0x1  }
0x92: {  	v17 =	vmul.f32 v17, v19;
	_ =	sdelay $0x1  }
0x93: {  	[tilespmem:s28+$0xC0] =	vst v17  }
0x94: {  	v17 =	vld [tilespmem:s26+$0xE0];
	_ =	sdelay $0x2  }
0x95: {  	v18 =	vperm.xlane v18, v16;
	_ =	sdelay $0x1  }
0x96: {  	s29 =	simm.s32 $0x10;
	s30 =	simm.s32 $0x1300;
	v17 =	vmul.f32 v17, v18  }
.LBB2_4:
0x97: {  	s25 =	sadd.s32 $0x10, s25;
	s26 =	sadd.s32 $0x200, s26;
	s28 =	sadd.s32 $0x200, s28  }
0x98: {  	v18 =	vmov s29;
	p0 =	sne.s32 s29, $0x70;
	s29 =	sadd.s32 $0x10, s29;
	[tilespmem:s30+$0xE0] =	vst v17;
	s30 =	smov.u32 s28  }
0x99: {  	v17 =	vshll.u32 v18, $0x5;
	v18 =	vld [tilespmem:s25+$0x0]  }
0x9a: {  	v17 =	vor.u32 v0, v17  }
0x9b: {  	v19 =	vor.u32 $0x10, v17;
	_ =	sdelay $0x4  }
0x9c: {  	v17 =	vld.idx.msk [tilespmem:v19+s19+$0x0], $0xffff  }
0x9d: {  	v18 =	vld.idx.msk [tilespmem:v18+s15+$0x0], $0xffff;
	_ =	sdelay $0x5  }
0x9e: {  	v17 =	vadd.f32 v17, v18;
	_ =	sdelay $0x1  }
0x9f: {  	v18 =	vmul.f32 $2.000000030e-01, v17;
	_ =	sdelay $0x1  }
0xa0: {  	v17 =	vmax.f32 v17, v18  }
0xa1: {  	v17 =	vmul.f32 $1.442695020e+00, v17;
	_ =	sdelay $0x1  }
0xa2: {  	(erf) = vpow2.f32 v17;
	_ =	sdelay $0x8  }
0xa3: {  	v17 =	vpop (erf)  }
0xa4: {  	[tilespmem:v19+s21+$0x0] =	vst.idx.msk $0xffff, v17  }
0xa5: {  	v18 =	vld [tilespmem:s26+$0xFFFFFF00];
	_ =	sdelay $0x1  }
0xa6: {  	v19 =	vperm.xlane v17, v2;
	_ =	sdelay $0x2  }
0xa7: {  	v18 =	vmul.f32 v18, v19;
	_ =	sdelay $0x1  }
0xa8: {  	[tilespmem:s28+$0xFFFFFF00] =	vst v18  }
0xa9: {  	v18 =	vld [tilespmem:s26+$0xFFFFFF20];
	_ =	sdelay $0x1  }
0xaa: {  	v19 =	vperm.xlane v17, v3;
	_ =	sdelay $0x2  }
0xab: {  	v18 =	vmul.f32 v18, v19;
	_ =	sdelay $0x1  }
0xac: {  	[tilespmem:s28+$0xFFFFFF20] =	vst v18  }
0xad: {  	v18 =	vld [tilespmem:s26+$0xFFFFFF40];
	_ =	sdelay $0x1  }
0xae: {  	v19 =	vperm.xlane v17, v4;
	_ =	sdelay $0x2  }
0xaf: {  	v18 =	vmul.f32 v18, v19;
	_ =	sdelay $0x1  }
0xb0: {  	[tilespmem:s28+$0xFFFFFF40] =	vst v18  }
0xb1: {  	v18 =	vld [tilespmem:s26+$0xFFFFFF60];
	_ =	sdelay $0x1  }
0xb2: {  	v19 =	vperm.xlane v17, v5;
	_ =	sdelay $0x2  }
0xb3: {  	v18 =	vmul.f32 v18, v19;
	_ =	sdelay $0x1  }
0xb4: {  	[tilespmem:s28+$0xFFFFFF60] =	vst v18  }
0xb5: {  	v18 =	vld [tilespmem:s26+$0xFFFFFF80];
	_ =	sdelay $0x1  }
0xb6: {  	v19 =	vperm.xlane v17, v6;
	_ =	sdelay $0x2  }
0xb7: {  	v18 =	vmul.f32 v18, v19;
	_ =	sdelay $0x1  }
0xb8: {  	[tilespmem:s28+$0xFFFFFF80] =	vst v18  }
0xb9: {  	v18 =	vld [tilespmem:s26+$0xFFFFFFA0];
	_ =	sdelay $0x1  }
0xba: {  	v19 =	vperm.xlane v17, v1;
	_ =	sdelay $0x2  }
0xbb: {  	v18 =	vmul.f32 v18, v19;
	_ =	sdelay $0x1  }
0xbc: {  	[tilespmem:s28+$0xFFFFFFA0] =	vst v18  }
0xbd: {  	v18 =	vld [tilespmem:s26+$0xFFFFFFC0];
	_ =	sdelay $0x1  }
0xbe: {  	v19 =	vperm.xlane v17, v7;
	_ =	sdelay $0x2  }
0xbf: {  	v18 =	vmul.f32 v18, v19;
	_ =	sdelay $0x1  }
0xc0: {  	[tilespmem:s28+$0xFFFFFFC0] =	vst v18  }
0xc1: {  	v18 =	vld [tilespmem:s26+$0xFFFFFFE0];
	_ =	sdelay $0x1  }
0xc2: {  	v19 =	vperm.xlane v17, v8;
	_ =	sdelay $0x2  }
0xc3: {  	v18 =	vmul.f32 v18, v19;
	_ =	sdelay $0x1  }
0xc4: {  	[tilespmem:s28+$0xFFFFFFE0] =	vst v18  }
0xc5: {  	v18 =	vld [tilespmem:s26+$0x0];
	_ =	sdelay $0x1  }
0xc6: {  	v19 =	vperm.xlane v17, v9;
	_ =	sdelay $0x2  }
0xc7: {  	v18 =	vmul.f32 v18, v19;
	_ =	sdelay $0x1  }
0xc8: {  	[tilespmem:s28+$0x0] =	vst v18  }
0xc9: {  	v18 =	vld [tilespmem:s26+$0x20];
	_ =	sdelay $0x1  }
0xca: {  	v19 =	vperm.xlane v17, v10;
	_ =	sdelay $0x2  }
0xcb: {  	v18 =	vmul.f32 v18, v19;
	_ =	sdelay $0x1  }
0xcc: {  	[tilespmem:s28+$0x20] =	vst v18  }
0xcd: {  	v18 =	vld [tilespmem:s26+$0x40];
	_ =	sdelay $0x1  }
0xce: {  	v19 =	vperm.xlane v17, v11;
	_ =	sdelay $0x2  }
0xcf: {  	v18 =	vmul.f32 v18, v19;
	_ =	sdelay $0x1  }
0xd0: {  	[tilespmem:s28+$0x40] =	vst v18  }
0xd1: {  	v18 =	vld [tilespmem:s26+$0x60];
	_ =	sdelay $0x1  }
0xd2: {  	v19 =	vperm.xlane v17, v12;
	_ =	sdelay $0x2  }
0xd3: {  	v18 =	vmul.f32 v18, v19;
	_ =	sdelay $0x1  }
0xd4: {  	[tilespmem:s28+$0x60] =	vst v18  }
0xd5: {  	v18 =	vld [tilespmem:s26+$0x80];
	_ =	sdelay $0x1  }
0xd6: {  	v19 =	vperm.xlane v17, v13;
	_ =	sdelay $0x2  }
0xd7: {  	v18 =	vmul.f32 v18, v19;
	_ =	sdelay $0x1  }
0xd8: {  	[tilespmem:s28+$0x80] =	vst v18  }
0xd9: {  	v18 =	vld [tilespmem:s26+$0xA0];
	_ =	sdelay $0x1  }
0xda: {  	v19 =	vperm.xlane v17, v14;
	_ =	sdelay $0x2  }
0xdb: {  	v18 =	vmul.f32 v18, v19;
	_ =	sdelay $0x1  }
0xdc: {  	[tilespmem:s28+$0xA0] =	vst v18  }
0xdd: {  	v18 =	vld [tilespmem:s26+$0xC0];
	_ =	sdelay $0x1  }
0xde: {  	v19 =	vperm.xlane v17, v15;
	_ =	sdelay $0x2  }
0xdf: {  	v18 =	vmul.f32 v18, v19;
	_ =	sdelay $0x1  }
0xe0: {  	[tilespmem:s28+$0xC0] =	vst v18  }
0xe1: {  	v18 =	vld [tilespmem:s26+$0xE0]  }
.Ltmp5:
0xe2: {  	(pc) =	sbr.rel @p0 .LBB2_4-.Ltmp5, $2  }
0xe3: {  	v17 =	vperm.xlane v17, v16;
	_ =	sdelay $0x2  }
0xe4: {  	v17 =	vmul.f32 v18, v17  }
0xe5: {  	_ = 	snop  }
.Ltmp6:
0xe6: {  	[tilespmem:s30+$0xE0] =	vst v17;
	(pc) =	sbr.rel .LBB2_6-.Ltmp6, $4  }
0xe7: {  	[spmem:s3] =	stream.indirect.scatter.add.f32 [tilespmem:s21], [sflag:$0x2], $0x20, s22, s17, $0xb8;
	[tilespmem:$0x9820] =	vst v63  }
0xe8: {  	_ =	swait.ge [sflag:s14], $0x1000  }
0xe9: {  	[sflag:s14] =	ssyncset.done $0x0  }
0xea: {  	[sflag:s14] =	ssyncadd.s32 $0xFFFFF000  }
.LBB2_8:
0xeb: {  	_ =	sfence.sel $0x180000  }
0xec: {  	[bflag:$0x0] =	sbarrier.arrive $0xFFFF  }
0xed: {  	p0 =	sne.s32 s1, $0x0;
	_ =	strace $0x9000004A  }
0xee: {  	s0 =	sadd.s32 @!p0 $0x100000, s0;
	[bflag:$0x2] =	sbarrier.arrive $0xFFFF  }
0xef: {  	[sflag:s0] =	ssyncadd.tile.s32 @!p0 $0x1;
	_ =	shalt  }
.Lfunc_end2:
_tile_overlayer_lowered:
.L_overlay_start_2:
0xf0: {  	(tag) =	ssettag $0x2  }
0xf1: {  	s0 =	rddreg [dreg:$0x0];
	s2 =	stileid.u32  }
0xf2: {  	s1 =	rddreg [dreg:$0x1];
	p0 =	sne.s32 s2, $0x0  }
0xf3: {  	s3 =	rddreg [dreg:$0x2];
	[bflag:$0x3] =	sbarrier.arrive $0xFFFF;
	s2 =	simm.s32 @!p0 $0x1C02  }
0xf4: {  	[timem:s3], [sflag:s2] =	dma.local @!p0 [hbm:s0], s1  }
0xf5: {  	s0 =	simm.s32 @!p0 $0x2  }
0xf6: {  	_ =	swait.ge @!p0 [sflag:s0], s1  }
0xf7: {  	s1 =	ssub.s32 @!p0 $0x0, s1;
	[sflag:s0] =	ssyncset.done @!p0 $0x0  }
0xf8: {  	[sflag:s0] =	ssyncadd.s32 @!p0 s1  }
0xf9: {  	[bflag:$0x3] =	sbarrier.arrive $0xFFFF  }
0xfa: {  	_ =	shalt  }

// kernel: kernel.7.cloned.1.call-start
scs
__scs_entry_jumppad:
0x0: {  	(pc) =	sbr.rel $0x88, $3  }
0x1: {  	(tag) =	ssettag $0x0;
	lr =	simm.s32 $0x1  }
0x2: {  	[smem:$0x3F97] =	sst lr;
	_ =	strace $0xD0000000  }
0x3: {  	_ = 	snop  }
0x4: {  	_ = 	snop  }
0x5: {  	_ = 	snop  }
0x6: {  	_ = 	snop  }
0x7: {  	_ = 	snop  }
__scs_overlays_trampoline_lowered:
0x8: {  	[smem:$0x3FA6] =	sst s0  }
0x9: {  	[smem:$0x3FA7] =	sst s1  }
0xa: {  	[smem:$0x3FA8] =	sst s2  }
0xb: {  	[smem:$0x3FA9] =	sst s3  }
0xc: {  	[smem:$0x3FAA] =	sst s4  }
0xd: {  	[smem:$0x3FAB] =	sst s5  }
0xe: {  	[smem:$0x3FAC] =	sst s6  }
0xf: {  	[smem:$0x3FAD] =	sst s7  }
0x10: {  	[smem:$0x3FAE] =	sst s8  }
0x11: {  	[smem:$0x3FAF] =	sst s9;
	s0 =	simm.s32 @!p0 $0x0  }
0x12: {  	s1 =	sld [smem:$0x3F95];
	s0 =	simm.s32 @p0 $0x1  }
0x13: {  	[smem:$0x3FB0] =	sst s0;
	s0 =	simm.s32 @!p1 $0x0  }
0x14: {  	s2 =	sld [smem:$0x3F94];
	s0 =	simm.s32 @p1 $0x1  }
0x15: {  	[smem:$0x3FB1] =	sst s0;
	s0 =	simm.s32 @!p2 $0x0  }
0x16: {  	s3 =	sld [smem:$0x3FDB];
	s0 =	simm.s32 @p2 $0x1  }
0x17: {  	s4 =	simm.s32 $0x1BF5;
	[smem:$0x3FB3] =	sst s0  }
0x18: {  	s0 =	sld [smem:$0x3F96];
	_ =	swait.ge [sflag:s4], $0x0  }
0x19: {  	s7 =	sld [smem:$0x3F97]  }
0x1a: {  	s8 =	sadd.s32 $0xFFFFE003, lr  }
0x1b: {  	s9 =	sadd.s32 $0xFFFFFEF7, lr;
	s5 =	simm.s32 $0xFFFFFFFF;
	p2 =	slt.u32 s8, $0xFFFFF086  }
0x1c: {  	p1 =	slt.u32 s9, $0xF7A;
	s5 =	simm.s32 @!p2 $0x0  }
0x1d: {  	s5 =	simm.s32 @p1 $0x1;
	p0 =	seq.s32 s7, s2  }
0x1e: {  	s7 =	smul.u32 @!p0 $0xF7A, s2;
	p2 =	seq.s32 @!p0 s5, $0x0  }
0x1f: {  	s9 =	smul.u32 $0xF7A, s1;
	s8 =	simm.s32 @!p0 $0x1BF5;
	p2 =	por !p2, p0  }
0x20: {  	[sflag:s8] =	ssyncset.s32 @!p0 $0xFFFFF086;
	s6 =	sadd.s32 @!p0 s3, s7;
	s7 =	simm.s32 @!p0 $0x108  }
0x21: {  	s3 =	sadd.s32 s3, s9;
	s6 =	sadd.s32 @!p0 $0x88, s6;
	s7 =	simm.s32 @p2 $0x1082  }
0x22: {  	[simem:s7], [sflag:s8] =	dma.local @!p0 [hbm:s6], $0xF7A  }
0x23: {  	s9 =	sor.u32 $0xD0000000, s2;
	s6 =	simm.s32 $0x108;
	_ =	swait.ge @!p0 [sflag:s8], $0x0  }
0x24: {  	s3 =	sadd.s32 $0x88, s3;
	s6 =	simm.s32 @!p1 $0x1082;
	[sflag:s4] =	ssyncset.s32 $0xFFFFF086  }
0x25: {  	[simem:s6], [sflag:s4] =	dma.local [hbm:s3], $0xF7A  }
0x26: {  	[smem:$0x3F97] =	sst s1;
	(tag) =	ssettag s2;
	_ =	strace s9  }
0x27: {  	s1 =	sld [smem:$0x3FA7]  }
0x28: {  	s2 =	sld [smem:$0x3FA8]  }
0x29: {  	s4 =	sld [smem:$0x3FAA]  }
0x2a: {  	p0 =	seq.s32 s5, $0x0;
	s5 =	sld [smem:$0x3FAB]  }
0x2b: {  	s6 =	sld [smem:$0x3FAC]  }
0x2c: {  	s7 =	sld [smem:$0x3FAD]  }
0x2d: {  	s3 =	simm.s32 $0x108;
	s8 =	sld [smem:$0x3FAE]  }
0x2e: {  	s3 =	simm.s32 @!p0 $0x1082;
	s9 =	sld [smem:$0x3FAF]  }
0x2f: {  	lr =	sadd.s32 s0, s3;
	s0 =	sld [smem:$0x3FA6]  }
0x30: {  	s3 =	sld [smem:$0x3FA9]  }
0x31: {  	[smem:$0x3FB2] =	sst s10  }
0x32: {  	s10 =	sld [smem:$0x3FB0];
	_ =	sdelay $0x3  }
0x33: {  	p0 =	seq.s32 s10, $0x1;
	s10 =	sld [smem:$0x3FB2];
	_ =	sdelay $0x3  }
0x34: {  	[smem:$0x3FB2] =	sst s10  }
0x35: {  	s10 =	sld [smem:$0x3FB1];
	_ =	sdelay $0x3  }
0x36: {  	p1 =	seq.s32 s10, $0x1;
	s10 =	sld [smem:$0x3FB2];
	_ =	sdelay $0x3  }
0x37: {  	[smem:$0x3FB2] =	sst s10  }
0x38: {  	s10 =	sld [smem:$0x3FB3]  }
0x39: {  	_ = 	snop;
	(pc) =	sbr.ind lr, $3  }
0x3a: {  	_ = 	snop  }
0x3b: {  	_ = 	snop  }
0x3c: {  	p2 =	seq.s32 s10, $0x1;
	s10 =	sld [smem:$0x3FB2]  }
0x3d: {  	_ =	shalt  }
0x3e: {  	_ =	shalt  }
0x3f: {  	_ =	shalt  }
0x40: {  	_ =	shalt  }
0x41: {  	_ =	shalt  }
0x42: {  	_ =	shalt  }
0x43: {  	_ =	shalt  }
0x44: {  	_ =	shalt  }
0x45: {  	_ =	shalt  }
0x46: {  	_ =	shalt  }
0x47: {  	_ =	shalt  }
0x48: {  	_ =	shalt  }
0x49: {  	_ =	shalt  }
0x4a: {  	_ =	shalt  }
0x4b: {  	_ =	shalt  }
0x4c: {  	_ =	shalt  }
0x4d: {  	_ =	shalt  }
0x4e: {  	_ =	shalt  }
0x4f: {  	_ =	shalt  }
0x50: {  	_ =	shalt  }
0x51: {  	_ =	shalt  }
0x52: {  	_ =	shalt  }
0x53: {  	_ =	shalt  }
0x54: {  	_ =	shalt  }
0x55: {  	_ =	shalt  }
0x56: {  	_ =	shalt  }
0x57: {  	_ =	shalt  }
0x58: {  	_ =	shalt  }
0x59: {  	_ =	shalt  }
0x5a: {  	_ =	shalt  }
0x5b: {  	_ =	shalt  }
0x5c: {  	_ =	shalt  }
0x5d: {  	_ =	shalt  }
0x5e: {  	_ =	shalt  }
0x5f: {  	_ =	shalt  }
0x60: {  	_ =	shalt  }
0x61: {  	_ =	shalt  }
0x62: {  	_ =	shalt  }
0x63: {  	_ =	shalt  }
0x64: {  	_ =	shalt  }
0x65: {  	_ =	shalt  }
0x66: {  	_ =	shalt  }
0x67: {  	_ =	shalt  }
0x68: {  	_ =	shalt  }
0x69: {  	_ =	shalt  }
0x6a: {  	_ =	shalt  }
0x6b: {  	_ =	shalt  }
0x6c: {  	_ =	shalt  }
0x6d: {  	_ =	shalt  }
0x6e: {  	_ =	shalt  }
0x6f: {  	_ =	shalt  }
0x70: {  	_ =	shalt  }
0x71: {  	_ =	shalt  }
0x72: {  	_ =	shalt  }
0x73: {  	_ =	shalt  }
0x74: {  	_ =	shalt  }
0x75: {  	_ =	shalt  }
0x76: {  	_ =	shalt  }
0x77: {  	_ =	shalt  }
0x78: {  	_ =	shalt  }
0x79: {  	_ =	shalt  }
0x7a: {  	_ =	shalt  }
0x7b: {  	_ =	shalt  }
0x7c: {  	_ =	shalt  }
0x7d: {  	_ =	shalt  }
0x7e: {  	_ =	shalt  }
0x7f: {  	_ =	shalt  }
0x80: {  	_ =	shalt  }
0x81: {  	_ =	shalt  }
0x82: {  	_ =	shalt  }
0x83: {  	_ =	shalt  }
0x84: {  	_ =	shalt  }
0x85: {  	_ =	shalt  }
0x86: {  	_ =	shalt  }
0x87: {  	_ =	shalt  }
.Lfunc_end0:
.L_simem_size_0:
called_computation_lowered:
.L_overlay_start_0:
0x88: {  	s2 =	sld [smem:$0x3FD9]  }
0x89: {  	s3 =	sld [smem:$0x3FFE];
	_ =	sdelay $0x1  }
0x8a: {  	s1 =	srdreg.scid  }
0x8b: {  	s0 =	sand.u32 $0x1, s1  }
0x8c: {  	s17 =	sshll.u32 s0, $0xA;
	s2 =	sadd.s32 s3, s2  }
0x8d: {  	s2 =	sadd.s32 s2, s17  }
0x8e: {  	[smem:$0x3FBE] =	sst s2  }
0x8f: {  	_ = 	snop  }
0x90: {  	s2 =	sld [smem:$0x3FD0];
	(tm) =	ssettm $0x1  }
0x91: {  	s18 =	sld [smem:$0x3FFB];
	_ =	sdelay $0x3  }
0x92: {  	_ =	strace s18  }
0x93: {  	s3 =	sld [smem:$0x3FFC];
	_ =	sdelay $0x3  }
0x94: {  	_ =	strace s3  }
0x95: {  	s3 =	sld [smem:$0x3FFD];
	_ =	sdelay $0x3  }
0x96: {  	_ =	strace s3  }
0x97: {  	_ =	strace $0x8FFFFFFF  }
0x98: {  	s19 =	sld [smem:$0x3FDB];
	_ =	sdelay $0x1  }
0x99: {  	s4 =	simm.s32 $_scs_section_size  }
0x9a: {  	s5 =	simm.s32 $_size__tile_overlayer_lowered;
	s6 =	simm.s32 $_tile_overlayer_lowered  }
0x9b: {  	s22 =	simm.s32 $0x1BFF;
	s21 =	sshll.u32 s6, $0x1;
	s3 =	sadd.s32 s4, s19  }
0x9c: {  	s7 =	simm.s32 $0x0;
	s20 =	sshll.u32 s5, $0x1;
	s5 =	sadd.s32 s21, s3  }
0x9d: {  	[timem:s7], [sflag:s22] =	dma.local [hbm:s5], s20  }
0x9e: {  	_ =	swait.ge [sflag:s22], s20  }
0x9f: {  	s4 =	ssub.s32 $0x0, s20;
	[sflag:s22] =	ssyncset.done $0x0  }
0xa0: {  	[sflag:s22] =	ssyncadd.s32 s4;
	_ =	sdelay $0x1  }
0xa1: {  	s23 =	simm.s32 $0x1B8B  }
0xa2: {  	_ =	swait.ge [sflag:s23], $0x1  }
0xa3: {  	[sflag:s23] =	ssyncset.done $0x0  }
0xa4: {  	s25 =	simm.s32 $0x1B8E;
	s24 =	sld [smem:$0x3FFE];
	[sflag:s23] =	ssyncadd.s32 $0xFFFFFFFF  }
0xa5: {  	s26 =	simm.s32 $execute0_lowered;
	[smem:$0x3FD2] =	sst s25  }
0xa6: {  	s5 =	sshll.u32 s26, $0x1;
	_ =	strace $0x80000046;
	[dreg:$0x1] =	wrdreg $0xFFFFFFFF  }
0xa7: {  	s28 =	simm.s32 $_size_execute0_lowered;
	s3 =	sadd.s32 s3, s5;
	[dreg:$0x0] =	wrdreg $0x0  }
0xa8: {  	s5 =	sshll.u32 s28, $0x1;
	[dreg:$0x2] =	wrdreg s3  }
0xa9: {  	[dreg:$0x3] =	wrdreg s5  }
0xaa: {  	[dreg:$0x4] =	wrdreg $0xC0  }
0xab: {  	_ =	task [dreg:s7], $0x5FFFF  }
0xac: {  	[dreg:$0x1] =	wrdreg $0xFFFFFFFF  }
0xad: {  	[dreg:$0x0] =	wrdreg $0x60  }
0xae: {  	[dreg:$0x2] =	wrdreg s24  }
0xaf: {  	[dreg:$0x3] =	wrdreg s2  }
0xb0: {  	[dreg:$0x4] =	wrdreg $0xEE500  }
0xb1: {  	[dreg:$0x5] =	wrdreg $0x9  }
0xb2: {  	_ =	task.clear_ibuf [dreg:s7], $0x6FFFF;
	_ =	strace $0x90000046  }
0xb3: {  	s29 =	simm.s32 $0x9;
	_ =	strace $0x80000048  }
0xb4: {  	_ =	swait.ge [sflag:s29], $0x1  }
0xb5: {  	[sflag:s29] =	ssyncadd.s32 $0xFFFFFFFF  }
0xb6: {  	_ =	strace $0x90000048  }
0xb7: {  	_ =	sfence  }
0xb8: {  	s30 =	sld [smem:$0x0];
	_ =	sdelay $0x2  }
0xb9: {  	s31 =	sshll.u32 s1, $0xD;
	s1 =	sshrl.u32 s1, $0x2  }
0xba: {  	s3 =	sand.u32 $0x4000, s31;
	s1 =	sadd.s32 s1, s30  }
0xbb: {  	s0 =	sor.u32 s3, s0;
	s1 =	sshll.u32 s1, $0x11  }
0xbc: {  	s0 =	sor.u32 s1, s0  }
0xbd: {  	s0 =	sadd.s32 $0x8F2B, s0  }
0xbe: {  	[sflag:s0] =	ssyncadd.remote.s32 $0x1  }
0xbf: {  	_ =	sfence.sel $0xFFFF  }
0xc0: {  	[dreg:$0x0] =	wrdreg $0xFFFFFFFF;
	(pc) =	sbr.abs _section_cstart, $3  }
0xc1: {  	[dreg:$0x1] =	wrdreg $0xFFFFFFFF  }
0xc2: {  	_ =	task.clear_ibuf [dreg:s7], $0x2FFFF;
	_ =	strace $0x9FFFFFFF  }
0xc3: {  	(tm) =	ssettm $0x7FFFFFFF  }
tec
execute0_lowered:
.L_overlay_start_1:
0x0: {  	(tag) =	ssettag $0x1  }
0x1: {  	s6 =	rddreg [dreg:$0x0]  }
0x2: {  	s8 =	rddreg [dreg:$0x1]  }
0x3: {  	s2 =	rddreg [dreg:$0x2]  }
0x4: {  	s0 =	rddreg [dreg:$0x3]  }
0x5: {  	s3 =	simm.s32 $0x0;
	s1 =	stileid.u32;
	s4 =	srdreg.scid  }
0x6: {  	s15 =	simm.s32 $0x80;
	s16 =	simm.s32 $0x100;
	s17 =	simm.s32 $0x200  }
0x7: {  	s18 =	simm.s32 $0x1;
	s19 =	simm.s32 $0x180;
	s20 =	simm.s32 $0x2A00  }
0x8: {  	s21 =	simm.s32 $0x0;
	s7 =	smul.u32 $0xC580, s1;
	s9 =	sand.u32 $0x1, s4  }
0x9: {  	[smem:$0x7FF] =	sst s3;
	s4 =	sadd.s32 $0x80600, s6;
	s10 =	smul.u32 $0xC5800, s9  }
0xa: {  	s5 =	sadd.s32 $0x4F800, s6;
	s31 =	sshll.u32 s1, $0x6;
	s13 =	smul.u32 $0x2710, s9  }
0xb: {  	v1 =	vimm.s32 $0x2;
	_ =	strace $0x80000047;
	s12 =	ssub.s32 $0x2, s9;
	s9 =	smul.u32 $0x138A, s9  }
0xc: {  	v2 =	vimm.s32 $0x0;
	v3 =	vlaneseq.u32;
	vm0 =	vmmov $0xf;
	s11 =	sshrl.u32 s7, $0x3;
	s14 =	sshrl.u32 s12, $0x1;
	s30 =	sadd.s32 s7, s2  }
.Ltmp0:
0xd: {  	v4 =	vimm.s32 $0x1;
	v5 =	vimm.s32 $0x3;
	v6 =	vimm.s32 $0x4;
	s10 =	sadd.s32 s7, s10;
	s11 =	sadd.s32 s11, s6;
	(pc) =	sbr.rel .LBB2_1-.Ltmp0, $4  }
0xe: {  	v7 =	vimm.s32 $0x5;
	v8 =	vimm.s32 $0x6;
	v9 =	vimm.s32 $0x7;
	s12 =	ssub.s32 s12, s14;
	s7 =	sor.u32 $0x1C02, s31;
	s8 =	sadd.s32 s8, s9  }
0xf: {  	v10 =	vimm.s32 $0x8;
	v11 =	vimm.s32 $0x9;
	v0 =	vmov s13;
	s13 =	simm.s32 $0x5200;
	s14 =	simm.s32 $0x3;
	s10 =	sshrl.u32 s10, $0x3  }
0x10: {  	v12 =	vimm.s32 $0xA;
	v13 =	vimm.s32 $0xB;
	v14 =	vimm.s32 $0xC;
	s10 =	sadd.s32 s10, s6;
	s6 =	sadd.s32 $0x94000, s11;
	s11 =	sshrl.u32 s30, $0x3  }
0x11: {  	v15 =	vimm.s32 $0xD;
	v16 =	vimm.s32 $0xE;
	v17 =	vimm.s32 $0xF;
	s9 =	sadd.s32 $0xACC00, s10;
	s10 =	smax.u32 s12, $0x1;
	s12 =	simm.s32 $0x2  }
.LBB2_7:
0x12: {  	s21 =	sadd.s32 $0x1, s21  }
0x13: {  	p0 =	sne.s32 s21, s10  }
.Ltmp1:
0x14: {  	[bflag:$0x0] =	sbarrier.arrive $0xFFFF;
	(pc) =	sbr.rel @!p0 .LBB2_8-.Ltmp1, $4  }
0x15: {  	[hbm:s9], [sflag:s7] =	dma.local [spmem:s11], $0x18B0  }
0x16: {  	_ =	swait.ge [sflag:s12], $0x18B0  }
0x17: {  	[sflag:s12] =	ssyncset.done $0x0  }
0x18: {  	[sflag:s12] =	ssyncadd.s32 $0xFFFFE750  }
.LBB2_1:
0x19: {  	[spmem:s11], [sflag:s7] =	dma.local [hbm:s6], $0x18B0  }
0x1a: {  	_ =	swait.ge [sflag:s12], $0x18B0  }
0x1b: {  	[sflag:s12] =	ssyncset.done $0x0  }
0x1c: {  	[sflag:s12] =	ssyncadd.s32 $0xFFFFE750  }
0x1d: {  	[tilespmem:s13], [sflag:$0x2] =	stream.linear.gather [hbm4b:s8+s3], $0x9C50, $0x38;
	[tilespmem:$0x1B3D0] =	vst v63  }
.Ltmp2:
0x1e: {  	_ =	swait.ge [sflag:s12], $0x9C50;
	(pc) =	sbr.rel .LBB2_2-.Ltmp2, $4  }
0x1f: {  	[sflag:s12] =	ssyncset.done $0x0  }
0x20: {  	[sflag:s12] =	ssyncadd.s32 $0xFFFF63B0  }
0x21: {  	[bflag:$0x0] =	sbarrier.arrive $0xFFFF  }
0x22: {  	s22 =	simm.s32 $0x0  }
.LBB2_6:
0x23: {  	s22 =	sadd.s32 $0x1, s22  }
0x24: {  	p0 =	sne.s32 s22, $0x9D  }
.Ltmp3:
0x25: {  	_ = 	snop;
	(pc) =	sbr.rel @!p0 .LBB2_7-.Ltmp3, $1  }
0x26: {  	_ =	sdelay $0x3  }
.LBB2_2:
0x27: {  	s23 =	sshll.u32 s22, $0x4  }
0x28: {  	s23 =	sor.u32 s1, s23  }
0x29: {  	p0 =	sgt.u32 s23, $0x9C3  }
.Ltmp4:
0x2a: {  	_ = 	snop;
	(pc) =	sbr.rel @p0 .LBB2_6-.Ltmp4, $1  }
0x2b: {  	_ =	sdelay $0x3  }
0x2c: {  	s23 =	sshll.u32 s23, $0x5  }
0x2d: {  	s23 =	sadd.s32 s4, s23  }
0x2e: {  	[tilespmem:s3], [sflag:$0x3] =	stream.linear.gather [hbm4b:s23+s3], $0x100, $0x38;
	[tilespmem:$0x1B3D0] =	vst v63  }
0x2f: {  	_ =	swait.ge [sflag:s14], $0x100  }
0x30: {  	[sflag:s14] =	ssyncset.done $0x0  }
0x31: {  	[sflag:s14] =	ssyncadd.s32 $0xFFFFFF00  }
0x32: {  	v18 =	vld [tilespmem:$0x0]  }
0x33: {  	v19 =	vld [tilespmem:$0x80]  }
0x34: {  	v21 =	vld [tilespmem:$0x90]  }
0x35: {  	v20 =	vld [tilespmem:$0x10]  }
0x36: {  	v23 =	vld [tilespmem:$0xA0]  }
0x37: {  	v57 =	vld [tilespmem:$0xB0]  }
0x38: {  	v59 =	vld [tilespmem:$0xC0];
	[tilespmem:$0x180] =	vst v19  }
0x39: {  	v61 =	vld [tilespmem:$0xD0];
	v18 =	vadd.s32 v0, v18;
	[tilespmem:$0x190] =	vst v21  }
0x3a: {  	v19 =	vadd.s32 v0, v20;
	[tilespmem:$0x100] =	vst v18;
	v18 =	vld [tilespmem:$0x30]  }
0x3b: {  	[tilespmem:$0x110] =	vst v19;
	v19 =	vld [tilespmem:$0x40]  }
0x3c: {  	v22 =	vld [tilespmem:$0x20];
	[tilespmem:$0x1A0] =	vst v23  }
0x3d: {  	v62 =	vld [tilespmem:$0xE0];
	[tilespmem:$0x1B0] =	vst v57  }
0x3e: {  	v63 =	vld [tilespmem:$0xF0];
	[tilespmem:$0x1C0] =	vst v59  }
0x3f: {  	v60 =	vld [tilespmem:$0x50];
	[tilespmem:$0x1D0] =	vst v61;
	v18 =	vadd.s32 v0, v18  }
0x40: {  	v19 =	vadd.s32 v0, v19;
	[tilespmem:$0x130] =	vst v18;
	v18 =	vld [tilespmem:$0x60]  }
0x41: {  	[tilespmem:$0x140] =	vst v19;
	v19 =	vld [tilespmem:$0x70]  }
0x42: {  	[tilespmem:$0x1E0] =	vst v62  }
0x43: {  	v58 =	vadd.s32 v0, v22;
	[tilespmem:$0x1F0] =	vst v63  }
0x44: {  	v21 =	vadd.s32 v0, v60;
	[tilespmem:$0x120] =	vst v58  }
0x45: {  	[tilespmem:$0x150] =	vst v21;
	v18 =	vadd.s32 v0, v18  }
0x46: {  	[tilespmem:$0x160] =	vst v18;
	v18 =	vadd.s32 v0, v19  }
0x47: {  	[tilespmem:$0x170] =	vst v18  }
0x48: {  	[tilespmem:s17], [sflag:$0x1] =	stream.indirect.gather [hbm4b:s5+s15], $0x50, s16, s15, $0xb8;
	[tilespmem:$0x1B3D0] =	vst v63  }
0x49: {  	_ =	swait.ge [sflag:s18], $0x2800  }
0x4a: {  	[sflag:s18] =	ssyncset.done $0x0  }
0x4b: {  	s24 =	simm.s32 $0x180;
	s23 =	simm.s32 $0x13C0;
	[sflag:s18] =	ssyncadd.s32 $0xFFFFD800  }
.LBB2_4:
0x4c: {  	v18 =	vld [tilespmem:s24+$0x0];
	_ =	sdelay $0x4  }
0x4d: {  	v18 =	vshll.u32 v18, $0x2  }
0x4e: {  	v19 =	vperm.xlane v18, v2;
	_ =	sdelay $0x1  }
0x4f: {  	v19 =	vadd.s32 v3, v19;
	_ =	sdelay $0x2  }
0x50: {  	s25 =	sshra.s32 s23, $0x2  }
0x51: {  	v20 =	vld [tilespmem:s25+$0xFFFFFD10]  }
0x52: {  	v19 =	vld.idx.msk [tilespmem:v19+s13+$0x0], $0xffff;
	_ =	sdelay $0x4  }
0x53: {  	v19 =	vadd.f32 v20, v19;
	_ =	sdelay $0x1  }
0x54: {  	v20 =	vmul.f32 $2.000000030e-01, v19;
	_ =	sdelay $0x1  }
0x55: {  	v19 =	vmax.f32 v19, v20  }
0x56: {  	v19 =	vmul.f32 $1.442695020e+00, v19;
	_ =	sdelay $0x1  }
0x57: {  	(erf) = vpow2.f32 v19;
	_ =	sdelay $0x7  }
0x58: {  	v19 =	vld [tilespmem:s25+$0xFFFFFD20]  }
0x59: {  	v21 =	vld [tilespmem:s25+$0xFFFFFD30];
	v27 =	vpop (erf)  }
0x5a: {  	v24 =	vld [tilespmem:s25+$0xFFFFFD50];
	v20 =	vnsel vm0, $0x0, v27  }
0x5b: {  	v22 =	vld [tilespmem:s25+$0xFFFFFD40];
	v26 =	vperm.xlane v18, v4;
	v23 =	vperm.xlane v20, v2  }
0x5c: {  	v25 =	vperm.xlane v20, v4;
	v28 =	vperm.xlane v20, v1  }
0x5d: {  	[tilespmem:s25+$0x2510] =	vst v20;
	v20 =	vperm.xlane v20, v5;
	v19 =	vmul.f32 v19, v23  }
0x5e: {  	v29 =	vadd.s32 v3, v26;
	v21 =	vmul.f32 v21, v25  }
0x5f: {  	v20 =	vmul.f32 v24, v20;
	[tilespmem:s25+$0x2520] =	vst v19  }
0x60: {  	v19 =	vmul.f32 v22, v28;
	[tilespmem:s25+$0x2530] =	vst v21  }
0x61: {  	[tilespmem:s25+$0x2550] =	vst v20  }
0x62: {  	v30 =	vld [tilespmem:s25+$0xFFFFFD60];
	[tilespmem:s25+$0x2540] =	vst v19  }
0x63: {  	v19 =	vld.idx.msk [tilespmem:v29+s13+$0x0], $0xffff;
	_ =	sdelay $0x4  }
0x64: {  	v19 =	vadd.f32 v30, v19;
	_ =	sdelay $0x1  }
0x65: {  	v20 =	vmul.f32 $2.000000030e-01, v19;
	_ =	sdelay $0x1  }
0x66: {  	v19 =	vmax.f32 v19, v20  }
0x67: {  	v19 =	vmul.f32 $1.442695020e+00, v19;
	_ =	sdelay $0x1  }
0x68: {  	(erf) = vpow2.f32 v19;
	_ =	sdelay $0x7  }
0x69: {  	v19 =	vld [tilespmem:s25+$0xFFFFFD70]  }
0x6a: {  	v32 =	vld [tilespmem:s25+$0xFFFFFD80];
	v31 =	vpop (erf)  }
0x6b: {  	v35 =	vld [tilespmem:s25+$0xFFFFFDA0];
	v20 =	vnsel vm0, $0x0, v31  }
0x6c: {  	v33 =	vld [tilespmem:s25+$0xFFFFFD90];
	v37 =	vperm.xlane v18, v1;
	v34 =	vperm.xlane v20, v2  }
0x6d: {  	v36 =	vperm.xlane v20, v4;
	v38 =	vperm.xlane v20, v1  }
0x6e: {  	[tilespmem:s25+$0x2560] =	vst v20;
	v20 =	vperm.xlane v20, v5;
	v19 =	vmul.f32 v19, v34  }
0x6f: {  	v39 =	vadd.s32 v3, v37;
	v21 =	vmul.f32 v32, v36  }
0x70: {  	v20 =	vmul.f32 v35, v20;
	[tilespmem:s25+$0x2570] =	vst v19  }
0x71: {  	v19 =	vmul.f32 v33, v38;
	[tilespmem:s25+$0x2580] =	vst v21  }
0x72: {  	[tilespmem:s25+$0x25A0] =	vst v20  }
0x73: {  	v40 =	vld [tilespmem:s25+$0xFFFFFDB0];
	[tilespmem:s25+$0x2590] =	vst v19  }
0x74: {  	v19 =	vld.idx.msk [tilespmem:v39+s13+$0x0], $0xffff;
	_ =	sdelay $0x4  }
0x75: {  	v19 =	vadd.f32 v40, v19;
	_ =	sdelay $0x1  }
0x76: {  	v20 =	vmul.f32 $2.000000030e-01, v19;
	_ =	sdelay $0x1  }
0x77: {  	v19 =	vmax.f32 v19, v20  }
0x78: {  	v19 =	vmul.f32 $1.442695020e+00, v19;
	_ =	sdelay $0x1  }
0x79: {  	(erf) = vpow2.f32 v19;
	_ =	sdelay $0x7  }
0x7a: {  	v19 =	vld [tilespmem:s25+$0xFFFFFDC0]  }
0x7b: {  	v42 =	vld [tilespmem:s25+$0xFFFFFDD0];
	v41 =	vpop (erf)  }
0x7c: {  	v45 =	vld [tilespmem:s25+$0xFFFFFDF0];
	v20 =	vnsel vm0, $0x0, v41  }
0x7d: {  	v43 =	vld [tilespmem:s25+$0xFFFFFDE0];
	v47 =	vperm.xlane v18, v5;
	v44 =	vperm.xlane v20, v2  }
0x7e: {  	v46 =	vperm.xlane v20, v4;
	v48 =	vperm.xlane v20, v1  }
0x7f: {  	[tilespmem:s25+$0x25B0] =	vst v20;
	v20 =	vperm.xlane v20, v5;
	v19 =	vmul.f32 v19, v44  }
0x80: {  	v49 =	vadd.s32 v3, v47;
	v21 =	vmul.f32 v42, v46  }
0x81: {  	v20 =	vmul.f32 v45, v20;
	[tilespmem:s25+$0x25C0] =	vst v19  }
0x82: {  	v19 =	vmul.f32 v43, v48;
	[tilespmem:s25+$0x25D0] =	vst v21  }
0x83: {  	[tilespmem:s25+$0x25F0] =	vst v20  }
0x84: {  	v50 =	vld [tilespmem:s25+$0xFFFFFE00];
	[tilespmem:s25+$0x25E0] =	vst v19  }
0x85: {  	v19 =	vld.idx.msk [tilespmem:v49+s13+$0x0], $0xffff;
	_ =	sdelay $0x4  }
0x86: {  	v19 =	vadd.f32 v50, v19;
	_ =	sdelay $0x1  }
0x87: {  	v20 =	vmul.f32 $2.000000030e-01, v19;
	_ =	sdelay $0x1  }
0x88: {  	v19 =	vmax.f32 v19, v20  }
0x89: {  	v19 =	vmul.f32 $1.442695020e+00, v19;
	_ =	sdelay $0x1  }
0x8a: {  	(erf) = vpow2.f32 v19;
	_ =	sdelay $0x7  }
0x8b: {  	v19 =	vld [tilespmem:s25+$0xFFFFFE10]  }
0x8c: {  	v52 =	vld [tilespmem:s25+$0xFFFFFE20];
	v51 =	vpop (erf)  }
0x8d: {  	v55 =	vld [tilespmem:s25+$0xFFFFFE40];
	v20 =	vnsel vm0, $0x0, v51  }
0x8e: {  	v53 =	vld [tilespmem:s25+$0xFFFFFE30];
	v57 =	vperm.xlane v18, v6;
	v54 =	vperm.xlane v20, v2  }
0x8f: {  	v56 =	vperm.xlane v20, v4;
	v58 =	vperm.xlane v20, v1  }
0x90: {  	[tilespmem:s25+$0x2600] =	vst v20;
	v20 =	vperm.xlane v20, v5;
	v19 =	vmul.f32 v19, v54  }
0x91: {  	v59 =	vadd.s32 v3, v57;
	v21 =	vmul.f32 v52, v56  }
0x92: {  	v20 =	vmul.f32 v55, v20;
	[tilespmem:s25+$0x2610] =	vst v19  }
0x93: {  	v19 =	vmul.f32 v53, v58;
	[tilespmem:s25+$0x2620] =	vst v21  }
0x94: {  	[tilespmem:s25+$0x2640] =	vst v20  }
0x95: {  	v60 =	vld [tilespmem:s25+$0xFFFFFE50];
	[tilespmem:s25+$0x2630] =	vst v19  }
0x96: {  	v19 =	vld.idx.msk [tilespmem:v59+s13+$0x0], $0xffff;
	_ =	sdelay $0x4  }
0x97: {  	v19 =	vadd.f32 v60, v19;
	_ =	sdelay $0x1  }
0x98: {  	v20 =	vmul.f32 $2.000000030e-01, v19;
	_ =	sdelay $0x1  }
0x99: {  	v19 =	vmax.f32 v19, v20  }
0x9a: {  	v19 =	vmul.f32 $1.442695020e+00, v19;
	_ =	sdelay $0x1  }
0x9b: {  	(erf) = vpow2.f32 v19;
	_ =	sdelay $0x7  }
0x9c: {  	v19 =	vld [tilespmem:s25+$0xFFFFFE60]  }
0x9d: {  	v62 =	vld [tilespmem:s25+$0xFFFFFE70];
	v61 =	vpop (erf)  }
0x9e: {  	v29 =	vld [tilespmem:s25+$0xFFFFFE90];
	v20 =	vnsel vm0, $0x0, v61  }
0x9f: {  	v63 =	vld [tilespmem:s25+$0xFFFFFE80];
	v31 =	vperm.xlane v18, v7;
	v28 =	vperm.xlane v20, v2  }
0xa0: {  	v30 =	vperm.xlane v20, v4;
	v32 =	vperm.xlane v20, v1  }
0xa1: {  	[tilespmem:s25+$0x2650] =	vst v20;
	v20 =	vperm.xlane v20, v5;
	v19 =	vmul.f32 v19, v28  }
0xa2: {  	v33 =	vadd.s32 v3, v31;
	v21 =	vmul.f32 v62, v30  }
0xa3: {  	v20 =	vmul.f32 v29, v20;
	[tilespmem:s25+$0x2660] =	vst v19  }
0xa4: {  	v19 =	vmul.f32 v63, v32;
	[tilespmem:s25+$0x2670] =	vst v21  }
0xa5: {  	[tilespmem:s25+$0x2690] =	vst v20  }
0xa6: {  	v34 =	vld [tilespmem:s25+$0xFFFFFEA0];
	[tilespmem:s25+$0x2680] =	vst v19  }
0xa7: {  	v19 =	vld.idx.msk [tilespmem:v33+s13+$0x0], $0xffff;
	_ =	sdelay $0x4  }
0xa8: {  	v19 =	vadd.f32 v34, v19;
	_ =	sdelay $0x1  }
0xa9: {  	v20 =	vmul.f32 $2.000000030e-01, v19;
	_ =	sdelay $0x1  }
0xaa: {  	v19 =	vmax.f32 v19, v20  }
0xab: {  	v19 =	vmul.f32 $1.442695020e+00, v19;
	_ =	sdelay $0x1  }
0xac: {  	(erf) = vpow2.f32 v19;
	_ =	sdelay $0x7  }
0xad: {  	v19 =	vld [tilespmem:s25+$0xFFFFFEB0]  }
0xae: {  	v36 =	vld [tilespmem:s25+$0xFFFFFEC0];
	v35 =	vpop (erf)  }
0xaf: {  	v39 =	vld [tilespmem:s25+$0xFFFFFEE0];
	v20 =	vnsel vm0, $0x0, v35  }
0xb0: {  	v37 =	vld [tilespmem:s25+$0xFFFFFED0];
	v41 =	vperm.xlane v18, v8;
	v38 =	vperm.xlane v20, v2  }
0xb1: {  	v40 =	vperm.xlane v20, v4;
	v42 =	vperm.xlane v20, v1  }
0xb2: {  	[tilespmem:s25+$0x26A0] =	vst v20;
	v20 =	vperm.xlane v20, v5;
	v19 =	vmul.f32 v19, v38  }
0xb3: {  	v43 =	vadd.s32 v3, v41;
	v21 =	vmul.f32 v36, v40  }
0xb4: {  	v20 =	vmul.f32 v39, v20;
	[tilespmem:s25+$0x26B0] =	vst v19  }
0xb5: {  	v19 =	vmul.f32 v37, v42;
	[tilespmem:s25+$0x26C0] =	vst v21  }
0xb6: {  	[tilespmem:s25+$0x26E0] =	vst v20  }
0xb7: {  	v44 =	vld [tilespmem:s25+$0xFFFFFEF0];
	[tilespmem:s25+$0x26D0] =	vst v19  }
0xb8: {  	v19 =	vld.idx.msk [tilespmem:v43+s13+$0x0], $0xffff;
	_ =	sdelay $0x4  }
0xb9: {  	v19 =	vadd.f32 v44, v19;
	_ =	sdelay $0x1  }
0xba: {  	v20 =	vmul.f32 $2.000000030e-01, v19;
	_ =	sdelay $0x1  }
0xbb: {  	v19 =	vmax.f32 v19, v20  }
0xbc: {  	v19 =	vmul.f32 $1.442695020e+00, v19;
	_ =	sdelay $0x1  }
0xbd: {  	(erf) = vpow2.f32 v19;
	_ =	sdelay $0x7  }
0xbe: {  	v19 =	vld [tilespmem:s25+$0xFFFFFF00]  }
0xbf: {  	v46 =	vld [tilespmem:s25+$0xFFFFFF10];
	v45 =	vpop (erf)  }
0xc0: {  	v49 =	vld [tilespmem:s25+$0xFFFFFF30];
	v20 =	vnsel vm0, $0x0, v45  }
0xc1: {  	v47 =	vld [tilespmem:s25+$0xFFFFFF20];
	v51 =	vperm.xlane v18, v9;
	v48 =	vperm.xlane v20, v2  }
0xc2: {  	v50 =	vperm.xlane v20, v4;
	v52 =	vperm.xlane v20, v1  }
0xc3: {  	[tilespmem:s25+$0x26F0] =	vst v20;
	v20 =	vperm.xlane v20, v5;
	v19 =	vmul.f32 v19, v48  }
0xc4: {  	v53 =	vadd.s32 v3, v51;
	v21 =	vmul.f32 v46, v50  }
0xc5: {  	v20 =	vmul.f32 v49, v20;
	[tilespmem:s25+$0x2700] =	vst v19  }
0xc6: {  	v19 =	vmul.f32 v47, v52;
	[tilespmem:s25+$0x2710] =	vst v21  }
0xc7: {  	[tilespmem:s25+$0x2730] =	vst v20  }
0xc8: {  	v54 =	vld [tilespmem:s25+$0xFFFFFF40];
	[tilespmem:s25+$0x2720] =	vst v19  }
0xc9: {  	v19 =	vld.idx.msk [tilespmem:v53+s13+$0x0], $0xffff;
	_ =	sdelay $0x4  }
0xca: {  	v19 =	vadd.f32 v54, v19;
	_ =	sdelay $0x1  }
0xcb: {  	v20 =	vmul.f32 $2.000000030e-01, v19;
	_ =	sdelay $0x1  }
0xcc: {  	v19 =	vmax.f32 v19, v20  }
0xcd: {  	v19 =	vmul.f32 $1.442695020e+00, v19;
	_ =	sdelay $0x1  }
0xce: {  	(erf) = vpow2.f32 v19;
	_ =	sdelay $0x7  }
0xcf: {  	v19 =	vld [tilespmem:s25+$0xFFFFFF50]  }
0xd0: {  	v56 =	vld [tilespmem:s25+$0xFFFFFF60];
	v55 =	vpop (erf)  }
0xd1: {  	v59 =	vld [tilespmem:s25+$0xFFFFFF80];
	v20 =	vnsel vm0, $0x0, v55  }
0xd2: {  	v57 =	vld [tilespmem:s25+$0xFFFFFF70];
	v61 =	vperm.xlane v18, v10;
	v58 =	vperm.xlane v20, v2  }
0xd3: {  	v60 =	vperm.xlane v20, v4;
	v62 =	vperm.xlane v20, v1  }
0xd4: {  	[tilespmem:s25+$0x2740] =	vst v20;
	v20 =	vperm.xlane v20, v5;
	v19 =	vmul.f32 v19, v58  }
0xd5: {  	v63 =	vadd.s32 v3, v61;
	v21 =	vmul.f32 v56, v60  }
0xd6: {  	v20 =	vmul.f32 v59, v20;
	[tilespmem:s25+$0x2750] =	vst v19  }
0xd7: {  	v19 =	vmul.f32 v57, v62;
	[tilespmem:s25+$0x2760] =	vst v21  }
0xd8: {  	[tilespmem:s25+$0x2780] =	vst v20  }
0xd9: {  	v26 =	vld [tilespmem:s25+$0xFFFFFF90];
	[tilespmem:s25+$0x2770] =	vst v19  }
0xda: {  	v19 =	vld.idx.msk [tilespmem:v63+s13+$0x0], $0xffff;
	_ =	sdelay $0x4  }
0xdb: {  	v19 =	vadd.f32 v26, v19;
	_ =	sdelay $0x1  }
0xdc: {  	v20 =	vmul.f32 $2.000000030e-01, v19;
	_ =	sdelay $0x1  }
0xdd: {  	v19 =	vmax.f32 v19, v20  }
0xde: {  	v19 =	vmul.f32 $1.442695020e+00, v19;
	_ =	sdelay $0x1  }
0xdf: {  	(erf) = vpow2.f32 v19;
	_ =	sdelay $0x7  }
0xe0: {  	v19 =	vld [tilespmem:s25+$0xFFFFFFA0]  }
0xe1: {  	v28 =	vld [tilespmem:s25+$0xFFFFFFB0];
	v27 =	vpop (erf)  }
0xe2: {  	v31 =	vld [tilespmem:s25+$0xFFFFFFD0];
	v20 =	vnsel vm0, $0x0, v27  }
0xe3: {  	v29 =	vld [tilespmem:s25+$0xFFFFFFC0];
	v33 =	vperm.xlane v18, v11;
	v30 =	vperm.xlane v20, v2  }
0xe4: {  	v32 =	vperm.xlane v20, v4;
	v34 =	vperm.xlane v20, v1  }
0xe5: {  	[tilespmem:s25+$0x2790] =	vst v20;
	v20 =	vperm.xlane v20, v5;
	v19 =	vmul.f32 v19, v30  }
0xe6: {  	v35 =	vadd.s32 v3, v33;
	v21 =	vmul.f32 v28, v32  }
0xe7: {  	v20 =	vmul.f32 v31, v20;
	[tilespmem:s25+$0x27A0] =	vst v19  }
0xe8: {  	v19 =	vmul.f32 v29, v34;
	[tilespmem:s25+$0x27B0] =	vst v21  }
0xe9: {  	[tilespmem:s25+$0x27D0] =	vst v20  }
0xea: {  	v36 =	vld [tilespmem:s25+$0xFFFFFFE0];
	[tilespmem:s25+$0x27C0] =	vst v19  }
0xeb: {  	v19 =	vld.idx.msk [tilespmem:v35+s13+$0x0], $0xffff;
	_ =	sdelay $0x4  }
0xec: {  	v19 =	vadd.f32 v36, v19;
	_ =	sdelay $0x1  }
0xed: {  	v20 =	vmul.f32 $2.000000030e-01, v19;
	_ =	sdelay $0x1  }
0xee: {  	v19 =	vmax.f32 v19, v20  }
0xef: {  	v19 =	vmul.f32 $1.442695020e+00, v19;
	_ =	sdelay $0x1  }
0xf0: {  	(erf) = vpow2.f32 v19;
	_ =	sdelay $0x7  }
0xf1: {  	v19 =	vld [tilespmem:s25+$0xFFFFFFF0]  }
0xf2: {  	v38 =	vld [tilespmem:s25+$0x0];
	v37 =	vpop (erf)  }
0xf3: {  	v41 =	vld [tilespmem:s25+$0x20];
	v20 =	vnsel vm0, $0x0, v37  }
0xf4: {  	v39 =	vld [tilespmem:s25+$0x10];
	v43 =	vperm.xlane v18, v12;
	v40 =	vperm.xlane v20, v2  }
0xf5: {  	v42 =	vperm.xlane v20, v4;
	v44 =	vperm.xlane v20, v1  }
0xf6: {  	[tilespmem:s25+$0x27E0] =	vst v20;
	v20 =	vperm.xlane v20, v5;
	v19 =	vmul.f32 v19, v40  }
0xf7: {  	v45 =	vadd.s32 v3, v43;
	v21 =	vmul.f32 v38, v42  }
0xf8: {  	v20 =	vmul.f32 v41, v20;
	[tilespmem:s25+$0x27F0] =	vst v19  }
0xf9: {  	v19 =	vmul.f32 v39, v44;
	[tilespmem:s25+$0x2800] =	vst v21  }
0xfa: {  	[tilespmem:s25+$0x2820] =	vst v20  }
0xfb: {  	v46 =	vld [tilespmem:s25+$0x30];
	[tilespmem:s25+$0x2810] =	vst v19  }
0xfc: {  	v19 =	vld.idx.msk [tilespmem:v45+s13+$0x0], $0xffff;
	_ =	sdelay $0x4  }
0xfd: {  	v19 =	vadd.f32 v46, v19;
	_ =	sdelay $0x1  }
0xfe: {  	v20 =	vmul.f32 $2.000000030e-01, v19;
	_ =	sdelay $0x1  }
0xff: {  	v19 =	vmax.f32 v19, v20  }
0x100: {  	v19 =	vmul.f32 $1.442695020e+00, v19;
	_ =	sdelay $0x1  }
0x101: {  	(erf) = vpow2.f32 v19;
	_ =	sdelay $0x7  }
0x102: {  	v19 =	vld [tilespmem:s25+$0x40]  }
0x103: {  	v48 =	vld [tilespmem:s25+$0x50];
	v47 =	vpop (erf)  }
0x104: {  	v51 =	vld [tilespmem:s25+$0x70];
	v20 =	vnsel vm0, $0x0, v47  }
0x105: {  	v49 =	vld [tilespmem:s25+$0x60];
	v53 =	vperm.xlane v18, v13;
	v50 =	vperm.xlane v20, v2  }
0x106: {  	v52 =	vperm.xlane v20, v4;
	v54 =	vperm.xlane v20, v1  }
0x107: {  	[tilespmem:s25+$0x2830] =	vst v20;
	v20 =	vperm.xlane v20, v5;
	v19 =	vmul.f32 v19, v50  }
0x108: {  	v55 =	vadd.s32 v3, v53;
	v21 =	vmul.f32 v48, v52  }
0x109: {  	v20 =	vmul.f32 v51, v20;
	[tilespmem:s25+$0x2840] =	vst v19  }
0x10a: {  	v19 =	vmul.f32 v49, v54;
	[tilespmem:s25+$0x2850] =	vst v21  }
0x10b: {  	[tilespmem:s25+$0x2870] =	vst v20  }
0x10c: {  	v56 =	vld [tilespmem:s25+$0x80];
	[tilespmem:s25+$0x2860] =	vst v19  }
0x10d: {  	v19 =	vld.idx.msk [tilespmem:v55+s13+$0x0], $0xffff;
	_ =	sdelay $0x4  }
0x10e: {  	v19 =	vadd.f32 v56, v19;
	_ =	sdelay $0x1  }
0x10f: {  	v20 =	vmul.f32 $2.000000030e-01, v19;
	_ =	sdelay $0x1  }
0x110: {  	v19 =	vmax.f32 v19, v20  }
0x111: {  	v19 =	vmul.f32 $1.442695020e+00, v19;
	_ =	sdelay $0x1  }
0x112: {  	(erf) = vpow2.f32 v19;
	_ =	sdelay $0x7  }
0x113: {  	v19 =	vld [tilespmem:s25+$0x90]  }
0x114: {  	v58 =	vld [tilespmem:s25+$0xA0];
	v57 =	vpop (erf)  }
0x115: {  	v61 =	vld [tilespmem:s25+$0xC0];
	v20 =	vnsel vm0, $0x0, v57  }
0x116: {  	v59 =	vld [tilespmem:s25+$0xB0];
	v63 =	vperm.xlane v18, v14;
	v60 =	vperm.xlane v20, v2  }
0x117: {  	v62 =	vperm.xlane v20, v4;
	v28 =	vperm.xlane v20, v1  }
0x118: {  	[tilespmem:s25+$0x2880] =	vst v20;
	v20 =	vperm.xlane v20, v5;
	v19 =	vmul.f32 v19, v60  }
0x119: {  	v29 =	vadd.s32 v3, v63;
	v21 =	vmul.f32 v58, v62  }
0x11a: {  	v20 =	vmul.f32 v61, v20;
	[tilespmem:s25+$0x2890] =	vst v19  }
0x11b: {  	v19 =	vmul.f32 v59, v28;
	[tilespmem:s25+$0x28A0] =	vst v21  }
0x11c: {  	[tilespmem:s25+$0x28C0] =	vst v20  }
0x11d: {  	v30 =	vld [tilespmem:s25+$0xD0];
	[tilespmem:s25+$0x28B0] =	vst v19  }
0x11e: {  	v19 =	vld.idx.msk [tilespmem:v29+s13+$0x0], $0xffff;
	_ =	sdelay $0x4  }
0x11f: {  	v19 =	vadd.f32 v30, v19;
	_ =	sdelay $0x1  }
0x120: {  	v20 =	vmul.f32 $2.000000030e-01, v19;
	_ =	sdelay $0x1  }
0x121: {  	v19 =	vmax.f32 v19, v20  }
0x122: {  	v19 =	vmul.f32 $1.442695020e+00, v19;
	_ =	sdelay $0x1  }
0x123: {  	(erf) = vpow2.f32 v19;
	_ =	sdelay $0x7  }
0x124: {  	v19 =	vld [tilespmem:s25+$0xE0]  }
0x125: {  	v32 =	vld [tilespmem:s25+$0xF0];
	v31 =	vpop (erf)  }
0x126: {  	v35 =	vld [tilespmem:s25+$0x110];
	v20 =	vnsel vm0, $0x0, v31  }
0x127: {  	v33 =	vld [tilespmem:s25+$0x100];
	v37 =	vperm.xlane v18, v15;
	v34 =	vperm.xlane v20, v2  }
0x128: {  	v36 =	vperm.xlane v20, v4;
	v38 =	vperm.xlane v20, v1  }
0x129: {  	[tilespmem:s25+$0x28D0] =	vst v20;
	v20 =	vperm.xlane v20, v5;
	v19 =	vmul.f32 v19, v34  }
0x12a: {  	v39 =	vadd.s32 v3, v37;
	v21 =	vmul.f32 v32, v36  }
0x12b: {  	v20 =	vmul.f32 v35, v20;
	[tilespmem:s25+$0x28E0] =	vst v19  }
0x12c: {  	v19 =	vmul.f32 v33, v38;
	[tilespmem:s25+$0x28F0] =	vst v21  }
0x12d: {  	[tilespmem:s25+$0x2910] =	vst v20  }
0x12e: {  	v40 =	vld [tilespmem:s25+$0x120];
	[tilespmem:s25+$0x2900] =	vst v19  }
0x12f: {  	v19 =	vld.idx.msk [tilespmem:v39+s13+$0x0], $0xffff;
	_ =	sdelay $0x4  }
0x130: {  	v19 =	vadd.f32 v40, v19;
	_ =	sdelay $0x1  }
0x131: {  	v20 =	vmul.f32 $2.000000030e-01, v19;
	_ =	sdelay $0x1  }
0x132: {  	v19 =	vmax.f32 v19, v20  }
0x133: {  	v19 =	vmul.f32 $1.442695020e+00, v19;
	_ =	sdelay $0x1  }
0x134: {  	(erf) = vpow2.f32 v19;
	_ =	sdelay $0x7  }
0x135: {  	v19 =	vld [tilespmem:s25+$0x130]  }
0x136: {  	v42 =	vld [tilespmem:s25+$0x140];
	v41 =	vpop (erf)  }
0x137: {  	v45 =	vld [tilespmem:s25+$0x160];
	v20 =	vnsel vm0, $0x0, v41  }
0x138: {  	v43 =	vld [tilespmem:s25+$0x150];
	v47 =	vperm.xlane v18, v16;
	v44 =	vperm.xlane v20, v2  }
0x139: {  	v46 =	vperm.xlane v20, v4;
	v48 =	vperm.xlane v20, v1  }
0x13a: {  	[tilespmem:s25+$0x2920] =	vst v20;
	v20 =	vperm.xlane v20, v5;
	v19 =	vmul.f32 v19, v44  }
0x13b: {  	v49 =	vadd.s32 v3, v47;
	v21 =	vmul.f32 v42, v46  }
0x13c: {  	v20 =	vmul.f32 v45, v20;
	[tilespmem:s25+$0x2930] =	vst v19  }
0x13d: {  	v19 =	vmul.f32 v43, v48;
	[tilespmem:s25+$0x2940] =	vst v21  }
0x13e: {  	[tilespmem:s25+$0x2960] =	vst v20  }
0x13f: {  	v50 =	vld [tilespmem:s25+$0x170];
	[tilespmem:s25+$0x2950] =	vst v19  }
0x140: {  	v19 =	vld.idx.msk [tilespmem:v49+s13+$0x0], $0xffff;
	_ =	sdelay $0x4  }
0x141: {  	v19 =	vadd.f32 v50, v19;
	_ =	sdelay $0x1  }
0x142: {  	v20 =	vmul.f32 $2.000000030e-01, v19;
	_ =	sdelay $0x1  }
0x143: {  	v19 =	vmax.f32 v19, v20  }
0x144: {  	v19 =	vmul.f32 $1.442695020e+00, v19;
	_ =	sdelay $0x1  }
0x145: {  	(erf) = vpow2.f32 v19;
	_ =	sdelay $0x7  }
0x146: {  	v19 =	vld [tilespmem:s25+$0x180]  }
0x147: {  	v52 =	vld [tilespmem:s25+$0x190];
	v51 =	vpop (erf)  }
0x148: {  	v55 =	vld [tilespmem:s25+$0x1B0];
	v20 =	vnsel vm0, $0x0, v51  }
0x149: {  	v53 =	vld [tilespmem:s25+$0x1A0];
	v18 =	vperm.xlane v18, v17;
	v54 =	vperm.xlane v20, v2  }
0x14a: {  	v56 =	vperm.xlane v20, v4;
	v57 =	vperm.xlane v20, v1  }
0x14b: {  	[tilespmem:s25+$0x2970] =	vst v20;
	v20 =	vperm.xlane v20, v5;
	v19 =	vmul.f32 v19, v54  }
0x14c: {  	v18 =	vadd.s32 v3, v18;
	v21 =	vmul.f32 v52, v56  }
0x14d: {  	v20 =	vmul.f32 v55, v20;
	[tilespmem:s25+$0x2980] =	vst v19  }
0x14e: {  	v19 =	vmul.f32 v53, v57;
	[tilespmem:s25+$0x2990] =	vst v21  }
0x14f: {  	[tilespmem:s25+$0x29B0] =	vst v20  }
0x150: {  	[tilespmem:s25+$0x29A0] =	vst v19;
	v19 =	vld [tilespmem:s25+$0x1C0]  }
0x151: {  	v18 =	vld.idx.msk [tilespmem:v18+s13+$0x0], $0xffff;
	_ =	sdelay $0x4  }
0x152: {  	v18 =	vadd.f32 v19, v18;
	_ =	sdelay $0x1  }
0x153: {  	v19 =	vmul.f32 $2.000000030e-01, v18;
	_ =	sdelay $0x1  }
0x154: {  	v18 =	vmax.f32 v18, v19  }
0x155: {  	v18 =	vmul.f32 $1.442695020e+00, v18;
	_ =	sdelay $0x1  }
0x156: {  	(erf) = vpow2.f32 v18;
	_ =	sdelay $0x7  }
0x157: {  	v18 =	vld [tilespmem:s25+$0x1D0]  }
0x158: {  	v58 =	vld [tilespmem:s25+$0x1E0];
	v19 =	vpop (erf)  }
0x159: {  	v61 =	vld [tilespmem:s25+$0x200];
	v19 =	vnsel vm0, $0x0, v19  }
0x15a: {  	v59 =	vld [tilespmem:s25+$0x1F0];
	v60 =	vperm.xlane v19, v2  }
0x15b: {  	v62 =	vperm.xlane v19, v4;
	v63 =	vperm.xlane v19, v1  }
0x15c: {  	p0 =	sne.s32 s23, $0x9FC0;
	[tilespmem:s25+$0x29C0] =	vst v19;
	v19 =	vperm.xlane v19, v5;
	v18 =	vmul.f32 v18, v60  }
.Ltmp5:
0x15d: {  	v20 =	vmul.f32 v58, v62;
	(pc) =	sbr.rel @p0 .LBB2_4-.Ltmp5, $4  }
0x15e: {  	v19 =	vmul.f32 v61, v19;
	[tilespmem:s25+$0x29D0] =	vst v18  }
0x15f: {  	v18 =	vmul.f32 v59, v63;
	[tilespmem:s25+$0x29E0] =	vst v20  }
0x160: {  	[tilespmem:s25+$0x2A00] =	vst v19  }
0x161: {  	s24 =	sadd.s32 $0x10, s24;
	s23 =	sadd.s32 $0x1400, s23;
	[tilespmem:s25+$0x29F0] =	vst v18  }
.Ltmp6:
0x162: {  	(pc) =	sbr.rel .LBB2_6-.Ltmp6, $4  }
0x163: {  	[spmem:s2] =	stream.indirect.scatter.add.f32 [tilespmem:s20], [sflag:$0x2], $0x50, s19, s15, $0xb8;
	[tilespmem:$0x1B3D0] =	vst v63  }
0x164: {  	_ =	swait.ge [sflag:s12], $0x2800  }
0x165: {  	[sflag:s12] =	ssyncset.done $0x0  }
0x166: {  	[sflag:s12] =	ssyncadd.s32 $0xFFFFD800  }
.LBB2_8:
0x167: {  	_ =	sfence.sel $0x180000  }
0x168: {  	[bflag:$0x0] =	sbarrier.arrive $0xFFFF  }
0x169: {  	p0 =	sne.s32 s1, $0x0;
	_ =	strace $0x90000047  }
0x16a: {  	s0 =	sadd.s32 @!p0 $0x100000, s0;
	[bflag:$0x2] =	sbarrier.arrive $0xFFFF  }
0x16b: {  	[sflag:s0] =	ssyncadd.tile.s32 @!p0 $0x1;
	_ =	shalt  }
.Lfunc_end2:
_tile_overlayer_lowered:
.L_overlay_start_2:
0x16c: {  	(tag) =	ssettag $0x2  }
0x16d: {  	s0 =	rddreg [dreg:$0x0];
	s2 =	stileid.u32  }
0x16e: {  	s1 =	rddreg [dreg:$0x1];
	p0 =	sne.s32 s2, $0x0  }
0x16f: {  	s3 =	rddreg [dreg:$0x2];
	[bflag:$0x3] =	sbarrier.arrive $0xFFFF;
	s2 =	simm.s32 @!p0 $0x1C02  }
0x170: {  	[timem:s3], [sflag:s2] =	dma.local @!p0 [hbm:s0], s1  }
0x171: {  	s0 =	simm.s32 @!p0 $0x2  }
0x172: {  	_ =	swait.ge @!p0 [sflag:s0], s1  }
0x173: {  	s1 =	ssub.s32 @!p0 $0x0, s1;
	[sflag:s0] =	ssyncset.done @!p0 $0x0  }
0x174: {  	[sflag:s0] =	ssyncadd.s32 @!p0 s1  }
0x175: {  	[bflag:$0x3] =	sbarrier.arrive $0xFFFF  }
0x176: {  	_ =	shalt  }

</sc_bundles>
